<compile_context>
chip_gen: v7x
topology: tpu7x:2x2x1
jax: 0.10.2.dev20260603
libtpu: 0.0.44.dev20260713+nightly
codegen_flags: <defaults>
</compile_context>

<pallas_src>
import dataclasses
import functools

import jax
import jax.numpy as jnp
from jax import lax
from jax.experimental import pallas as pl
from jax.experimental.pallas import tpu as pltpu
from jax.experimental.pallas import tpu_sc as plsc

N_NODES = 10000
N_EDGES = 5000
NNZ = 640000
DIM = 128

NUM_CORES = 2
NUM_SUBCORES = 16
NW = NUM_CORES * NUM_SUBCORES
CPW = DIM // NW
LANES = 16

CHUNK = 4000
NCHUNK = NNZ // CHUNK

_MESH = plsc.VectorSubcoreMesh(
    core_axis_name="c", subcore_axis_name="s",
    num_cores=NUM_CORES, num_subcores=NUM_SUBCORES)

_SC_PARAMS = pltpu.CompilerParams()
if "needs_layout_passes" in pltpu.CompilerParams.__dataclass_fields__:
    _SC_PARAMS = dataclasses.replace(_SC_PARAMS, needs_layout_passes=False)


def _sc_aggregate(xt, nid, eid):

    @functools.partial(
        pl.kernel,
        out_type=jax.ShapeDtypeStruct((NW, N_NODES * CPW), jnp.float32),
        mesh=_MESH,
        compiler_params=_SC_PARAMS,
        scratch_types=[
            pltpu.VMEM((N_NODES * CPW,), jnp.float32),
            pltpu.VMEM((N_EDGES * CPW,), jnp.float32),
            pltpu.VMEM((N_NODES * CPW,), jnp.float32),
        ],
    )
    def agg_kernel(xt_hbm, nid_hbm, eid_hbm, out_hbm, xl, eacc, nacc):
        wid = lax.axis_index("s") * NUM_CORES + lax.axis_index("c")

        pltpu.sync_copy(xt_hbm.at[wid], xl)

        zero = jnp.zeros((LANES,), jnp.float32)

        @pl.loop(0, N_EDGES * CPW, step=LANES)
        def _(i):
            eacc[pl.ds(i, LANES)] = zero

        @pl.loop(0, N_NODES * CPW, step=LANES)
        def _(i):
            nacc[pl.ds(i, LANES)] = zero

        def pass_a_body(nbuf, ebuf):
            @plsc.parallel_loop(0, CHUNK, step=LANES, unroll=4)
            def _(i):
                bn = nbuf[pl.ds(i, LANES)]
                be = ebuf[pl.ds(i, LANES)]
                vs = [plsc.load_gather(xl, [bn + col * N_NODES])
                      for col in range(CPW)]
                for col in range(CPW):
                    plsc.addupdate_scatter(eacc, [be + col * N_EDGES], vs[col])

        pltpu.emit_pipeline(
            pass_a_body,
            grid=(NCHUNK,),
            in_specs=[pl.BlockSpec((CHUNK,), lambda i: (i,)),
                      pl.BlockSpec((CHUNK,), lambda i: (i,))],
            out_specs=[],
        )(nid_hbm, eid_hbm)

        def pass_b_body(nbuf, ebuf):
            @plsc.parallel_loop(0, CHUNK, step=LANES, unroll=4)
            def _(i):
                bn = nbuf[pl.ds(i, LANES)]
                be = ebuf[pl.ds(i, LANES)]
                vs = [plsc.load_gather(eacc, [be + col * N_EDGES])
                      for col in range(CPW)]
                for col in range(CPW):
                    plsc.addupdate_scatter(nacc, [bn + col * N_NODES], vs[col])

        pltpu.emit_pipeline(
            pass_b_body,
            grid=(NCHUNK,),
            in_specs=[pl.BlockSpec((CHUNK,), lambda i: (i,)),
                      pl.BlockSpec((CHUNK,), lambda i: (i,))],
            out_specs=[],
        )(nid_hbm, eid_hbm)

        pltpu.sync_copy(nacc, out_hbm.at[wid])

    return agg_kernel(xt, nid, eid)


def _mm_body(x_ref, agg_ref, nnb_ref, nepn_ref, wt_ref, wb_ref, o_ref):
    s = (1.0 / nnb_ref[...]) * (1.0 / nepn_ref[...])
    a = agg_ref[...] * s
    h = jnp.dot(x_ref[...], wt_ref[...], preferred_element_type=jnp.float32)
    h = h + jnp.dot(a, wb_ref[...], preferred_element_type=jnp.float32)
    o_ref[...] = jnp.where(h >= 0, h, h * 0.01)


_ROWS_BLK = 1000


def _tc_layer(x, agg, nnb, nepn, W):
    wt = W[:DIM]
    wb = W[DIM:]
    grid = (N_NODES // _ROWS_BLK,)
    return pl.pallas_call(
        _mm_body,
        grid=grid,
        in_specs=[
            pl.BlockSpec((_ROWS_BLK, DIM), lambda i: (i, 0)),
            pl.BlockSpec((_ROWS_BLK, DIM), lambda i: (i, 0)),
            pl.BlockSpec((_ROWS_BLK, 1), lambda i: (i, 0)),
            pl.BlockSpec((_ROWS_BLK, 1), lambda i: (i, 0)),
            pl.BlockSpec((DIM, DIM), lambda i: (0, 0)),
            pl.BlockSpec((DIM, DIM), lambda i: (0, 0)),
        ],
        out_specs=pl.BlockSpec((_ROWS_BLK, DIM), lambda i: (i, 0)),
        out_shape=jax.ShapeDtypeStruct((N_NODES, DIM), jnp.float32),
    )(x, agg, nnb, nepn, wt, wb)


def kernel(node_feat, node_ids, edge_ids, num_nodes_per_edge,
           num_edges_per_node, num_neighbors, W0, W1):
    del num_nodes_per_edge
    nid = node_ids.astype(jnp.int32)
    eid = edge_ids.astype(jnp.int32)
    nnb = num_neighbors.reshape(N_NODES, 1)
    nepn = num_edges_per_node.reshape(N_NODES, 1)

    x = node_feat
    for W in (W0, W1):
        xt = x.reshape(N_NODES, NW, CPW).transpose(1, 2, 0).reshape(NW, N_NODES * CPW)
        aggt = _sc_aggregate(xt, nid, eid)
        agg = aggt.reshape(NW, CPW, N_NODES).transpose(2, 0, 1).reshape(N_NODES, DIM)
        x = _tc_layer(x, agg, nnb, nepn, W)
    return x

# --- scband reference (transcript-rebuilt; emitter-appended) ---
"""Pipeline reference for scband-hyper-sage-77644418777152 (READ-ONLY COPY).

The authoritative reference and input builder live on the scoring server;
editing this copy changes nothing except your own understanding.
"""

import jax, jax.numpy as jnp
import numpy as np

N_NODES = 10000
N_HYPEREDGES = 5000
NNZ = 640000
IN_DIM = 128
HIDDEN_DIM = 128
OUT_DIM = 128


def setup_inputs(seed: int = 0):
    key = jax.random.key(seed)
    k1, k2, k3, k4, k5 = jax.random.split(key, 5)
    node_feat = jax.random.normal(k1, (N_NODES, IN_DIM), dtype=jnp.float32)
    node_ids = jax.random.randint(k2, (NNZ,), 0, N_NODES)
    edge_ids = jax.random.randint(k3, (NNZ,), 0, N_HYPEREDGES)
    ones = jnp.ones((NNZ,), dtype=jnp.float32)
    # precomputed graph attributes (as produced by HyperSAGE.initialize)
    num_nodes_per_edge = jnp.maximum(jax.ops.segment_sum(ones, edge_ids, num_segments=N_HYPEREDGES), 1.0)
    num_edges_per_node = jnp.maximum(jax.ops.segment_sum(ones, node_ids, num_segments=N_NODES), 1.0)
    num_neighbors = jnp.maximum(num_edges_per_node * jnp.mean(num_nodes_per_edge), 1.0)

    def xavier(k, shape):
        bound = float(np.sqrt(6.0 / (shape[0] + shape[1])))
        return jax.random.uniform(k, shape, dtype=jnp.float32, minval=-bound, maxval=bound)

    W0 = xavier(k4, (2 * IN_DIM, HIDDEN_DIM))
    W1 = xavier(k5, (2 * HIDDEN_DIM, OUT_DIM))
    return {
        "node_feat": node_feat,
        "node_ids": node_ids,
        "edge_ids": edge_ids,
        "num_nodes_per_edge": num_nodes_per_edge,
        "num_edges_per_node": num_edges_per_node,
        "num_neighbors": num_neighbors,
        "W0": W0,
        "W1": W1,
    }


def reference(node_feat, node_ids, edge_ids, num_nodes_per_edge, num_edges_per_node, num_neighbors, W0, W1):
    # Full-batch HyperSAGE: every layer tgt_idx == src_idx == all nodes, map_dict == identity.
    def aggregate(x):
        # spmm(edge_cardinality_inv, spmm(edge_agg_mtx, x)): gather node feats onto hyperedges, normalize by cardinality
        edge_emb = jax.ops.segment_sum(x[node_ids], edge_ids, num_segments=N_HYPEREDGES)
        edge_emb = edge_emb * (1.0 / num_nodes_per_edge)[:, None]
        # spmm(tgt_by_edge, edge_cardinality) @ edge_emb: scale columns by cardinality, scatter back to nodes
        scaled = edge_emb * num_nodes_per_edge[:, None]
        agg = jax.ops.segment_sum(scaled[edge_ids], node_ids, num_segments=N_NODES)
        # num_edge_inv @ (num_neighbor_inv @ ...)
        agg = agg * (1.0 / num_neighbors)[:, None]
        agg = agg * (1.0 / num_edges_per_node)[:, None]
        return agg

    x = node_feat
    for W in (W0, W1):
        a = aggregate(x)
        h = jnp.concatenate([x, a], axis=1)  # hstack([node_feat[tgt_index], neighbor_agg_emb])
        # dropout(p=0.0) is identity at eval time
        x = jax.nn.leaky_relu(h @ W, negative_slope=0.01)
    return x

if __name__ == "__main__":
    import jax
    _d = setup_inputs()
    print(jax.jit(kernel)(*tuple(_d.values())))

</pallas_src>

<mosaic_0001>
#map = affine_map<(d0, d1) -> (0, 0)>
#map1 = affine_map<(d0, d1) -> (0)>
module attributes {stable_mosaic.version = 14 : i64} {
  func.func @agg_kernel(%arg0: i32, %arg1: i32, %arg2: memref<32x40000xf32, #tpu.memory_space<hbm>>, %arg3: memref<640000xi32, #tpu.memory_space<hbm>>, %arg4: memref<640000xi32, #tpu.memory_space<hbm>>, %arg5: memref<32x40000xf32, #tpu.memory_space<hbm>>, %arg6: memref<40000xf32, #tpu.memory_space<vmem>>, %arg7: memref<20000xf32, #tpu.memory_space<vmem>>, %arg8: memref<40000xf32, #tpu.memory_space<vmem>>) attributes {dimension_semantics = [#tpu.dimension_semantics<core_parallel>, #tpu.dimension_semantics<subcore_parallel>], iteration_bounds = array<i64: 2, 16>, scalar_prefetch = 0 : i64, scratch_operands = 3 : i64, tpu.core_type = #tpu.core_type<sc_vector_subcore>, window_params = [{transform_indices = #map}, {transform_indices = #map1}, {transform_indices = #map1}, {transform_indices = #map}]} {
    %mul3A = arith.constant 2 : i32
    %mul3A_0 = arith.muli %arg1, %mul3A : i32
    %add3A = arith.addi %mul3A_0, %arg0 : i32
    "tpu.region"() ({
      %run_scoped3A = tpu.sem_alloc : memref<!tpu.dma_semaphore, #tpu.memory_space<semaphore_mem>>
      %dma_start3A = arith.constant 0 : i32
      %dma_start3A_11 = tpu.memref_slice %arg2[%add3A, %dma_start3A] : memref<32x40000xf32, #tpu.memory_space<hbm>> -> memref<1x40000xf32, #tpu.memory_space<hbm>>
      %dma_start3A_12 = tpu.memref_squeeze %dma_start3A_11 : memref<1x40000xf32, #tpu.memory_space<hbm>> -> memref<40000xf32, #tpu.memory_space<hbm>>
      %dma_start3A_13 = arith.constant 0 : i32
      %dma_start3A_14 = tpu.memref_slice %arg2[%add3A, %dma_start3A_13] : memref<32x40000xf32, #tpu.memory_space<hbm>> -> memref<1x40000xf32, #tpu.memory_space<hbm>>
      %dma_start3A_15 = tpu.memref_squeeze %dma_start3A_14 : memref<1x40000xf32, #tpu.memory_space<hbm>> -> memref<40000xf32, #tpu.memory_space<hbm>>
      tpu.enqueue_dma source(%dma_start3A_15 : memref<40000xf32, #tpu.memory_space<hbm>>) target(%arg6 : memref<40000xf32, #tpu.memory_space<vmem>>) target_semaphore(%run_scoped3A : memref<!tpu.dma_semaphore, #tpu.memory_space<semaphore_mem>>)
      %dma_wait3A = arith.constant 0 : i32
      %dma_wait3A_16 = tpu.memref_slice %arg2[%add3A, %dma_wait3A] : memref<32x40000xf32, #tpu.memory_space<hbm>> -> memref<1x40000xf32, #tpu.memory_space<hbm>>
      %dma_wait3A_17 = tpu.memref_squeeze %dma_wait3A_16 : memref<1x40000xf32, #tpu.memory_space<hbm>> -> memref<40000xf32, #tpu.memory_space<hbm>>
      %dma_wait3A_18 = arith.constant 0 : i32
      %dma_wait3A_19 = tpu.memref_slice %arg2[%add3A, %dma_wait3A_18] : memref<32x40000xf32, #tpu.memory_space<hbm>> -> memref<1x40000xf32, #tpu.memory_space<hbm>>
      %dma_wait3A_20 = tpu.memref_squeeze %dma_wait3A_19 : memref<1x40000xf32, #tpu.memory_space<hbm>> -> memref<40000xf32, #tpu.memory_space<hbm>>
      tpu.wait_dma2 semaphore(%run_scoped3A : memref<!tpu.dma_semaphore, #tpu.memory_space<semaphore_mem>>) src(%dma_wait3A_20 : memref<40000xf32, #tpu.memory_space<hbm>>) dst(%arg6 : memref<40000xf32, #tpu.memory_space<vmem>>)
      tpu.yield
    }) : () -> ()
    %broadcast_in_dim3A = arith.constant 0.000000e+00 : f32
    %broadcast_in_dim3A_1 = vector.broadcast %broadcast_in_dim3A : f32 to vector<16xf32>
    %scan3A = arith.constant 0 : i32
    %scan3A_2 = arith.constant 1250 : i32
    %scan3A_3 = arith.addi %scan3A, %scan3A_2 : i32
    %scan3A_4 = arith.constant 1 : i32
    scf.for %scan3A_11 = %scan3A to %scan3A_3 step %scan3A_4  : i32 {
      %mul3A_12 = arith.constant 16 : i32
      %mul3A_13 = arith.muli %scan3A_11, %mul3A_12 : i32
      %add3A_14 = arith.constant 0 : i32
      %add3A_15 = arith.addi %add3A_14, %mul3A_13 : i32
      %swap3A = arith.index_cast %add3A_15 : i32 to index
      %swap3A_16 = tpu.vector_load %arg7[%swap3A] {strides = array<i32>} : memref<20000xf32, #tpu.memory_space<vmem>>, vector<16xf32>,
      tpu.vector_store %arg7[%swap3A], %broadcast_in_dim3A_1 {strides = array<i32>} : memref<20000xf32, #tpu.memory_space<vmem>>, vector<16xf32>,
    }
    %scan3A_5 = arith.constant 1250 : i32
    %scan3A_6 = arith.constant 0 : i32
    %scan3A_7 = arith.constant 2500 : i32
    %scan3A_8 = arith.addi %scan3A_6, %scan3A_7 : i32
    %scan3A_9 = arith.constant 1 : i32
    scf.for %scan3A_11 = %scan3A_6 to %scan3A_8 step %scan3A_9  : i32 {
      %mul3A_12 = arith.constant 16 : i32
      %mul3A_13 = arith.muli %scan3A_11, %mul3A_12 : i32
      %add3A_14 = arith.constant 0 : i32
      %add3A_15 = arith.addi %add3A_14, %mul3A_13 : i32
      %swap3A = arith.index_cast %add3A_15 : i32 to index
      %swap3A_16 = tpu.vector_load %arg8[%swap3A] {strides = array<i32>} : memref<40000xf32, #tpu.memory_space<vmem>>, vector<16xf32>,
      tpu.vector_store %arg8[%swap3A], %broadcast_in_dim3A_1 {strides = array<i32>} : memref<40000xf32, #tpu.memory_space<vmem>>, vector<16xf32>,
    }
    %scan3A_10 = arith.constant 2500 : i32
    "tpu.region"() ({
      %run_scoped3A = memref.alloca() : memref<8000xi32, #tpu.memory_space<vmem>>
      %run_scoped3A_11 = tpu.sem_alloc : memref<2x!tpu.dma_semaphore, #tpu.memory_space<semaphore_mem>>
      %run_scoped3A_12 = memref.alloca() : memref<8000xi32, #tpu.memory_space<vmem>>
      %run_scoped3A_13 = tpu.sem_alloc : memref<2x!tpu.dma_semaphore, #tpu.memory_space<semaphore_mem>>
      %select_n3A = arith.constant true
      %select_n3A_14 = arith.constant 0 : i32
      %select_n3A_15 = arith.constant -1 : i32
      %select_n3A_16 = arith.select %select_n3A, %select_n3A_15, %select_n3A_14 : i32
      %eq3A = arith.constant -1 : i32
      %eq3A_17 = arith.cmpi eq, %select_n3A_16, %eq3A : i32
      %select_n3A_18 = arith.constant 159 : i32
      %select_n3A_19 = arith.select %eq3A_17, %select_n3A_18, %select_n3A_16 : i32
      %add3A_20 = arith.constant 0 : i32
      %add3A_21 = arith.addi %select_n3A_19, %add3A_20 : i32
      %select_n3A_22 = arith.constant true
      %select_n3A_23 = arith.constant 0 : i32
      %select_n3A_24 = arith.constant 1 : i32
      %select_n3A_25 = arith.select %select_n3A_22, %select_n3A_24, %select_n3A_23 : i32
      %eq3A_26 = arith.constant 160 : i32
      %eq3A_27 = arith.cmpi eq, %select_n3A_25, %eq3A_26 : i32
      %select_n3A_28 = arith.constant 0 : i32
      %select_n3A_29 = arith.select %eq3A_27, %select_n3A_28, %select_n3A_25 : i32
      %add3A_30 = arith.constant 0 : i32
      %add3A_31 = arith.addi %select_n3A_29, %add3A_30 : i32
      %add3A_32 = arith.constant 1 : i32
      %add3A_33 = arith.addi %select_n3A_29, %add3A_32 : i32
      %select_n3A_34 = arith.constant true
      %select_n3A_35 = arith.select %select_n3A_34, %add3A_33, %select_n3A_29 : i32
      %eq3A_36 = arith.constant 160 : i32
      %eq3A_37 = arith.cmpi eq, %select_n3A_35, %eq3A_36 : i32
      %select_n3A_38 = arith.constant 0 : i32
      %select_n3A_39 = arith.select %eq3A_37, %select_n3A_38, %select_n3A_35 : i32
      %add3A_40 = arith.constant 0 : i32
      %add3A_41 = arith.addi %select_n3A_39, %add3A_40 : i32
      "tpu.trace_start"() <{level = 10 : i32, message = "ep_initialize_0"}> : () -> ()
      %rem3A = arith.constant 0 : i32
      %rem3A_42 = arith.constant 2 : i32
      %rem3A_43 = arith.remui %rem3A, %rem3A_42 : i32
      %mul3A_44 = arith.constant 4000 : i32
      %mul3A_45 = arith.muli %rem3A_43, %mul3A_44 : i32
      %add3A_46 = arith.constant 0 : i32
      %add3A_47 = arith.addi %mul3A_45, %add3A_46 : i32
      %dma_start3A = tpu.memref_slice %run_scoped3A[%add3A_47] : memref<8000xi32, #tpu.memory_space<vmem>> -> memref<4000xi32, #tpu.memory_space<vmem>>
      %dma_start3A_48 = arith.constant 0 : i32
      %dma_start3A_49 = tpu.memref_slice %arg3[%dma_start3A_48] : memref<640000xi32, #tpu.memory_space<hbm>> -> memref<4000xi32, #tpu.memory_space<hbm>>
      %dma_start3A_50 = tpu.memref_slice %run_scoped3A_11[%rem3A_43] : memref<2x!tpu.dma_semaphore, #tpu.memory_space<semaphore_mem>> -> memref<1x!tpu.dma_semaphore, #tpu.memory_space<semaphore_mem>>
      %dma_start3A_51 = tpu.memref_squeeze %dma_start3A_50 : memref<1x!tpu.dma_semaphore, #tpu.memory_space<semaphore_mem>> -> memref<!tpu.dma_semaphore, #tpu.memory_space<semaphore_mem>>
      %dma_start3A_52 = tpu.memref_slice %run_scoped3A[%add3A_47] : memref<8000xi32, #tpu.memory_space<vmem>> -> memref<4000xi32, #tpu.memory_space<vmem>>
      %dma_start3A_53 = arith.constant 0 : i32
      %dma_start3A_54 = tpu.memref_slice %arg3[%dma_start3A_53] : memref<640000xi32, #tpu.memory_space<hbm>> -> memref<4000xi32, #tpu.memory_space<hbm>>
      tpu.enqueue_dma source(%dma_start3A_54 : memref<4000xi32, #tpu.memory_space<hbm>>) target(%dma_start3A_52 : memref<4000xi32, #tpu.memory_space<vmem>>) target_semaphore(%dma_start3A_51 : memref<!tpu.dma_semaphore, #tpu.memory_space<semaphore_mem>>)
      %add3A_55 = arith.constant 0 : i32
      %add3A_56 = arith.constant 1 : i32
      %add3A_57 = arith.addi %add3A_55, %add3A_56 : i32
      %select_n3A_58 = arith.constant true
      %select_n3A_59 = arith.constant 0 : i32
      %select_n3A_60 = arith.select %select_n3A_58, %add3A_57, %select_n3A_59 : i32
      %rem3A_61 = arith.constant 0 : i32
      %rem3A_62 = arith.constant 2 : i32
      %rem3A_63 = arith.remui %rem3A_61, %rem3A_62 : i32
      %mul3A_64 = arith.constant 4000 : i32
      %mul3A_65 = arith.muli %rem3A_63, %mul3A_64 : i32
      %add3A_66 = arith.constant 0 : i32
      %add3A_67 = arith.addi %mul3A_65, %add3A_66 : i32
      %dma_start3A_68 = tpu.memref_slice %run_scoped3A_12[%add3A_67] : memref<8000xi32, #tpu.memory_space<vmem>> -> memref<4000xi32, #tpu.memory_space<vmem>>
      %dma_start3A_69 = arith.constant 0 : i32
      %dma_start3A_70 = tpu.memref_slice %arg4[%dma_start3A_69] : memref<640000xi32, #tpu.memory_space<hbm>> -> memref<4000xi32, #tpu.memory_space<hbm>>
      %dma_start3A_71 = tpu.memref_slice %run_scoped3A_13[%rem3A_63] : memref<2x!tpu.dma_semaphore, #tpu.memory_space<semaphore_mem>> -> memref<1x!tpu.dma_semaphore, #tpu.memory_space<semaphore_mem>>
      %dma_start3A_72 = tpu.memref_squeeze %dma_start3A_71 : memref<1x!tpu.dma_semaphore, #tpu.memory_space<semaphore_mem>> -> memref<!tpu.dma_semaphore, #tpu.memory_space<semaphore_mem>>
      %dma_start3A_73 = tpu.memref_slice %run_scoped3A_12[%add3A_67] : memref<8000xi32, #tpu.memory_space<vmem>> -> memref<4000xi32, #tpu.memory_space<vmem>>
      %dma_start3A_74 = arith.constant 0 : i32
      %dma_start3A_75 = tpu.memref_slice %arg4[%dma_start3A_74] : memref<640000xi32, #tpu.memory_space<hbm>> -> memref<4000xi32, #tpu.memory_space<hbm>>
      tpu.enqueue_dma source(%dma_start3A_75 : memref<4000xi32, #tpu.memory_space<hbm>>) target(%dma_start3A_73 : memref<4000xi32, #tpu.memory_space<vmem>>) target_semaphore(%dma_start3A_72 : memref<!tpu.dma_semaphore, #tpu.memory_space<semaphore_mem>>)
      %add3A_76 = arith.constant 0 : i32
      %add3A_77 = arith.constant 1 : i32
      %add3A_78 = arith.addi %add3A_76, %add3A_77 : i32
      %select_n3A_79 = arith.constant true
      %select_n3A_80 = arith.constant 0 : i32
      %select_n3A_81 = arith.select %select_n3A_79, %add3A_78, %select_n3A_80 : i32
      "tpu.trace_stop"() : () -> ()
      %scan3A_82 = arith.constant 0 : i32
      %scan3A_83 = arith.constant 0 : i32
      %scan3A_84 = arith.constant 0 : i32
      %scan3A_85 = arith.constant 0 : i32
      %scan3A_86 = arith.constant 160 : i32
      %scan3A_87 = arith.addi %scan3A_85, %scan3A_86 : i32
      %scan3A_88 = arith.constant 1 : i32
      %scan3A_89:5 = scf.for %scan3A_130 = %scan3A_85 to %scan3A_87 step %scan3A_88 iter_args(%scan3A_131 = %select_n3A_60, %scan3A_132 = %scan3A_82, %scan3A_133 = %select_n3A_81, %scan3A_134 = %scan3A_83, %scan3A_135 = %scan3A_84) -> (i32, i32, i32, i32, i32)  : i32 {
        %eq3A_136 = arith.constant 0 : i32
        %eq3A_137 = arith.cmpi eq, %scan3A_130, %eq3A_136 : i32
        %eq3A_138 = arith.constant 159 : i32
        %eq3A_139 = arith.cmpi eq, %scan3A_130, %eq3A_138 : i32
        %add3A_140 = arith.constant 0 : i32
        %add3A_141 = arith.addi %scan3A_135, %add3A_140 : i32
        %sub3A_142 = arith.constant 1 : i32
        %sub3A_143 = arith.subi %scan3A_135, %sub3A_142 : i32
        %select_n3A_144 = arith.constant true
        %select_n3A_145 = arith.select %select_n3A_144, %sub3A_143, %scan3A_135 : i32
        %eq3A_146 = arith.constant -1 : i32
        %eq3A_147 = arith.cmpi eq, %select_n3A_145, %eq3A_146 : i32
        %select_n3A_148 = arith.constant 159 : i32
        %select_n3A_149 = arith.select %eq3A_147, %select_n3A_148, %select_n3A_145 : i32
        %add3A_150 = arith.constant 0 : i32
        %add3A_151 = arith.addi %select_n3A_149, %add3A_150 : i32
        %add3A_152 = arith.constant 1 : i32
        %add3A_153 = arith.addi %scan3A_135, %add3A_152 : i32
        %select_n3A_154 = arith.constant true
        %select_n3A_155 = arith.select %select_n3A_154, %add3A_153, %scan3A_135 : i32
        %eq3A_156 = arith.constant 160 : i32
        %eq3A_157 = arith.cmpi eq, %select_n3A_155, %eq3A_156 : i32
        %select_n3A_158 = arith.constant 0 : i32
        %select_n3A_159 = arith.select %eq3A_157, %select_n3A_158, %select_n3A_155 : i32
        %add3A_160 = arith.constant 0 : i32
        %add3A_161 = arith.addi %select_n3A_159, %add3A_160 : i32
        %add3A_162 = arith.constant 1 : i32
        %add3A_163 = arith.addi %select_n3A_159, %add3A_162 : i32
        %select_n3A_164 = arith.constant true
        %select_n3A_165 = arith.select %select_n3A_164, %add3A_163, %select_n3A_159 : i32
        %eq3A_166 = arith.constant 160 : i32
        %eq3A_167 = arith.cmpi eq, %select_n3A_165, %eq3A_166 : i32
        %select_n3A_168 = arith.constant 0 : i32
        %select_n3A_169 = arith.select %eq3A_167, %select_n3A_168, %select_n3A_165 : i32
        %add3A_170 = arith.constant 0 : i32
        %add3A_171 = arith.addi %select_n3A_169, %add3A_170 : i32
        %ne3A = arith.cmpi ne, %add3A_141, %add3A_161 : i32
        %or3A = arith.constant false
        %or3A_172 = arith.ori %or3A, %ne3A : i1
        %ge3A = arith.constant 159 : i32
        %ge3A_173 = arith.cmpi sge, %scan3A_130, %ge3A : i32
        %not3A = arith.constant true
        %not3A_174 = arith.xori %ge3A_173, %not3A : i1
        %and3A = arith.andi %or3A_172, %not3A_174 : i1
        %convert_element_type3A = arith.extui %and3A : i1 to i32
        %cond3A = arith.constant 0 : i32
        %cond3A_175 = arith.cmpi ne, %convert_element_type3A, %cond3A : i32
        scf.if %cond3A_175 {
          "tpu.trace_start"() <{level = 10 : i32, message = "ep_copy_in"}> : () -> ()
          %rem3A_283 = arith.constant 2 : i32
          %rem3A_284 = arith.remui %scan3A_131, %rem3A_283 : i32
          %mul3A_285 = arith.constant 4000 : i32
          %mul3A_286 = arith.muli %mul3A_285, %add3A_161 : i32
          %mul3A_287 = arith.constant 4000 : i32
          %mul3A_288 = arith.muli %rem3A_284, %mul3A_287 : i32
          %add3A_289 = arith.constant 0 : i32
          %add3A_290 = arith.addi %mul3A_288, %add3A_289 : i32
          %dma_start3A_291 = tpu.memref_slice %run_scoped3A[%add3A_290] : memref<8000xi32, #tpu.memory_space<vmem>> -> memref<4000xi32, #tpu.memory_space<vmem>>
          %dma_start3A_292 = tpu.memref_slice %arg3[%mul3A_286] : memref<640000xi32, #tpu.memory_space<hbm>> -> memref<4000xi32, #tpu.memory_space<hbm>>
          %dma_start3A_293 = tpu.memref_slice %run_scoped3A_11[%rem3A_284] : memref<2x!tpu.dma_semaphore, #tpu.memory_space<semaphore_mem>> -> memref<1x!tpu.dma_semaphore, #tpu.memory_space<semaphore_mem>>
          %dma_start3A_294 = tpu.memref_squeeze %dma_start3A_293 : memref<1x!tpu.dma_semaphore, #tpu.memory_space<semaphore_mem>> -> memref<!tpu.dma_semaphore, #tpu.memory_space<semaphore_mem>>
          %dma_start3A_295 = tpu.memref_slice %run_scoped3A[%add3A_290] : memref<8000xi32, #tpu.memory_space<vmem>> -> memref<4000xi32, #tpu.memory_space<vmem>>
          %dma_start3A_296 = tpu.memref_slice %arg3[%mul3A_286] : memref<640000xi32, #tpu.memory_space<hbm>> -> memref<4000xi32, #tpu.memory_space<hbm>>
          tpu.enqueue_dma source(%dma_start3A_296 : memref<4000xi32, #tpu.memory_space<hbm>>) target(%dma_start3A_295 : memref<4000xi32, #tpu.memory_space<vmem>>) target_semaphore(%dma_start3A_294 : memref<!tpu.dma_semaphore, #tpu.memory_space<semaphore_mem>>)
          "tpu.trace_stop"() : () -> ()
        } else {
        }
        %and3A_176 = arith.constant true
        %and3A_177 = arith.andi %and3A, %and3A_176 : i1
        %add3A_178 = arith.constant 1 : i32
        %add3A_179 = arith.addi %scan3A_131, %add3A_178 : i32
        %select_n3A_180 = arith.select %and3A_177, %add3A_179, %scan3A_131 : i32
        %ne3A_181 = arith.cmpi ne, %add3A_141, %add3A_161 : i32
        %or3A_182 = arith.constant false
        %or3A_183 = arith.ori %or3A_182, %ne3A_181 : i1
        %ge3A_184 = arith.constant 159 : i32
        %ge3A_185 = arith.cmpi sge, %scan3A_130, %ge3A_184 : i32
        %not3A_186 = arith.constant true
        %not3A_187 = arith.xori %ge3A_185, %not3A_186 : i1
        %and3A_188 = arith.andi %or3A_183, %not3A_187 : i1
        %convert_element_type3A_189 = arith.extui %and3A_188 : i1 to i32
        %cond3A_190 = arith.constant 0 : i32
        %cond3A_191 = arith.cmpi ne, %convert_element_type3A_189, %cond3A_190 : i32
        scf.if %cond3A_191 {
          "tpu.trace_start"() <{level = 10 : i32, message = "ep_copy_in"}> : () -> ()
          %rem3A_283 = arith.constant 2 : i32
          %rem3A_284 = arith.remui %scan3A_133, %rem3A_283 : i32
          %mul3A_285 = arith.constant 4000 : i32
          %mul3A_286 = arith.muli %mul3A_285, %add3A_161 : i32
          %mul3A_287 = arith.constant 4000 : i32
          %mul3A_288 = arith.muli %rem3A_284, %mul3A_287 : i32
          %add3A_289 = arith.constant 0 : i32
          %add3A_290 = arith.addi %mul3A_288, %add3A_289 : i32
          %dma_start3A_291 = tpu.memref_slice %run_scoped3A_12[%add3A_290] : memref<8000xi32, #tpu.memory_space<vmem>> -> memref<4000xi32, #tpu.memory_space<vmem>>
          %dma_start3A_292 = tpu.memref_slice %arg4[%mul3A_286] : memref<640000xi32, #tpu.memory_space<hbm>> -> memref<4000xi32, #tpu.memory_space<hbm>>
          %dma_start3A_293 = tpu.memref_slice %run_scoped3A_13[%rem3A_284] : memref<2x!tpu.dma_semaphore, #tpu.memory_space<semaphore_mem>> -> memref<1x!tpu.dma_semaphore, #tpu.memory_space<semaphore_mem>>
          %dma_start3A_294 = tpu.memref_squeeze %dma_start3A_293 : memref<1x!tpu.dma_semaphore, #tpu.memory_space<semaphore_mem>> -> memref<!tpu.dma_semaphore, #tpu.memory_space<semaphore_mem>>
          %dma_start3A_295 = tpu.memref_slice %run_scoped3A_12[%add3A_290] : memref<8000xi32, #tpu.memory_space<vmem>> -> memref<4000xi32, #tpu.memory_space<vmem>>
          %dma_start3A_296 = tpu.memref_slice %arg4[%mul3A_286] : memref<640000xi32, #tpu.memory_space<hbm>> -> memref<4000xi32, #tpu.memory_space<hbm>>
          tpu.enqueue_dma source(%dma_start3A_296 : memref<4000xi32, #tpu.memory_space<hbm>>) target(%dma_start3A_295 : memref<4000xi32, #tpu.memory_space<vmem>>) target_semaphore(%dma_start3A_294 : memref<!tpu.dma_semaphore, #tpu.memory_space<semaphore_mem>>)
          "tpu.trace_stop"() : () -> ()
        } else {
        }
        %and3A_192 = arith.constant true
        %and3A_193 = arith.andi %and3A_188, %and3A_192 : i1
        %add3A_194 = arith.constant 1 : i32
        %add3A_195 = arith.addi %scan3A_133, %add3A_194 : i32
        %select_n3A_196 = arith.select %and3A_193, %add3A_195, %scan3A_133 : i32
        %ne3A_197 = arith.cmpi ne, %add3A_141, %add3A_151 : i32
        %or3A_198 = arith.constant false
        %or3A_199 = arith.ori %or3A_198, %ne3A_197 : i1
        %or3A_200 = arith.ori %or3A_199, %eq3A_137 : i1
        %convert_element_type3A_201 = arith.extui %or3A_200 : i1 to i32
        %cond3A_202 = arith.constant 0 : i32
        %cond3A_203 = arith.cmpi ne, %convert_element_type3A_201, %cond3A_202 : i32
        scf.if %cond3A_203 {
          "tpu.trace_start"() <{level = 10 : i32, message = "ep_wait_in"}> : () -> ()
          %mul3A_283 = arith.constant 4000 : i32
          %mul3A_284 = arith.muli %mul3A_283, %add3A_141 : i32
          %rem3A_285 = arith.constant 2 : i32
          %rem3A_286 = arith.remui %scan3A_132, %rem3A_285 : i32
          %mul3A_287 = arith.constant 4000 : i32
          %mul3A_288 = arith.muli %rem3A_286, %mul3A_287 : i32
          %add3A_289 = arith.constant 0 : i32
          %add3A_290 = arith.addi %mul3A_288, %add3A_289 : i32
          %dma_wait3A = tpu.memref_slice %run_scoped3A[%add3A_290] : memref<8000xi32, #tpu.memory_space<vmem>> -> memref<4000xi32, #tpu.memory_space<vmem>>
          %dma_wait3A_291 = tpu.memref_slice %arg3[%mul3A_284] : memref<640000xi32, #tpu.memory_space<hbm>> -> memref<4000xi32, #tpu.memory_space<hbm>>
          %dma_wait3A_292 = tpu.memref_slice %run_scoped3A_11[%rem3A_286] : memref<2x!tpu.dma_semaphore, #tpu.memory_space<semaphore_mem>> -> memref<1x!tpu.dma_semaphore, #tpu.memory_space<semaphore_mem>>
          %dma_wait3A_293 = tpu.memref_squeeze %dma_wait3A_292 : memref<1x!tpu.dma_semaphore, #tpu.memory_space<semaphore_mem>> -> memref<!tpu.dma_semaphore, #tpu.memory_space<semaphore_mem>>
          %dma_wait3A_294 = tpu.memref_slice %run_scoped3A[%add3A_290] : memref<8000xi32, #tpu.memory_space<vmem>> -> memref<4000xi32, #tpu.memory_space<vmem>>
          %dma_wait3A_295 = tpu.memref_slice %arg3[%mul3A_284] : memref<640000xi32, #tpu.memory_space<hbm>> -> memref<4000xi32, #tpu.memory_space<hbm>>
          tpu.wait_dma2 semaphore(%dma_wait3A_293 : memref<!tpu.dma_semaphore, #tpu.memory_space<semaphore_mem>>) src(%dma_wait3A_295 : memref<4000xi32, #tpu.memory_space<hbm>>) dst(%dma_wait3A_294 : memref<4000xi32, #tpu.memory_space<vmem>>)
          "tpu.trace_stop"() : () -> ()
        } else {
        }
        %ne3A_204 = arith.cmpi ne, %add3A_141, %add3A_151 : i32
        %or3A_205 = arith.constant false
        %or3A_206 = arith.ori %or3A_205, %ne3A_204 : i1
        %or3A_207 = arith.ori %or3A_206, %eq3A_137 : i1
        %convert_element_type3A_208 = arith.extui %or3A_207 : i1 to i32
        %cond3A_209 = arith.constant 0 : i32
        %cond3A_210 = arith.cmpi ne, %convert_element_type3A_208, %cond3A_209 : i32
        scf.if %cond3A_210 {
          "tpu.trace_start"() <{level = 10 : i32, message = "ep_wait_in"}> : () -> ()
          %mul3A_283 = arith.constant 4000 : i32
          %mul3A_284 = arith.muli %mul3A_283, %add3A_141 : i32
          %rem3A_285 = arith.constant 2 : i32
          %rem3A_286 = arith.remui %scan3A_134, %rem3A_285 : i32
          %mul3A_287 = arith.constant 4000 : i32
          %mul3A_288 = arith.muli %rem3A_286, %mul3A_287 : i32
          %add3A_289 = arith.constant 0 : i32
          %add3A_290 = arith.addi %mul3A_288, %add3A_289 : i32
          %dma_wait3A = tpu.memref_slice %run_scoped3A_12[%add3A_290] : memref<8000xi32, #tpu.memory_space<vmem>> -> memref<4000xi32, #tpu.memory_space<vmem>>
          %dma_wait3A_291 = tpu.memref_slice %arg4[%mul3A_284] : memref<640000xi32, #tpu.memory_space<hbm>> -> memref<4000xi32, #tpu.memory_space<hbm>>
          %dma_wait3A_292 = tpu.memref_slice %run_scoped3A_13[%rem3A_286] : memref<2x!tpu.dma_semaphore, #tpu.memory_space<semaphore_mem>> -> memref<1x!tpu.dma_semaphore, #tpu.memory_space<semaphore_mem>>
          %dma_wait3A_293 = tpu.memref_squeeze %dma_wait3A_292 : memref<1x!tpu.dma_semaphore, #tpu.memory_space<semaphore_mem>> -> memref<!tpu.dma_semaphore, #tpu.memory_space<semaphore_mem>>
          %dma_wait3A_294 = tpu.memref_slice %run_scoped3A_12[%add3A_290] : memref<8000xi32, #tpu.memory_space<vmem>> -> memref<4000xi32, #tpu.memory_space<vmem>>
          %dma_wait3A_295 = tpu.memref_slice %arg4[%mul3A_284] : memref<640000xi32, #tpu.memory_space<hbm>> -> memref<4000xi32, #tpu.memory_space<hbm>>
          tpu.wait_dma2 semaphore(%dma_wait3A_293 : memref<!tpu.dma_semaphore, #tpu.memory_space<semaphore_mem>>) src(%dma_wait3A_295 : memref<4000xi32, #tpu.memory_space<hbm>>) dst(%dma_wait3A_294 : memref<4000xi32, #tpu.memory_space<vmem>>)
          "tpu.trace_stop"() : () -> ()
        } else {
        }
        %rem3A_211 = arith.constant 2 : i32
        %rem3A_212 = arith.remui %scan3A_132, %rem3A_211 : i32
        %mul3A_213 = arith.constant 4000 : i32
        %mul3A_214 = arith.muli %rem3A_212, %mul3A_213 : i32
        %rem3A_215 = arith.constant 2 : i32
        %rem3A_216 = arith.remui %scan3A_134, %rem3A_215 : i32
        %mul3A_217 = arith.constant 4000 : i32
        %mul3A_218 = arith.muli %rem3A_216, %mul3A_217 : i32
        %parallel_loop3A = arith.constant 0 : i32
        %parallel_loop3A_219 = arith.constant 4000 : i32
        %parallel_loop3A_220 = arith.constant 16 : i32
        "tpu.trace_start"() <{level = 10 : i32, message = "ep_run_kernel"}> : () -> ()
        scf.for %parallel_loop3A_283 = %parallel_loop3A to %parallel_loop3A_219 step %parallel_loop3A_220  : i32 {
          %parallel_loop3A_284 = tpu.memref_slice %run_scoped3A[%mul3A_214] : memref<8000xi32, #tpu.memory_space<vmem>> -> memref<4000xi32, #tpu.memory_space<vmem>>
          %parallel_loop3A_285 = arith.index_cast %parallel_loop3A_283 : i32 to index
          %parallel_loop3A_286 = tpu.vector_load %parallel_loop3A_284[%parallel_loop3A_285] {strides = array<i32>} : memref<4000xi32, #tpu.memory_space<vmem>>, vector<16xi32>,
          %parallel_loop3A_287 = tpu.memref_slice %run_scoped3A_12[%mul3A_218] : memref<8000xi32, #tpu.memory_space<vmem>> -> memref<4000xi32, #tpu.memory_space<vmem>>
          %parallel_loop3A_288 = arith.index_cast %parallel_loop3A_283 : i32 to index
          %parallel_loop3A_289 = tpu.vector_load %parallel_loop3A_287[%parallel_loop3A_288] {strides = array<i32>} : memref<4000xi32, #tpu.memory_space<vmem>>, vector<16xi32>,
          %parallel_loop3A_290 = arith.constant 0 : i32
          %parallel_loop3A_291 = vector.broadcast %parallel_loop3A_290 : i32 to vector<16xi32>
          %parallel_loop3A_292 = arith.addi %parallel_loop3A_286, %parallel_loop3A_291 : vector<16xi32>
          %parallel_loop3A_293 = tpu.vector_load_idx %arg6[%parallel_loop3A_292] : memref<40000xf32, #tpu.memory_space<vmem>>[vector<16xi32>], vector<16xf32>,
          %parallel_loop3A_294 = arith.constant 10000 : i32
          %parallel_loop3A_295 = vector.broadcast %parallel_loop3A_294 : i32 to vector<16xi32>
          %parallel_loop3A_296 = arith.addi %parallel_loop3A_286, %parallel_loop3A_295 : vector<16xi32>
          %parallel_loop3A_297 = tpu.vector_load_idx %arg6[%parallel_loop3A_296] : memref<40000xf32, #tpu.memory_space<vmem>>[vector<16xi32>], vector<16xf32>,
          %parallel_loop3A_298 = arith.constant 20000 : i32
          %parallel_loop3A_299 = vector.broadcast %parallel_loop3A_298 : i32 to vector<16xi32>
          %parallel_loop3A_300 = arith.addi %parallel_loop3A_286, %parallel_loop3A_299 : vector<16xi32>
          %parallel_loop3A_301 = tpu.vector_load_idx %arg6[%parallel_loop3A_300] : memref<40000xf32, #tpu.memory_space<vmem>>[vector<16xi32>], vector<16xf32>,
          %parallel_loop3A_302 = arith.constant 30000 : i32
          %parallel_loop3A_303 = vector.broadcast %parallel_loop3A_302 : i32 to vector<16xi32>
          %parallel_loop3A_304 = arith.addi %parallel_loop3A_286, %parallel_loop3A_303 : vector<16xi32>
          %parallel_loop3A_305 = tpu.vector_load_idx %arg6[%parallel_loop3A_304] : memref<40000xf32, #tpu.memory_space<vmem>>[vector<16xi32>], vector<16xf32>,
          %parallel_loop3A_306 = arith.constant 0 : i32
          %parallel_loop3A_307 = vector.broadcast %parallel_loop3A_306 : i32 to vector<16xi32>
          %parallel_loop3A_308 = arith.addi %parallel_loop3A_289, %parallel_loop3A_307 : vector<16xi32>
          tpu.vector_store_idx %arg7[%parallel_loop3A_308], %parallel_loop3A_293 {add = true} : memref<20000xf32, #tpu.memory_space<vmem>>[vector<16xi32>], vector<16xf32>,
          %parallel_loop3A_309 = arith.constant 5000 : i32
          %parallel_loop3A_310 = vector.broadcast %parallel_loop3A_309 : i32 to vector<16xi32>
          %parallel_loop3A_311 = arith.addi %parallel_loop3A_289, %parallel_loop3A_310 : vector<16xi32>
          tpu.vector_store_idx %arg7[%parallel_loop3A_311], %parallel_loop3A_297 {add = true} : memref<20000xf32, #tpu.memory_space<vmem>>[vector<16xi32>], vector<16xf32>,
          %parallel_loop3A_312 = arith.constant 10000 : i32
          %parallel_loop3A_313 = vector.broadcast %parallel_loop3A_312 : i32 to vector<16xi32>
          %parallel_loop3A_314 = arith.addi %parallel_loop3A_289, %parallel_loop3A_313 : vector<16xi32>
          tpu.vector_store_idx %arg7[%parallel_loop3A_314], %parallel_loop3A_301 {add = true} : memref<20000xf32, #tpu.memory_space<vmem>>[vector<16xi32>], vector<16xf32>,
          %parallel_loop3A_315 = arith.constant 15000 : i32
          %parallel_loop3A_316 = vector.broadcast %parallel_loop3A_315 : i32 to vector<16xi32>
          %parallel_loop3A_317 = arith.addi %parallel_loop3A_289, %parallel_loop3A_316 : vector<16xi32>
          tpu.vector_store_idx %arg7[%parallel_loop3A_317], %parallel_loop3A_305 {add = true} : memref<20000xf32, #tpu.memory_space<vmem>>[vector<16xi32>], vector<16xf32>,
        } {sc.loop_unroll_factor = 4 : i64, sc.parallel_access}
        "tpu.trace_stop"() : () -> ()
        %ne3A_221 = arith.cmpi ne, %add3A_141, %add3A_161 : i32
        %or3A_222 = arith.constant false
        %or3A_223 = arith.ori %or3A_222, %ne3A_221 : i1
        %or3A_224 = arith.ori %or3A_223, %eq3A_139 : i1
        %convert_element_type3A_225 = arith.extui %or3A_224 : i1 to i32
        %cond3A_226 = arith.constant 0 : i32
        %cond3A_227 = arith.cmpi ne, %convert_element_type3A_225, %cond3A_226 : i32
        scf.if %cond3A_227 {
        } else {
        }
        %and3A_228 = arith.constant false
        %and3A_229 = arith.andi %or3A_224, %and3A_228 : i1
        %ne3A_230 = arith.cmpi ne, %add3A_141, %add3A_161 : i32
        %or3A_231 = arith.constant false
        %or3A_232 = arith.ori %or3A_231, %ne3A_230 : i1
        %or3A_233 = arith.ori %or3A_232, %eq3A_139 : i1
        %convert_element_type3A_234 = arith.extui %or3A_233 : i1 to i32
        %cond3A_235 = arith.constant 0 : i32
        %cond3A_236 = arith.cmpi ne, %convert_element_type3A_234, %cond3A_235 : i32
        scf.if %cond3A_236 {
        } else {
        }
        %and3A_237 = arith.constant false
        %and3A_238 = arith.andi %or3A_233, %and3A_237 : i1
        %ne3A_239 = arith.cmpi ne, %add3A_141, %add3A_151 : i32
        %or3A_240 = arith.constant false
        %or3A_241 = arith.ori %or3A_240, %ne3A_239 : i1
        %not3A_242 = arith.constant true
        %not3A_243 = arith.xori %eq3A_137, %not3A_242 : i1
        %and3A_244 = arith.andi %or3A_241, %not3A_243 : i1
        %convert_element_type3A_245 = arith.extui %and3A_244 : i1 to i32
        %cond3A_246 = arith.constant 0 : i32
        %cond3A_247 = arith.cmpi ne, %convert_element_type3A_245, %cond3A_246 : i32
        scf.if %cond3A_247 {
        } else {
        }
        %and3A_248 = arith.constant false
        %and3A_249 = arith.andi %and3A_244, %and3A_248 : i1
        %ne3A_250 = arith.cmpi ne, %add3A_141, %add3A_151 : i32
        %or3A_251 = arith.constant false
        %or3A_252 = arith.ori %or3A_251, %ne3A_250 : i1
        %not3A_253 = arith.constant true
        %not3A_254 = arith.xori %eq3A_137, %not3A_253 : i1
        %and3A_255 = arith.andi %or3A_252, %not3A_254 : i1
        %convert_element_type3A_256 = arith.extui %and3A_255 : i1 to i32
        %cond3A_257 = arith.constant 0 : i32
        %cond3A_258 = arith.cmpi ne, %convert_element_type3A_256, %cond3A_257 : i32
        scf.if %cond3A_258 {
        } else {
        }
        %and3A_259 = arith.constant false
        %and3A_260 = arith.andi %and3A_255, %and3A_259 : i1
        %ne3A_261 = arith.cmpi ne, %add3A_141, %add3A_161 : i32
        %or3A_262 = arith.constant false
        %or3A_263 = arith.ori %or3A_262, %ne3A_261 : i1
        %or3A_264 = arith.ori %or3A_263, %eq3A_139 : i1
        %add3A_265 = arith.constant 1 : i32
        %add3A_266 = arith.addi %scan3A_132, %add3A_265 : i32
        %select_n3A_267 = arith.select %or3A_264, %add3A_266, %scan3A_132 : i32
        %ne3A_268 = arith.cmpi ne, %add3A_141, %add3A_161 : i32
        %or3A_269 = arith.constant false
        %or3A_270 = arith.ori %or3A_269, %ne3A_268 : i1
        %or3A_271 = arith.ori %or3A_270, %eq3A_139 : i1
        %add3A_272 = arith.constant 1 : i32
        %add3A_273 = arith.addi %scan3A_134, %add3A_272 : i32
        %select_n3A_274 = arith.select %or3A_271, %add3A_273, %scan3A_134 : i32
        %add3A_275 = arith.constant 1 : i32
        %add3A_276 = arith.addi %scan3A_135, %add3A_275 : i32
        %select_n3A_277 = arith.constant true
        %select_n3A_278 = arith.select %select_n3A_277, %add3A_276, %scan3A_135 : i32
        %eq3A_279 = arith.constant 160 : i32
        %eq3A_280 = arith.cmpi eq, %select_n3A_278, %eq3A_279 : i32
        %select_n3A_281 = arith.constant 0 : i32
        %select_n3A_282 = arith.select %eq3A_280, %select_n3A_281, %select_n3A_278 : i32
        scf.yield %select_n3A_180, %select_n3A_267, %select_n3A_196, %select_n3A_274, %select_n3A_282 : i32, i32, i32, i32, i32
      }
      %scan3A_90 = arith.constant 160 : i32
      %sub3A = arith.constant 1 : i32
      %sub3A_91 = arith.subi %scan3A_89#4, %sub3A : i32
      %select_n3A_92 = arith.constant true
      %select_n3A_93 = arith.select %select_n3A_92, %sub3A_91, %scan3A_89#4 : i32
      %eq3A_94 = arith.constant -1 : i32
      %eq3A_95 = arith.cmpi eq, %select_n3A_93, %eq3A_94 : i32
      %select_n3A_96 = arith.constant 159 : i32
      %select_n3A_97 = arith.select %eq3A_95, %select_n3A_96, %select_n3A_93 : i32
      %add3A_98 = arith.constant 0 : i32
      %add3A_99 = arith.addi %select_n3A_97, %add3A_98 : i32
      %sub3A_100 = arith.constant 1 : i32
      %sub3A_101 = arith.subi %select_n3A_97, %sub3A_100 : i32
      %select_n3A_102 = arith.constant true
      %select_n3A_103 = arith.select %select_n3A_102, %sub3A_101, %select_n3A_97 : i32
      %eq3A_104 = arith.constant -1 : i32
      %eq3A_105 = arith.cmpi eq, %select_n3A_103, %eq3A_104 : i32
      %select_n3A_106 = arith.constant 159 : i32
      %select_n3A_107 = arith.select %eq3A_105, %select_n3A_106, %select_n3A_103 : i32
      %add3A_108 = arith.constant 0 : i32
      %add3A_109 = arith.addi %select_n3A_107, %add3A_108 : i32
      %add3A_110 = arith.constant 1 : i32
      %add3A_111 = arith.addi %select_n3A_97, %add3A_110 : i32
      %select_n3A_112 = arith.constant true
      %select_n3A_113 = arith.select %select_n3A_112, %add3A_111, %select_n3A_97 : i32
      %eq3A_114 = arith.constant 160 : i32
      %eq3A_115 = arith.cmpi eq, %select_n3A_113, %eq3A_114 : i32
      %select_n3A_116 = arith.constant 0 : i32
      %select_n3A_117 = arith.select %eq3A_115, %select_n3A_116, %select_n3A_113 : i32
      %add3A_118 = arith.constant 0 : i32
      %add3A_119 = arith.addi %select_n3A_117, %add3A_118 : i32
      %add3A_120 = arith.constant 1 : i32
      %add3A_121 = arith.addi %select_n3A_117, %add3A_120 : i32
      %select_n3A_122 = arith.constant true
      %select_n3A_123 = arith.select %select_n3A_122, %add3A_121, %select_n3A_117 : i32
      %eq3A_124 = arith.constant 160 : i32
      %eq3A_125 = arith.cmpi eq, %select_n3A_123, %eq3A_124 : i32
      %select_n3A_126 = arith.constant 0 : i32
      %select_n3A_127 = arith.select %eq3A_125, %select_n3A_126, %select_n3A_123 : i32
      %add3A_128 = arith.constant 0 : i32
      %add3A_129 = arith.addi %select_n3A_127, %add3A_128 : i32
      tpu.yield
    }) : () -> ()
    "tpu.region"() ({
      %run_scoped3A = memref.alloca() : memref<8000xi32, #tpu.memory_space<vmem>>
      %run_scoped3A_11 = tpu.sem_alloc : memref<2x!tpu.dma_semaphore, #tpu.memory_space<semaphore_mem>>
      %run_scoped3A_12 = memref.alloca() : memref<8000xi32, #tpu.memory_space<vmem>>
      %run_scoped3A_13 = tpu.sem_alloc : memref<2x!tpu.dma_semaphore, #tpu.memory_space<semaphore_mem>>
      %select_n3A = arith.constant true
      %select_n3A_14 = arith.constant 0 : i32
      %select_n3A_15 = arith.constant -1 : i32
      %select_n3A_16 = arith.select %select_n3A, %select_n3A_15, %select_n3A_14 : i32
      %eq3A = arith.constant -1 : i32
      %eq3A_17 = arith.cmpi eq, %select_n3A_16, %eq3A : i32
      %select_n3A_18 = arith.constant 159 : i32
      %select_n3A_19 = arith.select %eq3A_17, %select_n3A_18, %select_n3A_16 : i32
      %add3A_20 = arith.constant 0 : i32
      %add3A_21 = arith.addi %select_n3A_19, %add3A_20 : i32
      %select_n3A_22 = arith.constant true
      %select_n3A_23 = arith.constant 0 : i32
      %select_n3A_24 = arith.constant 1 : i32
      %select_n3A_25 = arith.select %select_n3A_22, %select_n3A_24, %select_n3A_23 : i32
      %eq3A_26 = arith.constant 160 : i32
      %eq3A_27 = arith.cmpi eq, %select_n3A_25, %eq3A_26 : i32
      %select_n3A_28 = arith.constant 0 : i32
      %select_n3A_29 = arith.select %eq3A_27, %select_n3A_28, %select_n3A_25 : i32
      %add3A_30 = arith.constant 0 : i32
      %add3A_31 = arith.addi %select_n3A_29, %add3A_30 : i32
      %add3A_32 = arith.constant 1 : i32
      %add3A_33 = arith.addi %select_n3A_29, %add3A_32 : i32
      %select_n3A_34 = arith.constant true
      %select_n3A_35 = arith.select %select_n3A_34, %add3A_33, %select_n3A_29 : i32
      %eq3A_36 = arith.constant 160 : i32
      %eq3A_37 = arith.cmpi eq, %select_n3A_35, %eq3A_36 : i32
      %select_n3A_38 = arith.constant 0 : i32
      %select_n3A_39 = arith.select %eq3A_37, %select_n3A_38, %select_n3A_35 : i32
      %add3A_40 = arith.constant 0 : i32
      %add3A_41 = arith.addi %select_n3A_39, %add3A_40 : i32
      "tpu.trace_start"() <{level = 10 : i32, message = "ep_initialize_0"}> : () -> ()
      %rem3A = arith.constant 0 : i32
      %rem3A_42 = arith.constant 2 : i32
      %rem3A_43 = arith.remui %rem3A, %rem3A_42 : i32
      %mul3A_44 = arith.constant 4000 : i32
      %mul3A_45 = arith.muli %rem3A_43, %mul3A_44 : i32
      %add3A_46 = arith.constant 0 : i32
      %add3A_47 = arith.addi %mul3A_45, %add3A_46 : i32
      %dma_start3A = tpu.memref_slice %run_scoped3A[%add3A_47] : memref<8000xi32, #tpu.memory_space<vmem>> -> memref<4000xi32, #tpu.memory_space<vmem>>
      %dma_start3A_48 = arith.constant 0 : i32
      %dma_start3A_49 = tpu.memref_slice %arg3[%dma_start3A_48] : memref<640000xi32, #tpu.memory_space<hbm>> -> memref<4000xi32, #tpu.memory_space<hbm>>
      %dma_start3A_50 = tpu.memref_slice %run_scoped3A_11[%rem3A_43] : memref<2x!tpu.dma_semaphore, #tpu.memory_space<semaphore_mem>> -> memref<1x!tpu.dma_semaphore, #tpu.memory_space<semaphore_mem>>
      %dma_start3A_51 = tpu.memref_squeeze %dma_start3A_50 : memref<1x!tpu.dma_semaphore, #tpu.memory_space<semaphore_mem>> -> memref<!tpu.dma_semaphore, #tpu.memory_space<semaphore_mem>>
      %dma_start3A_52 = tpu.memref_slice %run_scoped3A[%add3A_47] : memref<8000xi32, #tpu.memory_space<vmem>> -> memref<4000xi32, #tpu.memory_space<vmem>>
      %dma_start3A_53 = arith.constant 0 : i32
      %dma_start3A_54 = tpu.memref_slice %arg3[%dma_start3A_53] : memref<640000xi32, #tpu.memory_space<hbm>> -> memref<4000xi32, #tpu.memory_space<hbm>>
      tpu.enqueue_dma source(%dma_start3A_54 : memref<4000xi32, #tpu.memory_space<hbm>>) target(%dma_start3A_52 : memref<4000xi32, #tpu.memory_space<vmem>>) target_semaphore(%dma_start3A_51 : memref<!tpu.dma_semaphore, #tpu.memory_space<semaphore_mem>>)
      %add3A_55 = arith.constant 0 : i32
      %add3A_56 = arith.constant 1 : i32
      %add3A_57 = arith.addi %add3A_55, %add3A_56 : i32
      %select_n3A_58 = arith.constant true
      %select_n3A_59 = arith.constant 0 : i32
      %select_n3A_60 = arith.select %select_n3A_58, %add3A_57, %select_n3A_59 : i32
      %rem3A_61 = arith.constant 0 : i32
      %rem3A_62 = arith.constant 2 : i32
      %rem3A_63 = arith.remui %rem3A_61, %rem3A_62 : i32
      %mul3A_64 = arith.constant 4000 : i32
      %mul3A_65 = arith.muli %rem3A_63, %mul3A_64 : i32
      %add3A_66 = arith.constant 0 : i32
      %add3A_67 = arith.addi %mul3A_65, %add3A_66 : i32
      %dma_start3A_68 = tpu.memref_slice %run_scoped3A_12[%add3A_67] : memref<8000xi32, #tpu.memory_space<vmem>> -> memref<4000xi32, #tpu.memory_space<vmem>>
      %dma_start3A_69 = arith.constant 0 : i32
      %dma_start3A_70 = tpu.memref_slice %arg4[%dma_start3A_69] : memref<640000xi32, #tpu.memory_space<hbm>> -> memref<4000xi32, #tpu.memory_space<hbm>>
      %dma_start3A_71 = tpu.memref_slice %run_scoped3A_13[%rem3A_63] : memref<2x!tpu.dma_semaphore, #tpu.memory_space<semaphore_mem>> -> memref<1x!tpu.dma_semaphore, #tpu.memory_space<semaphore_mem>>
      %dma_start3A_72 = tpu.memref_squeeze %dma_start3A_71 : memref<1x!tpu.dma_semaphore, #tpu.memory_space<semaphore_mem>> -> memref<!tpu.dma_semaphore, #tpu.memory_space<semaphore_mem>>
      %dma_start3A_73 = tpu.memref_slice %run_scoped3A_12[%add3A_67] : memref<8000xi32, #tpu.memory_space<vmem>> -> memref<4000xi32, #tpu.memory_space<vmem>>
      %dma_start3A_74 = arith.constant 0 : i32
      %dma_start3A_75 = tpu.memref_slice %arg4[%dma_start3A_74] : memref<640000xi32, #tpu.memory_space<hbm>> -> memref<4000xi32, #tpu.memory_space<hbm>>
      tpu.enqueue_dma source(%dma_start3A_75 : memref<4000xi32, #tpu.memory_space<hbm>>) target(%dma_start3A_73 : memref<4000xi32, #tpu.memory_space<vmem>>) target_semaphore(%dma_start3A_72 : memref<!tpu.dma_semaphore, #tpu.memory_space<semaphore_mem>>)
      %add3A_76 = arith.constant 0 : i32
      %add3A_77 = arith.constant 1 : i32
      %add3A_78 = arith.addi %add3A_76, %add3A_77 : i32
      %select_n3A_79 = arith.constant true
      %select_n3A_80 = arith.constant 0 : i32
      %select_n3A_81 = arith.select %select_n3A_79, %add3A_78, %select_n3A_80 : i32
      "tpu.trace_stop"() : () -> ()
      %scan3A_82 = arith.constant 0 : i32
      %scan3A_83 = arith.constant 0 : i32
      %scan3A_84 = arith.constant 0 : i32
      %scan3A_85 = arith.constant 0 : i32
      %scan3A_86 = arith.constant 160 : i32
      %scan3A_87 = arith.addi %scan3A_85, %scan3A_86 : i32
      %scan3A_88 = arith.constant 1 : i32
      %scan3A_89:5 = scf.for %scan3A_130 = %scan3A_85 to %scan3A_87 step %scan3A_88 iter_args(%scan3A_131 = %select_n3A_60, %scan3A_132 = %scan3A_82, %scan3A_133 = %select_n3A_81, %scan3A_134 = %scan3A_83, %scan3A_135 = %scan3A_84) -> (i32, i32, i32, i32, i32)  : i32 {
        %eq3A_136 = arith.constant 0 : i32
        %eq3A_137 = arith.cmpi eq, %scan3A_130, %eq3A_136 : i32
        %eq3A_138 = arith.constant 159 : i32
        %eq3A_139 = arith.cmpi eq, %scan3A_130, %eq3A_138 : i32
        %add3A_140 = arith.constant 0 : i32
        %add3A_141 = arith.addi %scan3A_135, %add3A_140 : i32
        %sub3A_142 = arith.constant 1 : i32
        %sub3A_143 = arith.subi %scan3A_135, %sub3A_142 : i32
        %select_n3A_144 = arith.constant true
        %select_n3A_145 = arith.select %select_n3A_144, %sub3A_143, %scan3A_135 : i32
        %eq3A_146 = arith.constant -1 : i32
        %eq3A_147 = arith.cmpi eq, %select_n3A_145, %eq3A_146 : i32
        %select_n3A_148 = arith.constant 159 : i32
        %select_n3A_149 = arith.select %eq3A_147, %select_n3A_148, %select_n3A_145 : i32
        %add3A_150 = arith.constant 0 : i32
        %add3A_151 = arith.addi %select_n3A_149, %add3A_150 : i32
        %add3A_152 = arith.constant 1 : i32
        %add3A_153 = arith.addi %scan3A_135, %add3A_152 : i32
        %select_n3A_154 = arith.constant true
        %select_n3A_155 = arith.select %select_n3A_154, %add3A_153, %scan3A_135 : i32
        %eq3A_156 = arith.constant 160 : i32
        %eq3A_157 = arith.cmpi eq, %select_n3A_155, %eq3A_156 : i32
        %select_n3A_158 = arith.constant 0 : i32
        %select_n3A_159 = arith.select %eq3A_157, %select_n3A_158, %select_n3A_155 : i32
        %add3A_160 = arith.constant 0 : i32
        %add3A_161 = arith.addi %select_n3A_159, %add3A_160 : i32
        %add3A_162 = arith.constant 1 : i32
        %add3A_163 = arith.addi %select_n3A_159, %add3A_162 : i32
        %select_n3A_164 = arith.constant true
        %select_n3A_165 = arith.select %select_n3A_164, %add3A_163, %select_n3A_159 : i32
        %eq3A_166 = arith.constant 160 : i32
        %eq3A_167 = arith.cmpi eq, %select_n3A_165, %eq3A_166 : i32
        %select_n3A_168 = arith.constant 0 : i32
        %select_n3A_169 = arith.select %eq3A_167, %select_n3A_168, %select_n3A_165 : i32
        %add3A_170 = arith.constant 0 : i32
        %add3A_171 = arith.addi %select_n3A_169, %add3A_170 : i32
        %ne3A = arith.cmpi ne, %add3A_141, %add3A_161 : i32
        %or3A = arith.constant false
        %or3A_172 = arith.ori %or3A, %ne3A : i1
        %ge3A = arith.constant 159 : i32
        %ge3A_173 = arith.cmpi sge, %scan3A_130, %ge3A : i32
        %not3A = arith.constant true
        %not3A_174 = arith.xori %ge3A_173, %not3A : i1
        %and3A = arith.andi %or3A_172, %not3A_174 : i1
        %convert_element_type3A = arith.extui %and3A : i1 to i32
        %cond3A = arith.constant 0 : i32
        %cond3A_175 = arith.cmpi ne, %convert_element_type3A, %cond3A : i32
        scf.if %cond3A_175 {
          "tpu.trace_start"() <{level = 10 : i32, message = "ep_copy_in"}> : () -> ()
          %rem3A_283 = arith.constant 2 : i32
          %rem3A_284 = arith.remui %scan3A_131, %rem3A_283 : i32
          %mul3A_285 = arith.constant 4000 : i32
          %mul3A_286 = arith.muli %mul3A_285, %add3A_161 : i32
          %mul3A_287 = arith.constant 4000 : i32
          %mul3A_288 = arith.muli %rem3A_284, %mul3A_287 : i32
          %add3A_289 = arith.constant 0 : i32
          %add3A_290 = arith.addi %mul3A_288, %add3A_289 : i32
          %dma_start3A_291 = tpu.memref_slice %run_scoped3A[%add3A_290] : memref<8000xi32, #tpu.memory_space<vmem>> -> memref<4000xi32, #tpu.memory_space<vmem>>
          %dma_start3A_292 = tpu.memref_slice %arg3[%mul3A_286] : memref<640000xi32, #tpu.memory_space<hbm>> -> memref<4000xi32, #tpu.memory_space<hbm>>
          %dma_start3A_293 = tpu.memref_slice %run_scoped3A_11[%rem3A_284] : memref<2x!tpu.dma_semaphore, #tpu.memory_space<semaphore_mem>> -> memref<1x!tpu.dma_semaphore, #tpu.memory_space<semaphore_mem>>
          %dma_start3A_294 = tpu.memref_squeeze %dma_start3A_293 : memref<1x!tpu.dma_semaphore, #tpu.memory_space<semaphore_mem>> -> memref<!tpu.dma_semaphore, #tpu.memory_space<semaphore_mem>>
          %dma_start3A_295 = tpu.memref_slice %run_scoped3A[%add3A_290] : memref<8000xi32, #tpu.memory_space<vmem>> -> memref<4000xi32, #tpu.memory_space<vmem>>
          %dma_start3A_296 = tpu.memref_slice %arg3[%mul3A_286] : memref<640000xi32, #tpu.memory_space<hbm>> -> memref<4000xi32, #tpu.memory_space<hbm>>
          tpu.enqueue_dma source(%dma_start3A_296 : memref<4000xi32, #tpu.memory_space<hbm>>) target(%dma_start3A_295 : memref<4000xi32, #tpu.memory_space<vmem>>) target_semaphore(%dma_start3A_294 : memref<!tpu.dma_semaphore, #tpu.memory_space<semaphore_mem>>)
          "tpu.trace_stop"() : () -> ()
        } else {
        }
        %and3A_176 = arith.constant true
        %and3A_177 = arith.andi %and3A, %and3A_176 : i1
        %add3A_178 = arith.constant 1 : i32
        %add3A_179 = arith.addi %scan3A_131, %add3A_178 : i32
        %select_n3A_180 = arith.select %and3A_177, %add3A_179, %scan3A_131 : i32
        %ne3A_181 = arith.cmpi ne, %add3A_141, %add3A_161 : i32
        %or3A_182 = arith.constant false
        %or3A_183 = arith.ori %or3A_182, %ne3A_181 : i1
        %ge3A_184 = arith.constant 159 : i32
        %ge3A_185 = arith.cmpi sge, %scan3A_130, %ge3A_184 : i32
        %not3A_186 = arith.constant true
        %not3A_187 = arith.xori %ge3A_185, %not3A_186 : i1
        %and3A_188 = arith.andi %or3A_183, %not3A_187 : i1
        %convert_element_type3A_189 = arith.extui %and3A_188 : i1 to i32
        %cond3A_190 = arith.constant 0 : i32
        %cond3A_191 = arith.cmpi ne, %convert_element_type3A_189, %cond3A_190 : i32
        scf.if %cond3A_191 {
          "tpu.trace_start"() <{level = 10 : i32, message = "ep_copy_in"}> : () -> ()
          %rem3A_283 = arith.constant 2 : i32
          %rem3A_284 = arith.remui %scan3A_133, %rem3A_283 : i32
          %mul3A_285 = arith.constant 4000 : i32
          %mul3A_286 = arith.muli %mul3A_285, %add3A_161 : i32
          %mul3A_287 = arith.constant 4000 : i32
          %mul3A_288 = arith.muli %rem3A_284, %mul3A_287 : i32
          %add3A_289 = arith.constant 0 : i32
          %add3A_290 = arith.addi %mul3A_288, %add3A_289 : i32
          %dma_start3A_291 = tpu.memref_slice %run_scoped3A_12[%add3A_290] : memref<8000xi32, #tpu.memory_space<vmem>> -> memref<4000xi32, #tpu.memory_space<vmem>>
          %dma_start3A_292 = tpu.memref_slice %arg4[%mul3A_286] : memref<640000xi32, #tpu.memory_space<hbm>> -> memref<4000xi32, #tpu.memory_space<hbm>>
          %dma_start3A_293 = tpu.memref_slice %run_scoped3A_13[%rem3A_284] : memref<2x!tpu.dma_semaphore, #tpu.memory_space<semaphore_mem>> -> memref<1x!tpu.dma_semaphore, #tpu.memory_space<semaphore_mem>>
          %dma_start3A_294 = tpu.memref_squeeze %dma_start3A_293 : memref<1x!tpu.dma_semaphore, #tpu.memory_space<semaphore_mem>> -> memref<!tpu.dma_semaphore, #tpu.memory_space<semaphore_mem>>
          %dma_start3A_295 = tpu.memref_slice %run_scoped3A_12[%add3A_290] : memref<8000xi32, #tpu.memory_space<vmem>> -> memref<4000xi32, #tpu.memory_space<vmem>>
          %dma_start3A_296 = tpu.memref_slice %arg4[%mul3A_286] : memref<640000xi32, #tpu.memory_space<hbm>> -> memref<4000xi32, #tpu.memory_space<hbm>>
          tpu.enqueue_dma source(%dma_start3A_296 : memref<4000xi32, #tpu.memory_space<hbm>>) target(%dma_start3A_295 : memref<4000xi32, #tpu.memory_space<vmem>>) target_semaphore(%dma_start3A_294 : memref<!tpu.dma_semaphore, #tpu.memory_space<semaphore_mem>>)
          "tpu.trace_stop"() : () -> ()
        } else {
        }
        %and3A_192 = arith.constant true
        %and3A_193 = arith.andi %and3A_188, %and3A_192 : i1
        %add3A_194 = arith.constant 1 : i32
        %add3A_195 = arith.addi %scan3A_133, %add3A_194 : i32
        %select_n3A_196 = arith.select %and3A_193, %add3A_195, %scan3A_133 : i32
        %ne3A_197 = arith.cmpi ne, %add3A_141, %add3A_151 : i32
        %or3A_198 = arith.constant false
        %or3A_199 = arith.ori %or3A_198, %ne3A_197 : i1
        %or3A_200 = arith.ori %or3A_199, %eq3A_137 : i1
        %convert_element_type3A_201 = arith.extui %or3A_200 : i1 to i32
        %cond3A_202 = arith.constant 0 : i32
        %cond3A_203 = arith.cmpi ne, %convert_element_type3A_201, %cond3A_202 : i32
        scf.if %cond3A_203 {
          "tpu.trace_start"() <{level = 10 : i32, message = "ep_wait_in"}> : () -> ()
          %mul3A_283 = arith.constant 4000 : i32
          %mul3A_284 = arith.muli %mul3A_283, %add3A_141 : i32
          %rem3A_285 = arith.constant 2 : i32
          %rem3A_286 = arith.remui %scan3A_132, %rem3A_285 : i32
          %mul3A_287 = arith.constant 4000 : i32
          %mul3A_288 = arith.muli %rem3A_286, %mul3A_287 : i32
          %add3A_289 = arith.constant 0 : i32
          %add3A_290 = arith.addi %mul3A_288, %add3A_289 : i32
          %dma_wait3A = tpu.memref_slice %run_scoped3A[%add3A_290] : memref<8000xi32, #tpu.memory_space<vmem>> -> memref<4000xi32, #tpu.memory_space<vmem>>
          %dma_wait3A_291 = tpu.memref_slice %arg3[%mul3A_284] : memref<640000xi32, #tpu.memory_space<hbm>> -> memref<4000xi32, #tpu.memory_space<hbm>>
          %dma_wait3A_292 = tpu.memref_slice %run_scoped3A_11[%rem3A_286] : memref<2x!tpu.dma_semaphore, #tpu.memory_space<semaphore_mem>> -> memref<1x!tpu.dma_semaphore, #tpu.memory_space<semaphore_mem>>
          %dma_wait3A_293 = tpu.memref_squeeze %dma_wait3A_292 : memref<1x!tpu.dma_semaphore, #tpu.memory_space<semaphore_mem>> -> memref<!tpu.dma_semaphore, #tpu.memory_space<semaphore_mem>>
          %dma_wait3A_294 = tpu.memref_slice %run_scoped3A[%add3A_290] : memref<8000xi32, #tpu.memory_space<vmem>> -> memref<4000xi32, #tpu.memory_space<vmem>>
          %dma_wait3A_295 = tpu.memref_slice %arg3[%mul3A_284] : memref<640000xi32, #tpu.memory_space<hbm>> -> memref<4000xi32, #tpu.memory_space<hbm>>
          tpu.wait_dma2 semaphore(%dma_wait3A_293 : memref<!tpu.dma_semaphore, #tpu.memory_space<semaphore_mem>>) src(%dma_wait3A_295 : memref<4000xi32, #tpu.memory_space<hbm>>) dst(%dma_wait3A_294 : memref<4000xi32, #tpu.memory_space<vmem>>)
          "tpu.trace_stop"() : () -> ()
        } else {
        }
        %ne3A_204 = arith.cmpi ne, %add3A_141, %add3A_151 : i32
        %or3A_205 = arith.constant false
        %or3A_206 = arith.ori %or3A_205, %ne3A_204 : i1
        %or3A_207 = arith.ori %or3A_206, %eq3A_137 : i1
        %convert_element_type3A_208 = arith.extui %or3A_207 : i1 to i32
        %cond3A_209 = arith.constant 0 : i32
        %cond3A_210 = arith.cmpi ne, %convert_element_type3A_208, %cond3A_209 : i32
        scf.if %cond3A_210 {
          "tpu.trace_start"() <{level = 10 : i32, message = "ep_wait_in"}> : () -> ()
          %mul3A_283 = arith.constant 4000 : i32
          %mul3A_284 = arith.muli %mul3A_283, %add3A_141 : i32
          %rem3A_285 = arith.constant 2 : i32
          %rem3A_286 = arith.remui %scan3A_134, %rem3A_285 : i32
          %mul3A_287 = arith.constant 4000 : i32
          %mul3A_288 = arith.muli %rem3A_286, %mul3A_287 : i32
          %add3A_289 = arith.constant 0 : i32
          %add3A_290 = arith.addi %mul3A_288, %add3A_289 : i32
          %dma_wait3A = tpu.memref_slice %run_scoped3A_12[%add3A_290] : memref<8000xi32, #tpu.memory_space<vmem>> -> memref<4000xi32, #tpu.memory_space<vmem>>
          %dma_wait3A_291 = tpu.memref_slice %arg4[%mul3A_284] : memref<640000xi32, #tpu.memory_space<hbm>> -> memref<4000xi32, #tpu.memory_space<hbm>>
          %dma_wait3A_292 = tpu.memref_slice %run_scoped3A_13[%rem3A_286] : memref<2x!tpu.dma_semaphore, #tpu.memory_space<semaphore_mem>> -> memref<1x!tpu.dma_semaphore, #tpu.memory_space<semaphore_mem>>
          %dma_wait3A_293 = tpu.memref_squeeze %dma_wait3A_292 : memref<1x!tpu.dma_semaphore, #tpu.memory_space<semaphore_mem>> -> memref<!tpu.dma_semaphore, #tpu.memory_space<semaphore_mem>>
          %dma_wait3A_294 = tpu.memref_slice %run_scoped3A_12[%add3A_290] : memref<8000xi32, #tpu.memory_space<vmem>> -> memref<4000xi32, #tpu.memory_space<vmem>>
          %dma_wait3A_295 = tpu.memref_slice %arg4[%mul3A_284] : memref<640000xi32, #tpu.memory_space<hbm>> -> memref<4000xi32, #tpu.memory_space<hbm>>
          tpu.wait_dma2 semaphore(%dma_wait3A_293 : memref<!tpu.dma_semaphore, #tpu.memory_space<semaphore_mem>>) src(%dma_wait3A_295 : memref<4000xi32, #tpu.memory_space<hbm>>) dst(%dma_wait3A_294 : memref<4000xi32, #tpu.memory_space<vmem>>)
          "tpu.trace_stop"() : () -> ()
        } else {
        }
        %rem3A_211 = arith.constant 2 : i32
        %rem3A_212 = arith.remui %scan3A_132, %rem3A_211 : i32
        %mul3A_213 = arith.constant 4000 : i32
        %mul3A_214 = arith.muli %rem3A_212, %mul3A_213 : i32
        %rem3A_215 = arith.constant 2 : i32
        %rem3A_216 = arith.remui %scan3A_134, %rem3A_215 : i32
        %mul3A_217 = arith.constant 4000 : i32
        %mul3A_218 = arith.muli %rem3A_216, %mul3A_217 : i32
        %parallel_loop3A = arith.constant 0 : i32
        %parallel_loop3A_219 = arith.constant 4000 : i32
        %parallel_loop3A_220 = arith.constant 16 : i32
        "tpu.trace_start"() <{level = 10 : i32, message = "ep_run_kernel"}> : () -> ()
        scf.for %parallel_loop3A_283 = %parallel_loop3A to %parallel_loop3A_219 step %parallel_loop3A_220  : i32 {
          %parallel_loop3A_284 = tpu.memref_slice %run_scoped3A[%mul3A_214] : memref<8000xi32, #tpu.memory_space<vmem>> -> memref<4000xi32, #tpu.memory_space<vmem>>
          %parallel_loop3A_285 = arith.index_cast %parallel_loop3A_283 : i32 to index
          %parallel_loop3A_286 = tpu.vector_load %parallel_loop3A_284[%parallel_loop3A_285] {strides = array<i32>} : memref<4000xi32, #tpu.memory_space<vmem>>, vector<16xi32>,
          %parallel_loop3A_287 = tpu.memref_slice %run_scoped3A_12[%mul3A_218] : memref<8000xi32, #tpu.memory_space<vmem>> -> memref<4000xi32, #tpu.memory_space<vmem>>
          %parallel_loop3A_288 = arith.index_cast %parallel_loop3A_283 : i32 to index
          %parallel_loop3A_289 = tpu.vector_load %parallel_loop3A_287[%parallel_loop3A_288] {strides = array<i32>} : memref<4000xi32, #tpu.memory_space<vmem>>, vector<16xi32>,
          %parallel_loop3A_290 = arith.constant 0 : i32
          %parallel_loop3A_291 = vector.broadcast %parallel_loop3A_290 : i32 to vector<16xi32>
          %parallel_loop3A_292 = arith.addi %parallel_loop3A_289, %parallel_loop3A_291 : vector<16xi32>
          %parallel_loop3A_293 = tpu.vector_load_idx %arg7[%parallel_loop3A_292] : memref<20000xf32, #tpu.memory_space<vmem>>[vector<16xi32>], vector<16xf32>,
          %parallel_loop3A_294 = arith.constant 5000 : i32
          %parallel_loop3A_295 = vector.broadcast %parallel_loop3A_294 : i32 to vector<16xi32>
          %parallel_loop3A_296 = arith.addi %parallel_loop3A_289, %parallel_loop3A_295 : vector<16xi32>
          %parallel_loop3A_297 = tpu.vector_load_idx %arg7[%parallel_loop3A_296] : memref<20000xf32, #tpu.memory_space<vmem>>[vector<16xi32>], vector<16xf32>,
          %parallel_loop3A_298 = arith.constant 10000 : i32
          %parallel_loop3A_299 = vector.broadcast %parallel_loop3A_298 : i32 to vector<16xi32>
          %parallel_loop3A_300 = arith.addi %parallel_loop3A_289, %parallel_loop3A_299 : vector<16xi32>
          %parallel_loop3A_301 = tpu.vector_load_idx %arg7[%parallel_loop3A_300] : memref<20000xf32, #tpu.memory_space<vmem>>[vector<16xi32>], vector<16xf32>,
          %parallel_loop3A_302 = arith.constant 15000 : i32
          %parallel_loop3A_303 = vector.broadcast %parallel_loop3A_302 : i32 to vector<16xi32>
          %parallel_loop3A_304 = arith.addi %parallel_loop3A_289, %parallel_loop3A_303 : vector<16xi32>
          %parallel_loop3A_305 = tpu.vector_load_idx %arg7[%parallel_loop3A_304] : memref<20000xf32, #tpu.memory_space<vmem>>[vector<16xi32>], vector<16xf32>,
          %parallel_loop3A_306 = arith.constant 0 : i32
          %parallel_loop3A_307 = vector.broadcast %parallel_loop3A_306 : i32 to vector<16xi32>
          %parallel_loop3A_308 = arith.addi %parallel_loop3A_286, %parallel_loop3A_307 : vector<16xi32>
          tpu.vector_store_idx %arg8[%parallel_loop3A_308], %parallel_loop3A_293 {add = true} : memref<40000xf32, #tpu.memory_space<vmem>>[vector<16xi32>], vector<16xf32>,
          %parallel_loop3A_309 = arith.constant 10000 : i32
          %parallel_loop3A_310 = vector.broadcast %parallel_loop3A_309 : i32 to vector<16xi32>
          %parallel_loop3A_311 = arith.addi %parallel_loop3A_286, %parallel_loop3A_310 : vector<16xi32>
          tpu.vector_store_idx %arg8[%parallel_loop3A_311], %parallel_loop3A_297 {add = true} : memref<40000xf32, #tpu.memory_space<vmem>>[vector<16xi32>], vector<16xf32>,
          %parallel_loop3A_312 = arith.constant 20000 : i32
          %parallel_loop3A_313 = vector.broadcast %parallel_loop3A_312 : i32 to vector<16xi32>
          %parallel_loop3A_314 = arith.addi %parallel_loop3A_286, %parallel_loop3A_313 : vector<16xi32>
          tpu.vector_store_idx %arg8[%parallel_loop3A_314], %parallel_loop3A_301 {add = true} : memref<40000xf32, #tpu.memory_space<vmem>>[vector<16xi32>], vector<16xf32>,
          %parallel_loop3A_315 = arith.constant 30000 : i32
          %parallel_loop3A_316 = vector.broadcast %parallel_loop3A_315 : i32 to vector<16xi32>
          %parallel_loop3A_317 = arith.addi %parallel_loop3A_286, %parallel_loop3A_316 : vector<16xi32>
          tpu.vector_store_idx %arg8[%parallel_loop3A_317], %parallel_loop3A_305 {add = true} : memref<40000xf32, #tpu.memory_space<vmem>>[vector<16xi32>], vector<16xf32>,
        } {sc.loop_unroll_factor = 4 : i64, sc.parallel_access}
        "tpu.trace_stop"() : () -> ()
        %ne3A_221 = arith.cmpi ne, %add3A_141, %add3A_161 : i32
        %or3A_222 = arith.constant false
        %or3A_223 = arith.ori %or3A_222, %ne3A_221 : i1
        %or3A_224 = arith.ori %or3A_223, %eq3A_139 : i1
        %convert_element_type3A_225 = arith.extui %or3A_224 : i1 to i32
        %cond3A_226 = arith.constant 0 : i32
        %cond3A_227 = arith.cmpi ne, %convert_element_type3A_225, %cond3A_226 : i32
        scf.if %cond3A_227 {
        } else {
        }
        %and3A_228 = arith.constant false
        %and3A_229 = arith.andi %or3A_224, %and3A_228 : i1
        %ne3A_230 = arith.cmpi ne, %add3A_141, %add3A_161 : i32
        %or3A_231 = arith.constant false
        %or3A_232 = arith.ori %or3A_231, %ne3A_230 : i1
        %or3A_233 = arith.ori %or3A_232, %eq3A_139 : i1
        %convert_element_type3A_234 = arith.extui %or3A_233 : i1 to i32
        %cond3A_235 = arith.constant 0 : i32
        %cond3A_236 = arith.cmpi ne, %convert_element_type3A_234, %cond3A_235 : i32
        scf.if %cond3A_236 {
        } else {
        }
        %and3A_237 = arith.constant false
        %and3A_238 = arith.andi %or3A_233, %and3A_237 : i1
        %ne3A_239 = arith.cmpi ne, %add3A_141, %add3A_151 : i32
        %or3A_240 = arith.constant false
        %or3A_241 = arith.ori %or3A_240, %ne3A_239 : i1
        %not3A_242 = arith.constant true
        %not3A_243 = arith.xori %eq3A_137, %not3A_242 : i1
        %and3A_244 = arith.andi %or3A_241, %not3A_243 : i1
        %convert_element_type3A_245 = arith.extui %and3A_244 : i1 to i32
        %cond3A_246 = arith.constant 0 : i32
        %cond3A_247 = arith.cmpi ne, %convert_element_type3A_245, %cond3A_246 : i32
        scf.if %cond3A_247 {
        } else {
        }
        %and3A_248 = arith.constant false
        %and3A_249 = arith.andi %and3A_244, %and3A_248 : i1
        %ne3A_250 = arith.cmpi ne, %add3A_141, %add3A_151 : i32
        %or3A_251 = arith.constant false
        %or3A_252 = arith.ori %or3A_251, %ne3A_250 : i1
        %not3A_253 = arith.constant true
        %not3A_254 = arith.xori %eq3A_137, %not3A_253 : i1
        %and3A_255 = arith.andi %or3A_252, %not3A_254 : i1
        %convert_element_type3A_256 = arith.extui %and3A_255 : i1 to i32
        %cond3A_257 = arith.constant 0 : i32
        %cond3A_258 = arith.cmpi ne, %convert_element_type3A_256, %cond3A_257 : i32
        scf.if %cond3A_258 {
        } else {
        }
        %and3A_259 = arith.constant false
        %and3A_260 = arith.andi %and3A_255, %and3A_259 : i1
        %ne3A_261 = arith.cmpi ne, %add3A_141, %add3A_161 : i32
        %or3A_262 = arith.constant false
        %or3A_263 = arith.ori %or3A_262, %ne3A_261 : i1
        %or3A_264 = arith.ori %or3A_263, %eq3A_139 : i1
        %add3A_265 = arith.constant 1 : i32
        %add3A_266 = arith.addi %scan3A_132, %add3A_265 : i32
        %select_n3A_267 = arith.select %or3A_264, %add3A_266, %scan3A_132 : i32
        %ne3A_268 = arith.cmpi ne, %add3A_141, %add3A_161 : i32
        %or3A_269 = arith.constant false
        %or3A_270 = arith.ori %or3A_269, %ne3A_268 : i1
        %or3A_271 = arith.ori %or3A_270, %eq3A_139 : i1
        %add3A_272 = arith.constant 1 : i32
        %add3A_273 = arith.addi %scan3A_134, %add3A_272 : i32
        %select_n3A_274 = arith.select %or3A_271, %add3A_273, %scan3A_134 : i32
        %add3A_275 = arith.constant 1 : i32
        %add3A_276 = arith.addi %scan3A_135, %add3A_275 : i32
        %select_n3A_277 = arith.constant true
        %select_n3A_278 = arith.select %select_n3A_277, %add3A_276, %scan3A_135 : i32
        %eq3A_279 = arith.constant 160 : i32
        %eq3A_280 = arith.cmpi eq, %select_n3A_278, %eq3A_279 : i32
        %select_n3A_281 = arith.constant 0 : i32
        %select_n3A_282 = arith.select %eq3A_280, %select_n3A_281, %select_n3A_278 : i32
        scf.yield %select_n3A_180, %select_n3A_267, %select_n3A_196, %select_n3A_274, %select_n3A_282 : i32, i32, i32, i32, i32
      }
      %scan3A_90 = arith.constant 160 : i32
      %sub3A = arith.constant 1 : i32
      %sub3A_91 = arith.subi %scan3A_89#4, %sub3A : i32
      %select_n3A_92 = arith.constant true
      %select_n3A_93 = arith.select %select_n3A_92, %sub3A_91, %scan3A_89#4 : i32
      %eq3A_94 = arith.constant -1 : i32
      %eq3A_95 = arith.cmpi eq, %select_n3A_93, %eq3A_94 : i32
      %select_n3A_96 = arith.constant 159 : i32
      %select_n3A_97 = arith.select %eq3A_95, %select_n3A_96, %select_n3A_93 : i32
      %add3A_98 = arith.constant 0 : i32
      %add3A_99 = arith.addi %select_n3A_97, %add3A_98 : i32
      %sub3A_100 = arith.constant 1 : i32
      %sub3A_101 = arith.subi %select_n3A_97, %sub3A_100 : i32
      %select_n3A_102 = arith.constant true
      %select_n3A_103 = arith.select %select_n3A_102, %sub3A_101, %select_n3A_97 : i32
      %eq3A_104 = arith.constant -1 : i32
      %eq3A_105 = arith.cmpi eq, %select_n3A_103, %eq3A_104 : i32
      %select_n3A_106 = arith.constant 159 : i32
      %select_n3A_107 = arith.select %eq3A_105, %select_n3A_106, %select_n3A_103 : i32
      %add3A_108 = arith.constant 0 : i32
      %add3A_109 = arith.addi %select_n3A_107, %add3A_108 : i32
      %add3A_110 = arith.constant 1 : i32
      %add3A_111 = arith.addi %select_n3A_97, %add3A_110 : i32
      %select_n3A_112 = arith.constant true
      %select_n3A_113 = arith.select %select_n3A_112, %add3A_111, %select_n3A_97 : i32
      %eq3A_114 = arith.constant 160 : i32
      %eq3A_115 = arith.cmpi eq, %select_n3A_113, %eq3A_114 : i32
      %select_n3A_116 = arith.constant 0 : i32
      %select_n3A_117 = arith.select %eq3A_115, %select_n3A_116, %select_n3A_113 : i32
      %add3A_118 = arith.constant 0 : i32
      %add3A_119 = arith.addi %select_n3A_117, %add3A_118 : i32
      %add3A_120 = arith.constant 1 : i32
      %add3A_121 = arith.addi %select_n3A_117, %add3A_120 : i32
      %select_n3A_122 = arith.constant true
      %select_n3A_123 = arith.select %select_n3A_122, %add3A_121, %select_n3A_117 : i32
      %eq3A_124 = arith.constant 160 : i32
      %eq3A_125 = arith.cmpi eq, %select_n3A_123, %eq3A_124 : i32
      %select_n3A_126 = arith.constant 0 : i32
      %select_n3A_127 = arith.select %eq3A_125, %select_n3A_126, %select_n3A_123 : i32
      %add3A_128 = arith.constant 0 : i32
      %add3A_129 = arith.addi %select_n3A_127, %add3A_128 : i32
      tpu.yield
    }) : () -> ()
    "tpu.region"() ({
      %run_scoped3A = tpu.sem_alloc : memref<!tpu.dma_semaphore, #tpu.memory_space<semaphore_mem>>
      %dma_start3A = arith.constant 0 : i32
      %dma_start3A_11 = tpu.memref_slice %arg5[%add3A, %dma_start3A] : memref<32x40000xf32, #tpu.memory_space<hbm>> -> memref<1x40000xf32, #tpu.memory_space<hbm>>
      %dma_start3A_12 = tpu.memref_squeeze %dma_start3A_11 : memref<1x40000xf32, #tpu.memory_space<hbm>> -> memref<40000xf32, #tpu.memory_space<hbm>>
      %dma_start3A_13 = arith.constant 0 : i32
      %dma_start3A_14 = tpu.memref_slice %arg5[%add3A, %dma_start3A_13] : memref<32x40000xf32, #tpu.memory_space<hbm>> -> memref<1x40000xf32, #tpu.memory_space<hbm>>
      %dma_start3A_15 = tpu.memref_squeeze %dma_start3A_14 : memref<1x40000xf32, #tpu.memory_space<hbm>> -> memref<40000xf32, #tpu.memory_space<hbm>>
      tpu.enqueue_dma source(%arg8 : memref<40000xf32, #tpu.memory_space<vmem>>) target(%dma_start3A_15 : memref<40000xf32, #tpu.memory_space<hbm>>) target_semaphore(%run_scoped3A : memref<!tpu.dma_semaphore, #tpu.memory_space<semaphore_mem>>)
      %dma_wait3A = arith.constant 0 : i32
      %dma_wait3A_16 = tpu.memref_slice %arg5[%add3A, %dma_wait3A] : memref<32x40000xf32, #tpu.memory_space<hbm>> -> memref<1x40000xf32, #tpu.memory_space<hbm>>
      %dma_wait3A_17 = tpu.memref_squeeze %dma_wait3A_16 : memref<1x40000xf32, #tpu.memory_space<hbm>> -> memref<40000xf32, #tpu.memory_space<hbm>>
      %dma_wait3A_18 = arith.constant 0 : i32
      %dma_wait3A_19 = tpu.memref_slice %arg5[%add3A, %dma_wait3A_18] : memref<32x40000xf32, #tpu.memory_space<hbm>> -> memref<1x40000xf32, #tpu.memory_space<hbm>>
      %dma_wait3A_20 = tpu.memref_squeeze %dma_wait3A_19 : memref<1x40000xf32, #tpu.memory_space<hbm>> -> memref<40000xf32, #tpu.memory_space<hbm>>
      tpu.wait_dma2 semaphore(%run_scoped3A : memref<!tpu.dma_semaphore, #tpu.memory_space<semaphore_mem>>) src(%arg8 : memref<40000xf32, #tpu.memory_space<vmem>>) dst(%dma_wait3A_20 : memref<40000xf32, #tpu.memory_space<hbm>>)
      tpu.yield
    }) : () -> ()
    return
  }
}

#map = affine_map<(d0, d1) -> (0, 0)>
#map1 = affine_map<(d0, d1) -> (0)>
module attributes {stable_mosaic.version = 14 : i64} {
  func.func @agg_kernel(%arg0: i32, %arg1: i32, %arg2: memref<32x40000xf32, #tpu.memory_space<hbm>>, %arg3: memref<640000xi32, #tpu.memory_space<hbm>>, %arg4: memref<640000xi32, #tpu.memory_space<hbm>>, %arg5: memref<32x40000xf32, #tpu.memory_space<hbm>>, %arg6: memref<40000xf32, #tpu.memory_space<vmem>>, %arg7: memref<20000xf32, #tpu.memory_space<vmem>>, %arg8: memref<40000xf32, #tpu.memory_space<vmem>>) attributes {dimension_semantics = [#tpu.dimension_semantics<core_parallel>, #tpu.dimension_semantics<subcore_parallel>], iteration_bounds = array<i64: 2, 16>, scalar_prefetch = 0 : i64, scratch_operands = 3 : i64, tpu.core_type = #tpu.core_type<sc_vector_subcore>, window_params = [{transform_indices = #map}, {transform_indices = #map1}, {transform_indices = #map1}, {transform_indices = #map}]} {
    %mul3A = arith.constant 2 : i32
    %mul3A_0 = arith.muli %arg1, %mul3A : i32
    %add3A = arith.addi %mul3A_0, %arg0 : i32
    "tpu.region"() ({
      %run_scoped3A = tpu.sem_alloc : memref<!tpu.dma_semaphore, #tpu.memory_space<semaphore_mem>>
      %dma_start3A = arith.constant 0 : i32
      %dma_start3A_11 = tpu.memref_slice %arg2[%add3A, %dma_start3A] : memref<32x40000xf32, #tpu.memory_space<hbm>> -> memref<1x40000xf32, #tpu.memory_space<hbm>>
      %dma_start3A_12 = tpu.memref_squeeze %dma_start3A_11 : memref<1x40000xf32, #tpu.memory_space<hbm>> -> memref<40000xf32, #tpu.memory_space<hbm>>
      %dma_start3A_13 = arith.constant 0 : i32
      %dma_start3A_14 = tpu.memref_slice %arg2[%add3A, %dma_start3A_13] : memref<32x40000xf32, #tpu.memory_space<hbm>> -> memref<1x40000xf32, #tpu.memory_space<hbm>>
      %dma_start3A_15 = tpu.memref_squeeze %dma_start3A_14 : memref<1x40000xf32, #tpu.memory_space<hbm>> -> memref<40000xf32, #tpu.memory_space<hbm>>
      tpu.enqueue_dma source(%dma_start3A_15 : memref<40000xf32, #tpu.memory_space<hbm>>) target(%arg6 : memref<40000xf32, #tpu.memory_space<vmem>>) target_semaphore(%run_scoped3A : memref<!tpu.dma_semaphore, #tpu.memory_space<semaphore_mem>>)
      %dma_wait3A = arith.constant 0 : i32
      %dma_wait3A_16 = tpu.memref_slice %arg2[%add3A, %dma_wait3A] : memref<32x40000xf32, #tpu.memory_space<hbm>> -> memref<1x40000xf32, #tpu.memory_space<hbm>>
      %dma_wait3A_17 = tpu.memref_squeeze %dma_wait3A_16 : memref<1x40000xf32, #tpu.memory_space<hbm>> -> memref<40000xf32, #tpu.memory_space<hbm>>
      %dma_wait3A_18 = arith.constant 0 : i32
      %dma_wait3A_19 = tpu.memref_slice %arg2[%add3A, %dma_wait3A_18] : memref<32x40000xf32, #tpu.memory_space<hbm>> -> memref<1x40000xf32, #tpu.memory_space<hbm>>
      %dma_wait3A_20 = tpu.memref_squeeze %dma_wait3A_19 : memref<1x40000xf32, #tpu.memory_space<hbm>> -> memref<40000xf32, #tpu.memory_space<hbm>>
      tpu.wait_dma2 semaphore(%run_scoped3A : memref<!tpu.dma_semaphore, #tpu.memory_space<semaphore_mem>>) src(%dma_wait3A_20 : memref<40000xf32, #tpu.memory_space<hbm>>) dst(%arg6 : memref<40000xf32, #tpu.memory_space<vmem>>)
      tpu.yield
    }) : () -> ()
    %broadcast_in_dim3A = arith.constant 0.000000e+00 : f32
    %broadcast_in_dim3A_1 = vector.broadcast %broadcast_in_dim3A : f32 to vector<16xf32>
    %scan3A = arith.constant 0 : i32
    %scan3A_2 = arith.constant 1250 : i32
    %scan3A_3 = arith.addi %scan3A, %scan3A_2 : i32
    %scan3A_4 = arith.constant 1 : i32
    scf.for %scan3A_11 = %scan3A to %scan3A_3 step %scan3A_4  : i32 {
      %mul3A_12 = arith.constant 16 : i32
      %mul3A_13 = arith.muli %scan3A_11, %mul3A_12 : i32
      %add3A_14 = arith.constant 0 : i32
      %add3A_15 = arith.addi %add3A_14, %mul3A_13 : i32
      %swap3A = arith.index_cast %add3A_15 : i32 to index
      %swap3A_16 = tpu.vector_load %arg7[%swap3A] {strides = array<i32>} : memref<20000xf32, #tpu.memory_space<vmem>>, vector<16xf32>,
      tpu.vector_store %arg7[%swap3A], %broadcast_in_dim3A_1 {strides = array<i32>} : memref<20000xf32, #tpu.memory_space<vmem>>, vector<16xf32>,
    }
    %scan3A_5 = arith.constant 1250 : i32
    %scan3A_6 = arith.constant 0 : i32
    %scan3A_7 = arith.constant 2500 : i32
    %scan3A_8 = arith.addi %scan3A_6, %scan3A_7 : i32
    %scan3A_9 = arith.constant 1 : i32
    scf.for %scan3A_11 = %scan3A_6 to %scan3A_8 step %scan3A_9  : i32 {
      %mul3A_12 = arith.constant 16 : i32
      %mul3A_13 = arith.muli %scan3A_11, %mul3A_12 : i32
      %add3A_14 = arith.constant 0 : i32
      %add3A_15 = arith.addi %add3A_14, %mul3A_13 : i32
      %swap3A = arith.index_cast %add3A_15 : i32 to index
      %swap3A_16 = tpu.vector_load %arg8[%swap3A] {strides = array<i32>} : memref<40000xf32, #tpu.memory_space<vmem>>, vector<16xf32>,
      tpu.vector_store %arg8[%swap3A], %broadcast_in_dim3A_1 {strides = array<i32>} : memref<40000xf32, #tpu.memory_space<vmem>>, vector<16xf32>,
    }
    %scan3A_10 = arith.constant 2500 : i32
    "tpu.region"() ({
      %run_scoped3A = memref.alloca() : memref<8000xi32, #tpu.memory_space<vmem>>
      %run_scoped3A_11 = tpu.sem_alloc : memref<2x!tpu.dma_semaphore, #tpu.memory_space<semaphore_mem>>
      %run_scoped3A_12 = memref.alloca() : memref<8000xi32, #tpu.memory_space<vmem>>
      %run_scoped3A_13 = tpu.sem_alloc : memref<2x!tpu.dma_semaphore, #tpu.memory_space<semaphore_mem>>
      %select_n3A = arith.constant true
      %select_n3A_14 = arith.constant 0 : i32
      %select_n3A_15 = arith.constant -1 : i32
      %select_n3A_16 = arith.select %select_n3A, %select_n3A_15, %select_n3A_14 : i32
      %eq3A = arith.constant -1 : i32
      %eq3A_17 = arith.cmpi eq, %select_n3A_16, %eq3A : i32
      %select_n3A_18 = arith.constant 159 : i32
      %select_n3A_19 = arith.select %eq3A_17, %select_n3A_18, %select_n3A_16 : i32
      %add3A_20 = arith.constant 0 : i32
      %add3A_21 = arith.addi %select_n3A_19, %add3A_20 : i32
      %select_n3A_22 = arith.constant true
      %select_n3A_23 = arith.constant 0 : i32
      %select_n3A_24 = arith.constant 1 : i32
      %select_n3A_25 = arith.select %select_n3A_22, %select_n3A_24, %select_n3A_23 : i32
      %eq3A_26 = arith.constant 160 : i32
      %eq3A_27 = arith.cmpi eq, %select_n3A_25, %eq3A_26 : i32
      %select_n3A_28 = arith.constant 0 : i32
      %select_n3A_29 = arith.select %eq3A_27, %select_n3A_28, %select_n3A_25 : i32
      %add3A_30 = arith.constant 0 : i32
      %add3A_31 = arith.addi %select_n3A_29, %add3A_30 : i32
      %add3A_32 = arith.constant 1 : i32
      %add3A_33 = arith.addi %select_n3A_29, %add3A_32 : i32
      %select_n3A_34 = arith.constant true
      %select_n3A_35 = arith.select %select_n3A_34, %add3A_33, %select_n3A_29 : i32
      %eq3A_36 = arith.constant 160 : i32
      %eq3A_37 = arith.cmpi eq, %select_n3A_35, %eq3A_36 : i32
      %select_n3A_38 = arith.constant 0 : i32
      %select_n3A_39 = arith.select %eq3A_37, %select_n3A_38, %select_n3A_35 : i32
      %add3A_40 = arith.constant 0 : i32
      %add3A_41 = arith.addi %select_n3A_39, %add3A_40 : i32
      "tpu.trace_start"() <{level = 10 : i32, message = "ep_initialize_0"}> : () -> ()
      %rem3A = arith.constant 0 : i32
      %rem3A_42 = arith.constant 2 : i32
      %rem3A_43 = arith.remui %rem3A, %rem3A_42 : i32
      %mul3A_44 = arith.constant 4000 : i32
      %mul3A_45 = arith.muli %rem3A_43, %mul3A_44 : i32
      %add3A_46 = arith.constant 0 : i32
      %add3A_47 = arith.addi %mul3A_45, %add3A_46 : i32
      %dma_start3A = tpu.memref_slice %run_scoped3A[%add3A_47] : memref<8000xi32, #tpu.memory_space<vmem>> -> memref<4000xi32, #tpu.memory_space<vmem>>
      %dma_start3A_48 = arith.constant 0 : i32
      %dma_start3A_49 = tpu.memref_slice %arg3[%dma_start3A_48] : memref<640000xi32, #tpu.memory_space<hbm>> -> memref<4000xi32, #tpu.memory_space<hbm>>
      %dma_start3A_50 = tpu.memref_slice %run_scoped3A_11[%rem3A_43] : memref<2x!tpu.dma_semaphore, #tpu.memory_space<semaphore_mem>> -> memref<1x!tpu.dma_semaphore, #tpu.memory_space<semaphore_mem>>
      %dma_start3A_51 = tpu.memref_squeeze %dma_start3A_50 : memref<1x!tpu.dma_semaphore, #tpu.memory_space<semaphore_mem>> -> memref<!tpu.dma_semaphore, #tpu.memory_space<semaphore_mem>>
      %dma_start3A_52 = tpu.memref_slice %run_scoped3A[%add3A_47] : memref<8000xi32, #tpu.memory_space<vmem>> -> memref<4000xi32, #tpu.memory_space<vmem>>
      %dma_start3A_53 = arith.constant 0 : i32
      %dma_start3A_54 = tpu.memref_slice %arg3[%dma_start3A_53] : memref<640000xi32, #tpu.memory_space<hbm>> -> memref<4000xi32, #tpu.memory_space<hbm>>
      tpu.enqueue_dma source(%dma_start3A_54 : memref<4000xi32, #tpu.memory_space<hbm>>) target(%dma_start3A_52 : memref<4000xi32, #tpu.memory_space<vmem>>) target_semaphore(%dma_start3A_51 : memref<!tpu.dma_semaphore, #tpu.memory_space<semaphore_mem>>)
      %add3A_55 = arith.constant 0 : i32
      %add3A_56 = arith.constant 1 : i32
      %add3A_57 = arith.addi %add3A_55, %add3A_56 : i32
      %select_n3A_58 = arith.constant true
      %select_n3A_59 = arith.constant 0 : i32
      %select_n3A_60 = arith.select %select_n3A_58, %add3A_57, %select_n3A_59 : i32
      %rem3A_61 = arith.constant 0 : i32
      %rem3A_62 = arith.constant 2 : i32
      %rem3A_63 = arith.remui %rem3A_61, %rem3A_62 : i32
      %mul3A_64 = arith.constant 4000 : i32
      %mul3A_65 = arith.muli %rem3A_63, %mul3A_64 : i32
      %add3A_66 = arith.constant 0 : i32
      %add3A_67 = arith.addi %mul3A_65, %add3A_66 : i32
      %dma_start3A_68 = tpu.memref_slice %run_scoped3A_12[%add3A_67] : memref<8000xi32, #tpu.memory_space<vmem>> -> memref<4000xi32, #tpu.memory_space<vmem>>
      %dma_start3A_69 = arith.constant 0 : i32
      %dma_start3A_70 = tpu.memref_slice %arg4[%dma_start3A_69] : memref<640000xi32, #tpu.memory_space<hbm>> -> memref<4000xi32, #tpu.memory_space<hbm>>
      %dma_start3A_71 = tpu.memref_slice %run_scoped3A_13[%rem3A_63] : memref<2x!tpu.dma_semaphore, #tpu.memory_space<semaphore_mem>> -> memref<1x!tpu.dma_semaphore, #tpu.memory_space<semaphore_mem>>
      %dma_start3A_72 = tpu.memref_squeeze %dma_start3A_71 : memref<1x!tpu.dma_semaphore, #tpu.memory_space<semaphore_mem>> -> memref<!tpu.dma_semaphore, #tpu.memory_space<semaphore_mem>>
      %dma_start3A_73 = tpu.memref_slice %run_scoped3A_12[%add3A_67] : memref<8000xi32, #tpu.memory_space<vmem>> -> memref<4000xi32, #tpu.memory_space<vmem>>
      %dma_start3A_74 = arith.constant 0 : i32
      %dma_start3A_75 = tpu.memref_slice %arg4[%dma_start3A_74] : memref<640000xi32, #tpu.memory_space<hbm>> -> memref<4000xi32, #tpu.memory_space<hbm>>
      tpu.enqueue_dma source(%dma_start3A_75 : memref<4000xi32, #tpu.memory_space<hbm>>) target(%dma_start3A_73 : memref<4000xi32, #tpu.memory_space<vmem>>) target_semaphore(%dma_start3A_72 : memref<!tpu.dma_semaphore, #tpu.memory_space<semaphore_mem>>)
      %add3A_76 = arith.constant 0 : i32
      %add3A_77 = arith.constant 1 : i32
      %add3A_78 = arith.addi %add3A_76, %add3A_77 : i32
      %select_n3A_79 = arith.constant true
      %select_n3A_80 = arith.constant 0 : i32
      %select_n3A_81 = arith.select %select_n3A_79, %add3A_78, %select_n3A_80 : i32
      "tpu.trace_stop"() : () -> ()
      %scan3A_82 = arith.constant 0 : i32
      %scan3A_83 = arith.constant 0 : i32
      %scan3A_84 = arith.constant 0 : i32
      %scan3A_85 = arith.constant 0 : i32
      %scan3A_86 = arith.constant 160 : i32
      %scan3A_87 = arith.addi %scan3A_85, %scan3A_86 : i32
      %scan3A_88 = arith.constant 1 : i32
      %scan3A_89:5 = scf.for %scan3A_130 = %scan3A_85 to %scan3A_87 step %scan3A_88 iter_args(%scan3A_131 = %select_n3A_60, %scan3A_132 = %scan3A_82, %scan3A_133 = %select_n3A_81, %scan3A_134 = %scan3A_83, %scan3A_135 = %scan3A_84) -> (i32, i32, i32, i32, i32)  : i32 {
        %eq3A_136 = arith.constant 0 : i32
        %eq3A_137 = arith.cmpi eq, %scan3A_130, %eq3A_136 : i32
        %eq3A_138 = arith.constant 159 : i32
        %eq3A_139 = arith.cmpi eq, %scan3A_130, %eq3A_138 : i32
        %add3A_140 = arith.constant 0 : i32
        %add3A_141 = arith.addi %scan3A_135, %add3A_140 : i32
        %sub3A_142 = arith.constant 1 : i32
        %sub3A_143 = arith.subi %scan3A_135, %sub3A_142 : i32
        %select_n3A_144 = arith.constant true
        %select_n3A_145 = arith.select %select_n3A_144, %sub3A_143, %scan3A_135 : i32
        %eq3A_146 = arith.constant -1 : i32
        %eq3A_147 = arith.cmpi eq, %select_n3A_145, %eq3A_146 : i32
        %select_n3A_148 = arith.constant 159 : i32
        %select_n3A_149 = arith.select %eq3A_147, %select_n3A_148, %select_n3A_145 : i32
        %add3A_150 = arith.constant 0 : i32
        %add3A_151 = arith.addi %select_n3A_149, %add3A_150 : i32
        %add3A_152 = arith.constant 1 : i32
        %add3A_153 = arith.addi %scan3A_135, %add3A_152 : i32
        %select_n3A_154 = arith.constant true
        %select_n3A_155 = arith.select %select_n3A_154, %add3A_153, %scan3A_135 : i32
        %eq3A_156 = arith.constant 160 : i32
        %eq3A_157 = arith.cmpi eq, %select_n3A_155, %eq3A_156 : i32
        %select_n3A_158 = arith.constant 0 : i32
        %select_n3A_159 = arith.select %eq3A_157, %select_n3A_158, %select_n3A_155 : i32
        %add3A_160 = arith.constant 0 : i32
        %add3A_161 = arith.addi %select_n3A_159, %add3A_160 : i32
        %add3A_162 = arith.constant 1 : i32
        %add3A_163 = arith.addi %select_n3A_159, %add3A_162 : i32
        %select_n3A_164 = arith.constant true
        %select_n3A_165 = arith.select %select_n3A_164, %add3A_163, %select_n3A_159 : i32
        %eq3A_166 = arith.constant 160 : i32
        %eq3A_167 = arith.cmpi eq, %select_n3A_165, %eq3A_166 : i32
        %select_n3A_168 = arith.constant 0 : i32
        %select_n3A_169 = arith.select %eq3A_167, %select_n3A_168, %select_n3A_165 : i32
        %add3A_170 = arith.constant 0 : i32
        %add3A_171 = arith.addi %select_n3A_169, %add3A_170 : i32
        %ne3A = arith.cmpi ne, %add3A_141, %add3A_161 : i32
        %or3A = arith.constant false
        %or3A_172 = arith.ori %or3A, %ne3A : i1
        %ge3A = arith.constant 159 : i32
        %ge3A_173 = arith.cmpi sge, %scan3A_130, %ge3A : i32
        %not3A = arith.constant true
        %not3A_174 = arith.xori %ge3A_173, %not3A : i1
        %and3A = arith.andi %or3A_172, %not3A_174 : i1
        %convert_element_type3A = arith.extui %and3A : i1 to i32
        %cond3A = arith.constant 0 : i32
        %cond3A_175 = arith.cmpi ne, %convert_element_type3A, %cond3A : i32
        scf.if %cond3A_175 {
          "tpu.trace_start"() <{level = 10 : i32, message = "ep_copy_in"}> : () -> ()
          %rem3A_283 = arith.constant 2 : i32
          %rem3A_284 = arith.remui %scan3A_131, %rem3A_283 : i32
          %mul3A_285 = arith.constant 4000 : i32
          %mul3A_286 = arith.muli %mul3A_285, %add3A_161 : i32
          %mul3A_287 = arith.constant 4000 : i32
          %mul3A_288 = arith.muli %rem3A_284, %mul3A_287 : i32
          %add3A_289 = arith.constant 0 : i32
          %add3A_290 = arith.addi %mul3A_288, %add3A_289 : i32
          %dma_start3A_291 = tpu.memref_slice %run_scoped3A[%add3A_290] : memref<8000xi32, #tpu.memory_space<vmem>> -> memref<4000xi32, #tpu.memory_space<vmem>>
          %dma_start3A_292 = tpu.memref_slice %arg3[%mul3A_286] : memref<640000xi32, #tpu.memory_space<hbm>> -> memref<4000xi32, #tpu.memory_space<hbm>>
          %dma_start3A_293 = tpu.memref_slice %run_scoped3A_11[%rem3A_284] : memref<2x!tpu.dma_semaphore, #tpu.memory_space<semaphore_mem>> -> memref<1x!tpu.dma_semaphore, #tpu.memory_space<semaphore_mem>>
          %dma_start3A_294 = tpu.memref_squeeze %dma_start3A_293 : memref<1x!tpu.dma_semaphore, #tpu.memory_space<semaphore_mem>> -> memref<!tpu.dma_semaphore, #tpu.memory_space<semaphore_mem>>
          %dma_start3A_295 = tpu.memref_slice %run_scoped3A[%add3A_290] : memref<8000xi32, #tpu.memory_space<vmem>> -> memref<4000xi32, #tpu.memory_space<vmem>>
          %dma_start3A_296 = tpu.memref_slice %arg3[%mul3A_286] : memref<640000xi32, #tpu.memory_space<hbm>> -> memref<4000xi32, #tpu.memory_space<hbm>>
          tpu.enqueue_dma source(%dma_start3A_296 : memref<4000xi32, #tpu.memory_space<hbm>>) target(%dma_start3A_295 : memref<4000xi32, #tpu.memory_space<vmem>>) target_semaphore(%dma_start3A_294 : memref<!tpu.dma_semaphore, #tpu.memory_space<semaphore_mem>>)
          "tpu.trace_stop"() : () -> ()
        } else {
        }
        %and3A_176 = arith.constant true
        %and3A_177 = arith.andi %and3A, %and3A_176 : i1
        %add3A_178 = arith.constant 1 : i32
        %add3A_179 = arith.addi %scan3A_131, %add3A_178 : i32
        %select_n3A_180 = arith.select %and3A_177, %add3A_179, %scan3A_131 : i32
        %ne3A_181 = arith.cmpi ne, %add3A_141, %add3A_161 : i32
        %or3A_182 = arith.constant false
        %or3A_183 = arith.ori %or3A_182, %ne3A_181 : i1
        %ge3A_184 = arith.constant 159 : i32
        %ge3A_185 = arith.cmpi sge, %scan3A_130, %ge3A_184 : i32
        %not3A_186 = arith.constant true
        %not3A_187 = arith.xori %ge3A_185, %not3A_186 : i1
        %and3A_188 = arith.andi %or3A_183, %not3A_187 : i1
        %convert_element_type3A_189 = arith.extui %and3A_188 : i1 to i32
        %cond3A_190 = arith.constant 0 : i32
        %cond3A_191 = arith.cmpi ne, %convert_element_type3A_189, %cond3A_190 : i32
        scf.if %cond3A_191 {
          "tpu.trace_start"() <{level = 10 : i32, message = "ep_copy_in"}> : () -> ()
          %rem3A_283 = arith.constant 2 : i32
          %rem3A_284 = arith.remui %scan3A_133, %rem3A_283 : i32
          %mul3A_285 = arith.constant 4000 : i32
          %mul3A_286 = arith.muli %mul3A_285, %add3A_161 : i32
          %mul3A_287 = arith.constant 4000 : i32
          %mul3A_288 = arith.muli %rem3A_284, %mul3A_287 : i32
          %add3A_289 = arith.constant 0 : i32
          %add3A_290 = arith.addi %mul3A_288, %add3A_289 : i32
          %dma_start3A_291 = tpu.memref_slice %run_scoped3A_12[%add3A_290] : memref<8000xi32, #tpu.memory_space<vmem>> -> memref<4000xi32, #tpu.memory_space<vmem>>
          %dma_start3A_292 = tpu.memref_slice %arg4[%mul3A_286] : memref<640000xi32, #tpu.memory_space<hbm>> -> memref<4000xi32, #tpu.memory_space<hbm>>
          %dma_start3A_293 = tpu.memref_slice %run_scoped3A_13[%rem3A_284] : memref<2x!tpu.dma_semaphore, #tpu.memory_space<semaphore_mem>> -> memref<1x!tpu.dma_semaphore, #tpu.memory_space<semaphore_mem>>
          %dma_start3A_294 = tpu.memref_squeeze %dma_start3A_293 : memref<1x!tpu.dma_semaphore, #tpu.memory_space<semaphore_mem>> -> memref<!tpu.dma_semaphore, #tpu.memory_space<semaphore_mem>>
          %dma_start3A_295 = tpu.memref_slice %run_scoped3A_12[%add3A_290] : memref<8000xi32, #tpu.memory_space<vmem>> -> memref<4000xi32, #tpu.memory_space<vmem>>
          %dma_start3A_296 = tpu.memref_slice %arg4[%mul3A_286] : memref<640000xi32, #tpu.memory_space<hbm>> -> memref<4000xi32, #tpu.memory_space<hbm>>
          tpu.enqueue_dma source(%dma_start3A_296 : memref<4000xi32, #tpu.memory_space<hbm>>) target(%dma_start3A_295 : memref<4000xi32, #tpu.memory_space<vmem>>) target_semaphore(%dma_start3A_294 : memref<!tpu.dma_semaphore, #tpu.memory_space<semaphore_mem>>)
          "tpu.trace_stop"() : () -> ()
        } else {
        }
        %and3A_192 = arith.constant true
        %and3A_193 = arith.andi %and3A_188, %and3A_192 : i1
        %add3A_194 = arith.constant 1 : i32
        %add3A_195 = arith.addi %scan3A_133, %add3A_194 : i32
        %select_n3A_196 = arith.select %and3A_193, %add3A_195, %scan3A_133 : i32
        %ne3A_197 = arith.cmpi ne, %add3A_141, %add3A_151 : i32
        %or3A_198 = arith.constant false
        %or3A_199 = arith.ori %or3A_198, %ne3A_197 : i1
        %or3A_200 = arith.ori %or3A_199, %eq3A_137 : i1
        %convert_element_type3A_201 = arith.extui %or3A_200 : i1 to i32
        %cond3A_202 = arith.constant 0 : i32
        %cond3A_203 = arith.cmpi ne, %convert_element_type3A_201, %cond3A_202 : i32
        scf.if %cond3A_203 {
          "tpu.trace_start"() <{level = 10 : i32, message = "ep_wait_in"}> : () -> ()
          %mul3A_283 = arith.constant 4000 : i32
          %mul3A_284 = arith.muli %mul3A_283, %add3A_141 : i32
          %rem3A_285 = arith.constant 2 : i32
          %rem3A_286 = arith.remui %scan3A_132, %rem3A_285 : i32
          %mul3A_287 = arith.constant 4000 : i32
          %mul3A_288 = arith.muli %rem3A_286, %mul3A_287 : i32
          %add3A_289 = arith.constant 0 : i32
          %add3A_290 = arith.addi %mul3A_288, %add3A_289 : i32
          %dma_wait3A = tpu.memref_slice %run_scoped3A[%add3A_290] : memref<8000xi32, #tpu.memory_space<vmem>> -> memref<4000xi32, #tpu.memory_space<vmem>>
          %dma_wait3A_291 = tpu.memref_slice %arg3[%mul3A_284] : memref<640000xi32, #tpu.memory_space<hbm>> -> memref<4000xi32, #tpu.memory_space<hbm>>
          %dma_wait3A_292 = tpu.memref_slice %run_scoped3A_11[%rem3A_286] : memref<2x!tpu.dma_semaphore, #tpu.memory_space<semaphore_mem>> -> memref<1x!tpu.dma_semaphore, #tpu.memory_space<semaphore_mem>>
          %dma_wait3A_293 = tpu.memref_squeeze %dma_wait3A_292 : memref<1x!tpu.dma_semaphore, #tpu.memory_space<semaphore_mem>> -> memref<!tpu.dma_semaphore, #tpu.memory_space<semaphore_mem>>
          %dma_wait3A_294 = tpu.memref_slice %run_scoped3A[%add3A_290] : memref<8000xi32, #tpu.memory_space<vmem>> -> memref<4000xi32, #tpu.memory_space<vmem>>
          %dma_wait3A_295 = tpu.memref_slice %arg3[%mul3A_284] : memref<640000xi32, #tpu.memory_space<hbm>> -> memref<4000xi32, #tpu.memory_space<hbm>>
          tpu.wait_dma2 semaphore(%dma_wait3A_293 : memref<!tpu.dma_semaphore, #tpu.memory_space<semaphore_mem>>) src(%dma_wait3A_295 : memref<4000xi32, #tpu.memory_space<hbm>>) dst(%dma_wait3A_294 : memref<4000xi32, #tpu.memory_space<vmem>>)
          "tpu.trace_stop"() : () -> ()
        } else {
        }
        %ne3A_204 = arith.cmpi ne, %add3A_141, %add3A_151 : i32
        %or3A_205 = arith.constant false
        %or3A_206 = arith.ori %or3A_205, %ne3A_204 : i1
        %or3A_207 = arith.ori %or3A_206, %eq3A_137 : i1
        %convert_element_type3A_208 = arith.extui %or3A_207 : i1 to i32
        %cond3A_209 = arith.constant 0 : i32
        %cond3A_210 = arith.cmpi ne, %convert_element_type3A_208, %cond3A_209 : i32
        scf.if %cond3A_210 {
          "tpu.trace_start"() <{level = 10 : i32, message = "ep_wait_in"}> : () -> ()
          %mul3A_283 = arith.constant 4000 : i32
          %mul3A_284 = arith.muli %mul3A_283, %add3A_141 : i32
          %rem3A_285 = arith.constant 2 : i32
          %rem3A_286 = arith.remui %scan3A_134, %rem3A_285 : i32
          %mul3A_287 = arith.constant 4000 : i32
          %mul3A_288 = arith.muli %rem3A_286, %mul3A_287 : i32
          %add3A_289 = arith.constant 0 : i32
          %add3A_290 = arith.addi %mul3A_288, %add3A_289 : i32
          %dma_wait3A = tpu.memref_slice %run_scoped3A_12[%add3A_290] : memref<8000xi32, #tpu.memory_space<vmem>> -> memref<4000xi32, #tpu.memory_space<vmem>>
          %dma_wait3A_291 = tpu.memref_slice %arg4[%mul3A_284] : memref<640000xi32, #tpu.memory_space<hbm>> -> memref<4000xi32, #tpu.memory_space<hbm>>
          %dma_wait3A_292 = tpu.memref_slice %run_scoped3A_13[%rem3A_286] : memref<2x!tpu.dma_semaphore, #tpu.memory_space<semaphore_mem>> -> memref<1x!tpu.dma_semaphore, #tpu.memory_space<semaphore_mem>>
          %dma_wait3A_293 = tpu.memref_squeeze %dma_wait3A_292 : memref<1x!tpu.dma_semaphore, #tpu.memory_space<semaphore_mem>> -> memref<!tpu.dma_semaphore, #tpu.memory_space<semaphore_mem>>
          %dma_wait3A_294 = tpu.memref_slice %run_scoped3A_12[%add3A_290] : memref<8000xi32, #tpu.memory_space<vmem>> -> memref<4000xi32, #tpu.memory_space<vmem>>
          %dma_wait3A_295 = tpu.memref_slice %arg4[%mul3A_284] : memref<640000xi32, #tpu.memory_space<hbm>> -> memref<4000xi32, #tpu.memory_space<hbm>>
          tpu.wait_dma2 semaphore(%dma_wait3A_293 : memref<!tpu.dma_semaphore, #tpu.memory_space<semaphore_mem>>) src(%dma_wait3A_295 : memref<4000xi32, #tpu.memory_space<hbm>>) dst(%dma_wait3A_294 : memref<4000xi32, #tpu.memory_space<vmem>>)
          "tpu.trace_stop"() : () -> ()
        } else {
        }
        %rem3A_211 = arith.constant 2 : i32
        %rem3A_212 = arith.remui %scan3A_132, %rem3A_211 : i32
        %mul3A_213 = arith.constant 4000 : i32
        %mul3A_214 = arith.muli %rem3A_212, %mul3A_213 : i32
        %rem3A_215 = arith.constant 2 : i32
        %rem3A_216 = arith.remui %scan3A_134, %rem3A_215 : i32
        %mul3A_217 = arith.constant 4000 : i32
        %mul3A_218 = arith.muli %rem3A_216, %mul3A_217 : i32
        %parallel_loop3A = arith.constant 0 : i32
        %parallel_loop3A_219 = arith.constant 4000 : i32
        %parallel_loop3A_220 = arith.constant 16 : i32
        "tpu.trace_start"() <{level = 10 : i32, message = "ep_run_kernel"}> : () -> ()
        scf.for %parallel_loop3A_283 = %parallel_loop3A to %parallel_loop3A_219 step %parallel_loop3A_220  : i32 {
          %parallel_loop3A_284 = tpu.memref_slice %run_scoped3A[%mul3A_214] : memref<8000xi32, #tpu.memory_space<vmem>> -> memref<4000xi32, #tpu.memory_space<vmem>>
          %parallel_loop3A_285 = arith.index_cast %parallel_loop3A_283 : i32 to index
          %parallel_loop3A_286 = tpu.vector_load %parallel_loop3A_284[%parallel_loop3A_285] {strides = array<i32>} : memref<4000xi32, #tpu.memory_space<vmem>>, vector<16xi32>,
          %parallel_loop3A_287 = tpu.memref_slice %run_scoped3A_12[%mul3A_218] : memref<8000xi32, #tpu.memory_space<vmem>> -> memref<4000xi32, #tpu.memory_space<vmem>>
          %parallel_loop3A_288 = arith.index_cast %parallel_loop3A_283 : i32 to index
          %parallel_loop3A_289 = tpu.vector_load %parallel_loop3A_287[%parallel_loop3A_288] {strides = array<i32>} : memref<4000xi32, #tpu.memory_space<vmem>>, vector<16xi32>,
          %parallel_loop3A_290 = arith.constant 0 : i32
          %parallel_loop3A_291 = vector.broadcast %parallel_loop3A_290 : i32 to vector<16xi32>
          %parallel_loop3A_292 = arith.addi %parallel_loop3A_286, %parallel_loop3A_291 : vector<16xi32>
          %parallel_loop3A_293 = tpu.vector_load_idx %arg6[%parallel_loop3A_292] : memref<40000xf32, #tpu.memory_space<vmem>>[vector<16xi32>], vector<16xf32>,
          %parallel_loop3A_294 = arith.constant 10000 : i32
          %parallel_loop3A_295 = vector.broadcast %parallel_loop3A_294 : i32 to vector<16xi32>
          %parallel_loop3A_296 = arith.addi %parallel_loop3A_286, %parallel_loop3A_295 : vector<16xi32>
          %parallel_loop3A_297 = tpu.vector_load_idx %arg6[%parallel_loop3A_296] : memref<40000xf32, #tpu.memory_space<vmem>>[vector<16xi32>], vector<16xf32>,
          %parallel_loop3A_298 = arith.constant 20000 : i32
          %parallel_loop3A_299 = vector.broadcast %parallel_loop3A_298 : i32 to vector<16xi32>
          %parallel_loop3A_300 = arith.addi %parallel_loop3A_286, %parallel_loop3A_299 : vector<16xi32>
          %parallel_loop3A_301 = tpu.vector_load_idx %arg6[%parallel_loop3A_300] : memref<40000xf32, #tpu.memory_space<vmem>>[vector<16xi32>], vector<16xf32>,
          %parallel_loop3A_302 = arith.constant 30000 : i32
          %parallel_loop3A_303 = vector.broadcast %parallel_loop3A_302 : i32 to vector<16xi32>
          %parallel_loop3A_304 = arith.addi %parallel_loop3A_286, %parallel_loop3A_303 : vector<16xi32>
          %parallel_loop3A_305 = tpu.vector_load_idx %arg6[%parallel_loop3A_304] : memref<40000xf32, #tpu.memory_space<vmem>>[vector<16xi32>], vector<16xf32>,
          %parallel_loop3A_306 = arith.constant 0 : i32
          %parallel_loop3A_307 = vector.broadcast %parallel_loop3A_306 : i32 to vector<16xi32>
          %parallel_loop3A_308 = arith.addi %parallel_loop3A_289, %parallel_loop3A_307 : vector<16xi32>
          tpu.vector_store_idx %arg7[%parallel_loop3A_308], %parallel_loop3A_293 {add = true} : memref<20000xf32, #tpu.memory_space<vmem>>[vector<16xi32>], vector<16xf32>,
          %parallel_loop3A_309 = arith.constant 5000 : i32
          %parallel_loop3A_310 = vector.broadcast %parallel_loop3A_309 : i32 to vector<16xi32>
          %parallel_loop3A_311 = arith.addi %parallel_loop3A_289, %parallel_loop3A_310 : vector<16xi32>
          tpu.vector_store_idx %arg7[%parallel_loop3A_311], %parallel_loop3A_297 {add = true} : memref<20000xf32, #tpu.memory_space<vmem>>[vector<16xi32>], vector<16xf32>,
          %parallel_loop3A_312 = arith.constant 10000 : i32
          %parallel_loop3A_313 = vector.broadcast %parallel_loop3A_312 : i32 to vector<16xi32>
          %parallel_loop3A_314 = arith.addi %parallel_loop3A_289, %parallel_loop3A_313 : vector<16xi32>
          tpu.vector_store_idx %arg7[%parallel_loop3A_314], %parallel_loop3A_301 {add = true} : memref<20000xf32, #tpu.memory_space<vmem>>[vector<16xi32>], vector<16xf32>,
          %parallel_loop3A_315 = arith.constant 15000 : i32
          %parallel_loop3A_316 = vector.broadcast %parallel_loop3A_315 : i32 to vector<16xi32>
          %parallel_loop3A_317 = arith.addi %parallel_loop3A_289, %parallel_loop3A_316 : vector<16xi32>
          tpu.vector_store_idx %arg7[%parallel_loop3A_317], %parallel_loop3A_305 {add = true} : memref<20000xf32, #tpu.memory_space<vmem>>[vector<16xi32>], vector<16xf32>,
        } {sc.loop_unroll_factor = 4 : i64, sc.parallel_access}
        "tpu.trace_stop"() : () -> ()
        %ne3A_221 = arith.cmpi ne, %add3A_141, %add3A_161 : i32
        %or3A_222 = arith.constant false
        %or3A_223 = arith.ori %or3A_222, %ne3A_221 : i1
        %or3A_224 = arith.ori %or3A_223, %eq3A_139 : i1
        %convert_element_type3A_225 = arith.extui %or3A_224 : i1 to i32
        %cond3A_226 = arith.constant 0 : i32
        %cond3A_227 = arith.cmpi ne, %convert_element_type3A_225, %cond3A_226 : i32
        scf.if %cond3A_227 {
        } else {
        }
        %and3A_228 = arith.constant false
        %and3A_229 = arith.andi %or3A_224, %and3A_228 : i1
        %ne3A_230 = arith.cmpi ne, %add3A_141, %add3A_161 : i32
        %or3A_231 = arith.constant false
        %or3A_232 = arith.ori %or3A_231, %ne3A_230 : i1
        %or3A_233 = arith.ori %or3A_232, %eq3A_139 : i1
        %convert_element_type3A_234 = arith.extui %or3A_233 : i1 to i32
        %cond3A_235 = arith.constant 0 : i32
        %cond3A_236 = arith.cmpi ne, %convert_element_type3A_234, %cond3A_235 : i32
        scf.if %cond3A_236 {
        } else {
        }
        %and3A_237 = arith.constant false
        %and3A_238 = arith.andi %or3A_233, %and3A_237 : i1
        %ne3A_239 = arith.cmpi ne, %add3A_141, %add3A_151 : i32
        %or3A_240 = arith.constant false
        %or3A_241 = arith.ori %or3A_240, %ne3A_239 : i1
        %not3A_242 = arith.constant true
        %not3A_243 = arith.xori %eq3A_137, %not3A_242 : i1
        %and3A_244 = arith.andi %or3A_241, %not3A_243 : i1
        %convert_element_type3A_245 = arith.extui %and3A_244 : i1 to i32
        %cond3A_246 = arith.constant 0 : i32
        %cond3A_247 = arith.cmpi ne, %convert_element_type3A_245, %cond3A_246 : i32
        scf.if %cond3A_247 {
        } else {
        }
        %and3A_248 = arith.constant false
        %and3A_249 = arith.andi %and3A_244, %and3A_248 : i1
        %ne3A_250 = arith.cmpi ne, %add3A_141, %add3A_151 : i32
        %or3A_251 = arith.constant false
        %or3A_252 = arith.ori %or3A_251, %ne3A_250 : i1
        %not3A_253 = arith.constant true
        %not3A_254 = arith.xori %eq3A_137, %not3A_253 : i1
        %and3A_255 = arith.andi %or3A_252, %not3A_254 : i1
        %convert_element_type3A_256 = arith.extui %and3A_255 : i1 to i32
        %cond3A_257 = arith.constant 0 : i32
        %cond3A_258 = arith.cmpi ne, %convert_element_type3A_256, %cond3A_257 : i32
        scf.if %cond3A_258 {
        } else {
        }
        %and3A_259 = arith.constant false
        %and3A_260 = arith.andi %and3A_255, %and3A_259 : i1
        %ne3A_261 = arith.cmpi ne, %add3A_141, %add3A_161 : i32
        %or3A_262 = arith.constant false
        %or3A_263 = arith.ori %or3A_262, %ne3A_261 : i1
        %or3A_264 = arith.ori %or3A_263, %eq3A_139 : i1
        %add3A_265 = arith.constant 1 : i32
        %add3A_266 = arith.addi %scan3A_132, %add3A_265 : i32
        %select_n3A_267 = arith.select %or3A_264, %add3A_266, %scan3A_132 : i32
        %ne3A_268 = arith.cmpi ne, %add3A_141, %add3A_161 : i32
        %or3A_269 = arith.constant false
        %or3A_270 = arith.ori %or3A_269, %ne3A_268 : i1
        %or3A_271 = arith.ori %or3A_270, %eq3A_139 : i1
        %add3A_272 = arith.constant 1 : i32
        %add3A_273 = arith.addi %scan3A_134, %add3A_272 : i32
        %select_n3A_274 = arith.select %or3A_271, %add3A_273, %scan3A_134 : i32
        %add3A_275 = arith.constant 1 : i32
        %add3A_276 = arith.addi %scan3A_135, %add3A_275 : i32
        %select_n3A_277 = arith.constant true
        %select_n3A_278 = arith.select %select_n3A_277, %add3A_276, %scan3A_135 : i32
        %eq3A_279 = arith.constant 160 : i32
        %eq3A_280 = arith.cmpi eq, %select_n3A_278, %eq3A_279 : i32
        %select_n3A_281 = arith.constant 0 : i32
        %select_n3A_282 = arith.select %eq3A_280, %select_n3A_281, %select_n3A_278 : i32
        scf.yield %select_n3A_180, %select_n3A_267, %select_n3A_196, %select_n3A_274, %select_n3A_282 : i32, i32, i32, i32, i32
      }
      %scan3A_90 = arith.constant 160 : i32
      %sub3A = arith.constant 1 : i32
      %sub3A_91 = arith.subi %scan3A_89#4, %sub3A : i32
      %select_n3A_92 = arith.constant true
      %select_n3A_93 = arith.select %select_n3A_92, %sub3A_91, %scan3A_89#4 : i32
      %eq3A_94 = arith.constant -1 : i32
      %eq3A_95 = arith.cmpi eq, %select_n3A_93, %eq3A_94 : i32
      %select_n3A_96 = arith.constant 159 : i32
      %select_n3A_97 = arith.select %eq3A_95, %select_n3A_96, %select_n3A_93 : i32
      %add3A_98 = arith.constant 0 : i32
      %add3A_99 = arith.addi %select_n3A_97, %add3A_98 : i32
      %sub3A_100 = arith.constant 1 : i32
      %sub3A_101 = arith.subi %select_n3A_97, %sub3A_100 : i32
      %select_n3A_102 = arith.constant true
      %select_n3A_103 = arith.select %select_n3A_102, %sub3A_101, %select_n3A_97 : i32
      %eq3A_104 = arith.constant -1 : i32
      %eq3A_105 = arith.cmpi eq, %select_n3A_103, %eq3A_104 : i32
      %select_n3A_106 = arith.constant 159 : i32
      %select_n3A_107 = arith.select %eq3A_105, %select_n3A_106, %select_n3A_103 : i32
      %add3A_108 = arith.constant 0 : i32
      %add3A_109 = arith.addi %select_n3A_107, %add3A_108 : i32
      %add3A_110 = arith.constant 1 : i32
      %add3A_111 = arith.addi %select_n3A_97, %add3A_110 : i32
      %select_n3A_112 = arith.constant true
      %select_n3A_113 = arith.select %select_n3A_112, %add3A_111, %select_n3A_97 : i32
      %eq3A_114 = arith.constant 160 : i32
      %eq3A_115 = arith.cmpi eq, %select_n3A_113, %eq3A_114 : i32
      %select_n3A_116 = arith.constant 0 : i32
      %select_n3A_117 = arith.select %eq3A_115, %select_n3A_116, %select_n3A_113 : i32
      %add3A_118 = arith.constant 0 : i32
      %add3A_119 = arith.addi %select_n3A_117, %add3A_118 : i32
      %add3A_120 = arith.constant 1 : i32
      %add3A_121 = arith.addi %select_n3A_117, %add3A_120 : i32
      %select_n3A_122 = arith.constant true
      %select_n3A_123 = arith.select %select_n3A_122, %add3A_121, %select_n3A_117 : i32
      %eq3A_124 = arith.constant 160 : i32
      %eq3A_125 = arith.cmpi eq, %select_n3A_123, %eq3A_124 : i32
      %select_n3A_126 = arith.constant 0 : i32
      %select_n3A_127 = arith.select %eq3A_125, %select_n3A_126, %select_n3A_123 : i32
      %add3A_128 = arith.constant 0 : i32
      %add3A_129 = arith.addi %select_n3A_127, %add3A_128 : i32
      tpu.yield
    }) : () -> ()
    "tpu.region"() ({
      %run_scoped3A = memref.alloca() : memref<8000xi32, #tpu.memory_space<vmem>>
      %run_scoped3A_11 = tpu.sem_alloc : memref<2x!tpu.dma_semaphore, #tpu.memory_space<semaphore_mem>>
      %run_scoped3A_12 = memref.alloca() : memref<8000xi32, #tpu.memory_space<vmem>>
      %run_scoped3A_13 = tpu.sem_alloc : memref<2x!tpu.dma_semaphore, #tpu.memory_space<semaphore_mem>>
      %select_n3A = arith.constant true
      %select_n3A_14 = arith.constant 0 : i32
      %select_n3A_15 = arith.constant -1 : i32
      %select_n3A_16 = arith.select %select_n3A, %select_n3A_15, %select_n3A_14 : i32
      %eq3A = arith.constant -1 : i32
      %eq3A_17 = arith.cmpi eq, %select_n3A_16, %eq3A : i32
      %select_n3A_18 = arith.constant 159 : i32
      %select_n3A_19 = arith.select %eq3A_17, %select_n3A_18, %select_n3A_16 : i32
      %add3A_20 = arith.constant 0 : i32
      %add3A_21 = arith.addi %select_n3A_19, %add3A_20 : i32
      %select_n3A_22 = arith.constant true
      %select_n3A_23 = arith.constant 0 : i32
      %select_n3A_24 = arith.constant 1 : i32
      %select_n3A_25 = arith.select %select_n3A_22, %select_n3A_24, %select_n3A_23 : i32
      %eq3A_26 = arith.constant 160 : i32
      %eq3A_27 = arith.cmpi eq, %select_n3A_25, %eq3A_26 : i32
      %select_n3A_28 = arith.constant 0 : i32
      %select_n3A_29 = arith.select %eq3A_27, %select_n3A_28, %select_n3A_25 : i32
      %add3A_30 = arith.constant 0 : i32
      %add3A_31 = arith.addi %select_n3A_29, %add3A_30 : i32
      %add3A_32 = arith.constant 1 : i32
      %add3A_33 = arith.addi %select_n3A_29, %add3A_32 : i32
      %select_n3A_34 = arith.constant true
      %select_n3A_35 = arith.select %select_n3A_34, %add3A_33, %select_n3A_29 : i32
      %eq3A_36 = arith.constant 160 : i32
      %eq3A_37 = arith.cmpi eq, %select_n3A_35, %eq3A_36 : i32
      %select_n3A_38 = arith.constant 0 : i32
      %select_n3A_39 = arith.select %eq3A_37, %select_n3A_38, %select_n3A_35 : i32
      %add3A_40 = arith.constant 0 : i32
      %add3A_41 = arith.addi %select_n3A_39, %add3A_40 : i32
      "tpu.trace_start"() <{level = 10 : i32, message = "ep_initialize_0"}> : () -> ()
      %rem3A = arith.constant 0 : i32
      %rem3A_42 = arith.constant 2 : i32
      %rem3A_43 = arith.remui %rem3A, %rem3A_42 : i32
      %mul3A_44 = arith.constant 4000 : i32
      %mul3A_45 = arith.muli %rem3A_43, %mul3A_44 : i32
      %add3A_46 = arith.constant 0 : i32
      %add3A_47 = arith.addi %mul3A_45, %add3A_46 : i32
      %dma_start3A = tpu.memref_slice %run_scoped3A[%add3A_47] : memref<8000xi32, #tpu.memory_space<vmem>> -> memref<4000xi32, #tpu.memory_space<vmem>>
      %dma_start3A_48 = arith.constant 0 : i32
      %dma_start3A_49 = tpu.memref_slice %arg3[%dma_start3A_48] : memref<640000xi32, #tpu.memory_space<hbm>> -> memref<4000xi32, #tpu.memory_space<hbm>>
      %dma_start3A_50 = tpu.memref_slice %run_scoped3A_11[%rem3A_43] : memref<2x!tpu.dma_semaphore, #tpu.memory_space<semaphore_mem>> -> memref<1x!tpu.dma_semaphore, #tpu.memory_space<semaphore_mem>>
      %dma_start3A_51 = tpu.memref_squeeze %dma_start3A_50 : memref<1x!tpu.dma_semaphore, #tpu.memory_space<semaphore_mem>> -> memref<!tpu.dma_semaphore, #tpu.memory_space<semaphore_mem>>
      %dma_start3A_52 = tpu.memref_slice %run_scoped3A[%add3A_47] : memref<8000xi32, #tpu.memory_space<vmem>> -> memref<4000xi32, #tpu.memory_space<vmem>>
      %dma_start3A_53 = arith.constant 0 : i32
      %dma_start3A_54 = tpu.memref_slice %arg3[%dma_start3A_53] : memref<640000xi32, #tpu.memory_space<hbm>> -> memref<4000xi32, #tpu.memory_space<hbm>>
      tpu.enqueue_dma source(%dma_start3A_54 : memref<4000xi32, #tpu.memory_space<hbm>>) target(%dma_start3A_52 : memref<4000xi32, #tpu.memory_space<vmem>>) target_semaphore(%dma_start3A_51 : memref<!tpu.dma_semaphore, #tpu.memory_space<semaphore_mem>>)
      %add3A_55 = arith.constant 0 : i32
      %add3A_56 = arith.constant 1 : i32
      %add3A_57 = arith.addi %add3A_55, %add3A_56 : i32
      %select_n3A_58 = arith.constant true
      %select_n3A_59 = arith.constant 0 : i32
      %select_n3A_60 = arith.select %select_n3A_58, %add3A_57, %select_n3A_59 : i32
      %rem3A_61 = arith.constant 0 : i32
      %rem3A_62 = arith.constant 2 : i32
      %rem3A_63 = arith.remui %rem3A_61, %rem3A_62 : i32
      %mul3A_64 = arith.constant 4000 : i32
      %mul3A_65 = arith.muli %rem3A_63, %mul3A_64 : i32
      %add3A_66 = arith.constant 0 : i32
      %add3A_67 = arith.addi %mul3A_65, %add3A_66 : i32
      %dma_start3A_68 = tpu.memref_slice %run_scoped3A_12[%add3A_67] : memref<8000xi32, #tpu.memory_space<vmem>> -> memref<4000xi32, #tpu.memory_space<vmem>>
      %dma_start3A_69 = arith.constant 0 : i32
      %dma_start3A_70 = tpu.memref_slice %arg4[%dma_start3A_69] : memref<640000xi32, #tpu.memory_space<hbm>> -> memref<4000xi32, #tpu.memory_space<hbm>>
      %dma_start3A_71 = tpu.memref_slice %run_scoped3A_13[%rem3A_63] : memref<2x!tpu.dma_semaphore, #tpu.memory_space<semaphore_mem>> -> memref<1x!tpu.dma_semaphore, #tpu.memory_space<semaphore_mem>>
      %dma_start3A_72 = tpu.memref_squeeze %dma_start3A_71 : memref<1x!tpu.dma_semaphore, #tpu.memory_space<semaphore_mem>> -> memref<!tpu.dma_semaphore, #tpu.memory_space<semaphore_mem>>
      %dma_start3A_73 = tpu.memref_slice %run_scoped3A_12[%add3A_67] : memref<8000xi32, #tpu.memory_space<vmem>> -> memref<4000xi32, #tpu.memory_space<vmem>>
      %dma_start3A_74 = arith.constant 0 : i32
      %dma_start3A_75 = tpu.memref_slice %arg4[%dma_start3A_74] : memref<640000xi32, #tpu.memory_space<hbm>> -> memref<4000xi32, #tpu.memory_space<hbm>>
      tpu.enqueue_dma source(%dma_start3A_75 : memref<4000xi32, #tpu.memory_space<hbm>>) target(%dma_start3A_73 : memref<4000xi32, #tpu.memory_space<vmem>>) target_semaphore(%dma_start3A_72 : memref<!tpu.dma_semaphore, #tpu.memory_space<semaphore_mem>>)
      %add3A_76 = arith.constant 0 : i32
      %add3A_77 = arith.constant 1 : i32
      %add3A_78 = arith.addi %add3A_76, %add3A_77 : i32
      %select_n3A_79 = arith.constant true
      %select_n3A_80 = arith.constant 0 : i32
      %select_n3A_81 = arith.select %select_n3A_79, %add3A_78, %select_n3A_80 : i32
      "tpu.trace_stop"() : () -> ()
      %scan3A_82 = arith.constant 0 : i32
      %scan3A_83 = arith.constant 0 : i32
      %scan3A_84 = arith.constant 0 : i32
      %scan3A_85 = arith.constant 0 : i32
      %scan3A_86 = arith.constant 160 : i32
      %scan3A_87 = arith.addi %scan3A_85, %scan3A_86 : i32
      %scan3A_88 = arith.constant 1 : i32
      %scan3A_89:5 = scf.for %scan3A_130 = %scan3A_85 to %scan3A_87 step %scan3A_88 iter_args(%scan3A_131 = %select_n3A_60, %scan3A_132 = %scan3A_82, %scan3A_133 = %select_n3A_81, %scan3A_134 = %scan3A_83, %scan3A_135 = %scan3A_84) -> (i32, i32, i32, i32, i32)  : i32 {
        %eq3A_136 = arith.constant 0 : i32
        %eq3A_137 = arith.cmpi eq, %scan3A_130, %eq3A_136 : i32
        %eq3A_138 = arith.constant 159 : i32
        %eq3A_139 = arith.cmpi eq, %scan3A_130, %eq3A_138 : i32
        %add3A_140 = arith.constant 0 : i32
        %add3A_141 = arith.addi %scan3A_135, %add3A_140 : i32
        %sub3A_142 = arith.constant 1 : i32
        %sub3A_143 = arith.subi %scan3A_135, %sub3A_142 : i32
        %select_n3A_144 = arith.constant true
        %select_n3A_145 = arith.select %select_n3A_144, %sub3A_143, %scan3A_135 : i32
        %eq3A_146 = arith.constant -1 : i32
        %eq3A_147 = arith.cmpi eq, %select_n3A_145, %eq3A_146 : i32
        %select_n3A_148 = arith.constant 159 : i32
        %select_n3A_149 = arith.select %eq3A_147, %select_n3A_148, %select_n3A_145 : i32
        %add3A_150 = arith.constant 0 : i32
        %add3A_151 = arith.addi %select_n3A_149, %add3A_150 : i32
        %add3A_152 = arith.constant 1 : i32
        %add3A_153 = arith.addi %scan3A_135, %add3A_152 : i32
        %select_n3A_154 = arith.constant true
        %select_n3A_155 = arith.select %select_n3A_154, %add3A_153, %scan3A_135 : i32
        %eq3A_156 = arith.constant 160 : i32
        %eq3A_157 = arith.cmpi eq, %select_n3A_155, %eq3A_156 : i32
        %select_n3A_158 = arith.constant 0 : i32
        %select_n3A_159 = arith.select %eq3A_157, %select_n3A_158, %select_n3A_155 : i32
        %add3A_160 = arith.constant 0 : i32
        %add3A_161 = arith.addi %select_n3A_159, %add3A_160 : i32
        %add3A_162 = arith.constant 1 : i32
        %add3A_163 = arith.addi %select_n3A_159, %add3A_162 : i32
        %select_n3A_164 = arith.constant true
        %select_n3A_165 = arith.select %select_n3A_164, %add3A_163, %select_n3A_159 : i32
        %eq3A_166 = arith.constant 160 : i32
        %eq3A_167 = arith.cmpi eq, %select_n3A_165, %eq3A_166 : i32
        %select_n3A_168 = arith.constant 0 : i32
        %select_n3A_169 = arith.select %eq3A_167, %select_n3A_168, %select_n3A_165 : i32
        %add3A_170 = arith.constant 0 : i32
        %add3A_171 = arith.addi %select_n3A_169, %add3A_170 : i32
        %ne3A = arith.cmpi ne, %add3A_141, %add3A_161 : i32
        %or3A = arith.constant false
        %or3A_172 = arith.ori %or3A, %ne3A : i1
        %ge3A = arith.constant 159 : i32
        %ge3A_173 = arith.cmpi sge, %scan3A_130, %ge3A : i32
        %not3A = arith.constant true
        %not3A_174 = arith.xori %ge3A_173, %not3A : i1
        %and3A = arith.andi %or3A_172, %not3A_174 : i1
        %convert_element_type3A = arith.extui %and3A : i1 to i32
        %cond3A = arith.constant 0 : i32
        %cond3A_175 = arith.cmpi ne, %convert_element_type3A, %cond3A : i32
        scf.if %cond3A_175 {
          "tpu.trace_start"() <{level = 10 : i32, message = "ep_copy_in"}> : () -> ()
          %rem3A_283 = arith.constant 2 : i32
          %rem3A_284 = arith.remui %scan3A_131, %rem3A_283 : i32
          %mul3A_285 = arith.constant 4000 : i32
          %mul3A_286 = arith.muli %mul3A_285, %add3A_161 : i32
          %mul3A_287 = arith.constant 4000 : i32
          %mul3A_288 = arith.muli %rem3A_284, %mul3A_287 : i32
          %add3A_289 = arith.constant 0 : i32
          %add3A_290 = arith.addi %mul3A_288, %add3A_289 : i32
          %dma_start3A_291 = tpu.memref_slice %run_scoped3A[%add3A_290] : memref<8000xi32, #tpu.memory_space<vmem>> -> memref<4000xi32, #tpu.memory_space<vmem>>
          %dma_start3A_292 = tpu.memref_slice %arg3[%mul3A_286] : memref<640000xi32, #tpu.memory_space<hbm>> -> memref<4000xi32, #tpu.memory_space<hbm>>
          %dma_start3A_293 = tpu.memref_slice %run_scoped3A_11[%rem3A_284] : memref<2x!tpu.dma_semaphore, #tpu.memory_space<semaphore_mem>> -> memref<1x!tpu.dma_semaphore, #tpu.memory_space<semaphore_mem>>
          %dma_start3A_294 = tpu.memref_squeeze %dma_start3A_293 : memref<1x!tpu.dma_semaphore, #tpu.memory_space<semaphore_mem>> -> memref<!tpu.dma_semaphore, #tpu.memory_space<semaphore_mem>>
          %dma_start3A_295 = tpu.memref_slice %run_scoped3A[%add3A_290] : memref<8000xi32, #tpu.memory_space<vmem>> -> memref<4000xi32, #tpu.memory_space<vmem>>
          %dma_start3A_296 = tpu.memref_slice %arg3[%mul3A_286] : memref<640000xi32, #tpu.memory_space<hbm>> -> memref<4000xi32, #tpu.memory_space<hbm>>
          tpu.enqueue_dma source(%dma_start3A_296 : memref<4000xi32, #tpu.memory_space<hbm>>) target(%dma_start3A_295 : memref<4000xi32, #tpu.memory_space<vmem>>) target_semaphore(%dma_start3A_294 : memref<!tpu.dma_semaphore, #tpu.memory_space<semaphore_mem>>)
          "tpu.trace_stop"() : () -> ()
        } else {
        }
        %and3A_176 = arith.constant true
        %and3A_177 = arith.andi %and3A, %and3A_176 : i1
        %add3A_178 = arith.constant 1 : i32
        %add3A_179 = arith.addi %scan3A_131, %add3A_178 : i32
        %select_n3A_180 = arith.select %and3A_177, %add3A_179, %scan3A_131 : i32
        %ne3A_181 = arith.cmpi ne, %add3A_141, %add3A_161 : i32
        %or3A_182 = arith.constant false
        %or3A_183 = arith.ori %or3A_182, %ne3A_181 : i1
        %ge3A_184 = arith.constant 159 : i32
        %ge3A_185 = arith.cmpi sge, %scan3A_130, %ge3A_184 : i32
        %not3A_186 = arith.constant true
        %not3A_187 = arith.xori %ge3A_185, %not3A_186 : i1
        %and3A_188 = arith.andi %or3A_183, %not3A_187 : i1
        %convert_element_type3A_189 = arith.extui %and3A_188 : i1 to i32
        %cond3A_190 = arith.constant 0 : i32
        %cond3A_191 = arith.cmpi ne, %convert_element_type3A_189, %cond3A_190 : i32
        scf.if %cond3A_191 {
          "tpu.trace_start"() <{level = 10 : i32, message = "ep_copy_in"}> : () -> ()
          %rem3A_283 = arith.constant 2 : i32
          %rem3A_284 = arith.remui %scan3A_133, %rem3A_283 : i32
          %mul3A_285 = arith.constant 4000 : i32
          %mul3A_286 = arith.muli %mul3A_285, %add3A_161 : i32
          %mul3A_287 = arith.constant 4000 : i32
          %mul3A_288 = arith.muli %rem3A_284, %mul3A_287 : i32
          %add3A_289 = arith.constant 0 : i32
          %add3A_290 = arith.addi %mul3A_288, %add3A_289 : i32
          %dma_start3A_291 = tpu.memref_slice %run_scoped3A_12[%add3A_290] : memref<8000xi32, #tpu.memory_space<vmem>> -> memref<4000xi32, #tpu.memory_space<vmem>>
          %dma_start3A_292 = tpu.memref_slice %arg4[%mul3A_286] : memref<640000xi32, #tpu.memory_space<hbm>> -> memref<4000xi32, #tpu.memory_space<hbm>>
          %dma_start3A_293 = tpu.memref_slice %run_scoped3A_13[%rem3A_284] : memref<2x!tpu.dma_semaphore, #tpu.memory_space<semaphore_mem>> -> memref<1x!tpu.dma_semaphore, #tpu.memory_space<semaphore_mem>>
          %dma_start3A_294 = tpu.memref_squeeze %dma_start3A_293 : memref<1x!tpu.dma_semaphore, #tpu.memory_space<semaphore_mem>> -> memref<!tpu.dma_semaphore, #tpu.memory_space<semaphore_mem>>
          %dma_start3A_295 = tpu.memref_slice %run_scoped3A_12[%add3A_290] : memref<8000xi32, #tpu.memory_space<vmem>> -> memref<4000xi32, #tpu.memory_space<vmem>>
          %dma_start3A_296 = tpu.memref_slice %arg4[%mul3A_286] : memref<640000xi32, #tpu.memory_space<hbm>> -> memref<4000xi32, #tpu.memory_space<hbm>>
          tpu.enqueue_dma source(%dma_start3A_296 : memref<4000xi32, #tpu.memory_space<hbm>>) target(%dma_start3A_295 : memref<4000xi32, #tpu.memory_space<vmem>>) target_semaphore(%dma_start3A_294 : memref<!tpu.dma_semaphore, #tpu.memory_space<semaphore_mem>>)
          "tpu.trace_stop"() : () -> ()
        } else {
        }
        %and3A_192 = arith.constant true
        %and3A_193 = arith.andi %and3A_188, %and3A_192 : i1
        %add3A_194 = arith.constant 1 : i32
        %add3A_195 = arith.addi %scan3A_133, %add3A_194 : i32
        %select_n3A_196 = arith.select %and3A_193, %add3A_195, %scan3A_133 : i32
        %ne3A_197 = arith.cmpi ne, %add3A_141, %add3A_151 : i32
        %or3A_198 = arith.constant false
        %or3A_199 = arith.ori %or3A_198, %ne3A_197 : i1
        %or3A_200 = arith.ori %or3A_199, %eq3A_137 : i1
        %convert_element_type3A_201 = arith.extui %or3A_200 : i1 to i32
        %cond3A_202 = arith.constant 0 : i32
        %cond3A_203 = arith.cmpi ne, %convert_element_type3A_201, %cond3A_202 : i32
        scf.if %cond3A_203 {
          "tpu.trace_start"() <{level = 10 : i32, message = "ep_wait_in"}> : () -> ()
          %mul3A_283 = arith.constant 4000 : i32
          %mul3A_284 = arith.muli %mul3A_283, %add3A_141 : i32
          %rem3A_285 = arith.constant 2 : i32
          %rem3A_286 = arith.remui %scan3A_132, %rem3A_285 : i32
          %mul3A_287 = arith.constant 4000 : i32
          %mul3A_288 = arith.muli %rem3A_286, %mul3A_287 : i32
          %add3A_289 = arith.constant 0 : i32
          %add3A_290 = arith.addi %mul3A_288, %add3A_289 : i32
          %dma_wait3A = tpu.memref_slice %run_scoped3A[%add3A_290] : memref<8000xi32, #tpu.memory_space<vmem>> -> memref<4000xi32, #tpu.memory_space<vmem>>
          %dma_wait3A_291 = tpu.memref_slice %arg3[%mul3A_284] : memref<640000xi32, #tpu.memory_space<hbm>> -> memref<4000xi32, #tpu.memory_space<hbm>>
          %dma_wait3A_292 = tpu.memref_slice %run_scoped3A_11[%rem3A_286] : memref<2x!tpu.dma_semaphore, #tpu.memory_space<semaphore_mem>> -> memref<1x!tpu.dma_semaphore, #tpu.memory_space<semaphore_mem>>
          %dma_wait3A_293 = tpu.memref_squeeze %dma_wait3A_292 : memref<1x!tpu.dma_semaphore, #tpu.memory_space<semaphore_mem>> -> memref<!tpu.dma_semaphore, #tpu.memory_space<semaphore_mem>>
          %dma_wait3A_294 = tpu.memref_slice %run_scoped3A[%add3A_290] : memref<8000xi32, #tpu.memory_space<vmem>> -> memref<4000xi32, #tpu.memory_space<vmem>>
          %dma_wait3A_295 = tpu.memref_slice %arg3[%mul3A_284] : memref<640000xi32, #tpu.memory_space<hbm>> -> memref<4000xi32, #tpu.memory_space<hbm>>
          tpu.wait_dma2 semaphore(%dma_wait3A_293 : memref<!tpu.dma_semaphore, #tpu.memory_space<semaphore_mem>>) src(%dma_wait3A_295 : memref<4000xi32, #tpu.memory_space<hbm>>) dst(%dma_wait3A_294 : memref<4000xi32, #tpu.memory_space<vmem>>)
          "tpu.trace_stop"() : () -> ()
        } else {
        }
        %ne3A_204 = arith.cmpi ne, %add3A_141, %add3A_151 : i32
        %or3A_205 = arith.constant false
        %or3A_206 = arith.ori %or3A_205, %ne3A_204 : i1
        %or3A_207 = arith.ori %or3A_206, %eq3A_137 : i1
        %convert_element_type3A_208 = arith.extui %or3A_207 : i1 to i32
        %cond3A_209 = arith.constant 0 : i32
        %cond3A_210 = arith.cmpi ne, %convert_element_type3A_208, %cond3A_209 : i32
        scf.if %cond3A_210 {
          "tpu.trace_start"() <{level = 10 : i32, message = "ep_wait_in"}> : () -> ()
          %mul3A_283 = arith.constant 4000 : i32
          %mul3A_284 = arith.muli %mul3A_283, %add3A_141 : i32
          %rem3A_285 = arith.constant 2 : i32
          %rem3A_286 = arith.remui %scan3A_134, %rem3A_285 : i32
          %mul3A_287 = arith.constant 4000 : i32
          %mul3A_288 = arith.muli %rem3A_286, %mul3A_287 : i32
          %add3A_289 = arith.constant 0 : i32
          %add3A_290 = arith.addi %mul3A_288, %add3A_289 : i32
          %dma_wait3A = tpu.memref_slice %run_scoped3A_12[%add3A_290] : memref<8000xi32, #tpu.memory_space<vmem>> -> memref<4000xi32, #tpu.memory_space<vmem>>
          %dma_wait3A_291 = tpu.memref_slice %arg4[%mul3A_284] : memref<640000xi32, #tpu.memory_space<hbm>> -> memref<4000xi32, #tpu.memory_space<hbm>>
          %dma_wait3A_292 = tpu.memref_slice %run_scoped3A_13[%rem3A_286] : memref<2x!tpu.dma_semaphore, #tpu.memory_space<semaphore_mem>> -> memref<1x!tpu.dma_semaphore, #tpu.memory_space<semaphore_mem>>
          %dma_wait3A_293 = tpu.memref_squeeze %dma_wait3A_292 : memref<1x!tpu.dma_semaphore, #tpu.memory_space<semaphore_mem>> -> memref<!tpu.dma_semaphore, #tpu.memory_space<semaphore_mem>>
          %dma_wait3A_294 = tpu.memref_slice %run_scoped3A_12[%add3A_290] : memref<8000xi32, #tpu.memory_space<vmem>> -> memref<4000xi32, #tpu.memory_space<vmem>>
          %dma_wait3A_295 = tpu.memref_slice %arg4[%mul3A_284] : memref<640000xi32, #tpu.memory_space<hbm>> -> memref<4000xi32, #tpu.memory_space<hbm>>
          tpu.wait_dma2 semaphore(%dma_wait3A_293 : memref<!tpu.dma_semaphore, #tpu.memory_space<semaphore_mem>>) src(%dma_wait3A_295 : memref<4000xi32, #tpu.memory_space<hbm>>) dst(%dma_wait3A_294 : memref<4000xi32, #tpu.memory_space<vmem>>)
          "tpu.trace_stop"() : () -> ()
        } else {
        }
        %rem3A_211 = arith.constant 2 : i32
        %rem3A_212 = arith.remui %scan3A_132, %rem3A_211 : i32
        %mul3A_213 = arith.constant 4000 : i32
        %mul3A_214 = arith.muli %rem3A_212, %mul3A_213 : i32
        %rem3A_215 = arith.constant 2 : i32
        %rem3A_216 = arith.remui %scan3A_134, %rem3A_215 : i32
        %mul3A_217 = arith.constant 4000 : i32
        %mul3A_218 = arith.muli %rem3A_216, %mul3A_217 : i32
        %parallel_loop3A = arith.constant 0 : i32
        %parallel_loop3A_219 = arith.constant 4000 : i32
        %parallel_loop3A_220 = arith.constant 16 : i32
        "tpu.trace_start"() <{level = 10 : i32, message = "ep_run_kernel"}> : () -> ()
        scf.for %parallel_loop3A_283 = %parallel_loop3A to %parallel_loop3A_219 step %parallel_loop3A_220  : i32 {
          %parallel_loop3A_284 = tpu.memref_slice %run_scoped3A[%mul3A_214] : memref<8000xi32, #tpu.memory_space<vmem>> -> memref<4000xi32, #tpu.memory_space<vmem>>
          %parallel_loop3A_285 = arith.index_cast %parallel_loop3A_283 : i32 to index
          %parallel_loop3A_286 = tpu.vector_load %parallel_loop3A_284[%parallel_loop3A_285] {strides = array<i32>} : memref<4000xi32, #tpu.memory_space<vmem>>, vector<16xi32>,
          %parallel_loop3A_287 = tpu.memref_slice %run_scoped3A_12[%mul3A_218] : memref<8000xi32, #tpu.memory_space<vmem>> -> memref<4000xi32, #tpu.memory_space<vmem>>
          %parallel_loop3A_288 = arith.index_cast %parallel_loop3A_283 : i32 to index
          %parallel_loop3A_289 = tpu.vector_load %parallel_loop3A_287[%parallel_loop3A_288] {strides = array<i32>} : memref<4000xi32, #tpu.memory_space<vmem>>, vector<16xi32>,
          %parallel_loop3A_290 = arith.constant 0 : i32
          %parallel_loop3A_291 = vector.broadcast %parallel_loop3A_290 : i32 to vector<16xi32>
          %parallel_loop3A_292 = arith.addi %parallel_loop3A_289, %parallel_loop3A_291 : vector<16xi32>
          %parallel_loop3A_293 = tpu.vector_load_idx %arg7[%parallel_loop3A_292] : memref<20000xf32, #tpu.memory_space<vmem>>[vector<16xi32>], vector<16xf32>,
          %parallel_loop3A_294 = arith.constant 5000 : i32
          %parallel_loop3A_295 = vector.broadcast %parallel_loop3A_294 : i32 to vector<16xi32>
          %parallel_loop3A_296 = arith.addi %parallel_loop3A_289, %parallel_loop3A_295 : vector<16xi32>
          %parallel_loop3A_297 = tpu.vector_load_idx %arg7[%parallel_loop3A_296] : memref<20000xf32, #tpu.memory_space<vmem>>[vector<16xi32>], vector<16xf32>,
          %parallel_loop3A_298 = arith.constant 10000 : i32
          %parallel_loop3A_299 = vector.broadcast %parallel_loop3A_298 : i32 to vector<16xi32>
          %parallel_loop3A_300 = arith.addi %parallel_loop3A_289, %parallel_loop3A_299 : vector<16xi32>
          %parallel_loop3A_301 = tpu.vector_load_idx %arg7[%parallel_loop3A_300] : memref<20000xf32, #tpu.memory_space<vmem>>[vector<16xi32>], vector<16xf32>,
          %parallel_loop3A_302 = arith.constant 15000 : i32
          %parallel_loop3A_303 = vector.broadcast %parallel_loop3A_302 : i32 to vector<16xi32>
          %parallel_loop3A_304 = arith.addi %parallel_loop3A_289, %parallel_loop3A_303 : vector<16xi32>
          %parallel_loop3A_305 = tpu.vector_load_idx %arg7[%parallel_loop3A_304] : memref<20000xf32, #tpu.memory_space<vmem>>[vector<16xi32>], vector<16xf32>,
          %parallel_loop3A_306 = arith.constant 0 : i32
          %parallel_loop3A_307 = vector.broadcast %parallel_loop3A_306 : i32 to vector<16xi32>
          %parallel_loop3A_308 = arith.addi %parallel_loop3A_286, %parallel_loop3A_307 : vector<16xi32>
          tpu.vector_store_idx %arg8[%parallel_loop3A_308], %parallel_loop3A_293 {add = true} : memref<40000xf32, #tpu.memory_space<vmem>>[vector<16xi32>], vector<16xf32>,
          %parallel_loop3A_309 = arith.constant 10000 : i32
          %parallel_loop3A_310 = vector.broadcast %parallel_loop3A_309 : i32 to vector<16xi32>
          %parallel_loop3A_311 = arith.addi %parallel_loop3A_286, %parallel_loop3A_310 : vector<16xi32>
          tpu.vector_store_idx %arg8[%parallel_loop3A_311], %parallel_loop3A_297 {add = true} : memref<40000xf32, #tpu.memory_space<vmem>>[vector<16xi32>], vector<16xf32>,
          %parallel_loop3A_312 = arith.constant 20000 : i32
          %parallel_loop3A_313 = vector.broadcast %parallel_loop3A_312 : i32 to vector<16xi32>
          %parallel_loop3A_314 = arith.addi %parallel_loop3A_286, %parallel_loop3A_313 : vector<16xi32>
          tpu.vector_store_idx %arg8[%parallel_loop3A_314], %parallel_loop3A_301 {add = true} : memref<40000xf32, #tpu.memory_space<vmem>>[vector<16xi32>], vector<16xf32>,
          %parallel_loop3A_315 = arith.constant 30000 : i32
          %parallel_loop3A_316 = vector.broadcast %parallel_loop3A_315 : i32 to vector<16xi32>
          %parallel_loop3A_317 = arith.addi %parallel_loop3A_286, %parallel_loop3A_316 : vector<16xi32>
          tpu.vector_store_idx %arg8[%parallel_loop3A_317], %parallel_loop3A_305 {add = true} : memref<40000xf32, #tpu.memory_space<vmem>>[vector<16xi32>], vector<16xf32>,
        } {sc.loop_unroll_factor = 4 : i64, sc.parallel_access}
        "tpu.trace_stop"() : () -> ()
        %ne3A_221 = arith.cmpi ne, %add3A_141, %add3A_161 : i32
        %or3A_222 = arith.constant false
        %or3A_223 = arith.ori %or3A_222, %ne3A_221 : i1
        %or3A_224 = arith.ori %or3A_223, %eq3A_139 : i1
        %convert_element_type3A_225 = arith.extui %or3A_224 : i1 to i32
        %cond3A_226 = arith.constant 0 : i32
        %cond3A_227 = arith.cmpi ne, %convert_element_type3A_225, %cond3A_226 : i32
        scf.if %cond3A_227 {
        } else {
        }
        %and3A_228 = arith.constant false
        %and3A_229 = arith.andi %or3A_224, %and3A_228 : i1
        %ne3A_230 = arith.cmpi ne, %add3A_141, %add3A_161 : i32
        %or3A_231 = arith.constant false
        %or3A_232 = arith.ori %or3A_231, %ne3A_230 : i1
        %or3A_233 = arith.ori %or3A_232, %eq3A_139 : i1
        %convert_element_type3A_234 = arith.extui %or3A_233 : i1 to i32
        %cond3A_235 = arith.constant 0 : i32
        %cond3A_236 = arith.cmpi ne, %convert_element_type3A_234, %cond3A_235 : i32
        scf.if %cond3A_236 {
        } else {
        }
        %and3A_237 = arith.constant false
        %and3A_238 = arith.andi %or3A_233, %and3A_237 : i1
        %ne3A_239 = arith.cmpi ne, %add3A_141, %add3A_151 : i32
        %or3A_240 = arith.constant false
        %or3A_241 = arith.ori %or3A_240, %ne3A_239 : i1
        %not3A_242 = arith.constant true
        %not3A_243 = arith.xori %eq3A_137, %not3A_242 : i1
        %and3A_244 = arith.andi %or3A_241, %not3A_243 : i1
        %convert_element_type3A_245 = arith.extui %and3A_244 : i1 to i32
        %cond3A_246 = arith.constant 0 : i32
        %cond3A_247 = arith.cmpi ne, %convert_element_type3A_245, %cond3A_246 : i32
        scf.if %cond3A_247 {
        } else {
        }
        %and3A_248 = arith.constant false
        %and3A_249 = arith.andi %and3A_244, %and3A_248 : i1
        %ne3A_250 = arith.cmpi ne, %add3A_141, %add3A_151 : i32
        %or3A_251 = arith.constant false
        %or3A_252 = arith.ori %or3A_251, %ne3A_250 : i1
        %not3A_253 = arith.constant true
        %not3A_254 = arith.xori %eq3A_137, %not3A_253 : i1
        %and3A_255 = arith.andi %or3A_252, %not3A_254 : i1
        %convert_element_type3A_256 = arith.extui %and3A_255 : i1 to i32
        %cond3A_257 = arith.constant 0 : i32
        %cond3A_258 = arith.cmpi ne, %convert_element_type3A_256, %cond3A_257 : i32
        scf.if %cond3A_258 {
        } else {
        }
        %and3A_259 = arith.constant false
        %and3A_260 = arith.andi %and3A_255, %and3A_259 : i1
        %ne3A_261 = arith.cmpi ne, %add3A_141, %add3A_161 : i32
        %or3A_262 = arith.constant false
        %or3A_263 = arith.ori %or3A_262, %ne3A_261 : i1
        %or3A_264 = arith.ori %or3A_263, %eq3A_139 : i1
        %add3A_265 = arith.constant 1 : i32
        %add3A_266 = arith.addi %scan3A_132, %add3A_265 : i32
        %select_n3A_267 = arith.select %or3A_264, %add3A_266, %scan3A_132 : i32
        %ne3A_268 = arith.cmpi ne, %add3A_141, %add3A_161 : i32
        %or3A_269 = arith.constant false
        %or3A_270 = arith.ori %or3A_269, %ne3A_268 : i1
        %or3A_271 = arith.ori %or3A_270, %eq3A_139 : i1
        %add3A_272 = arith.constant 1 : i32
        %add3A_273 = arith.addi %scan3A_134, %add3A_272 : i32
        %select_n3A_274 = arith.select %or3A_271, %add3A_273, %scan3A_134 : i32
        %add3A_275 = arith.constant 1 : i32
        %add3A_276 = arith.addi %scan3A_135, %add3A_275 : i32
        %select_n3A_277 = arith.constant true
        %select_n3A_278 = arith.select %select_n3A_277, %add3A_276, %scan3A_135 : i32
        %eq3A_279 = arith.constant 160 : i32
        %eq3A_280 = arith.cmpi eq, %select_n3A_278, %eq3A_279 : i32
        %select_n3A_281 = arith.constant 0 : i32
        %select_n3A_282 = arith.select %eq3A_280, %select_n3A_281, %select_n3A_278 : i32
        scf.yield %select_n3A_180, %select_n3A_267, %select_n3A_196, %select_n3A_274, %select_n3A_282 : i32, i32, i32, i32, i32
      }
      %scan3A_90 = arith.constant 160 : i32
      %sub3A = arith.constant 1 : i32
      %sub3A_91 = arith.subi %scan3A_89#4, %sub3A : i32
      %select_n3A_92 = arith.constant true
      %select_n3A_93 = arith.select %select_n3A_92, %sub3A_91, %scan3A_89#4 : i32
      %eq3A_94 = arith.constant -1 : i32
      %eq3A_95 = arith.cmpi eq, %select_n3A_93, %eq3A_94 : i32
      %select_n3A_96 = arith.constant 159 : i32
      %select_n3A_97 = arith.select %eq3A_95, %select_n3A_96, %select_n3A_93 : i32
      %add3A_98 = arith.constant 0 : i32
      %add3A_99 = arith.addi %select_n3A_97, %add3A_98 : i32
      %sub3A_100 = arith.constant 1 : i32
      %sub3A_101 = arith.subi %select_n3A_97, %sub3A_100 : i32
      %select_n3A_102 = arith.constant true
      %select_n3A_103 = arith.select %select_n3A_102, %sub3A_101, %select_n3A_97 : i32
      %eq3A_104 = arith.constant -1 : i32
      %eq3A_105 = arith.cmpi eq, %select_n3A_103, %eq3A_104 : i32
      %select_n3A_106 = arith.constant 159 : i32
      %select_n3A_107 = arith.select %eq3A_105, %select_n3A_106, %select_n3A_103 : i32
      %add3A_108 = arith.constant 0 : i32
      %add3A_109 = arith.addi %select_n3A_107, %add3A_108 : i32
      %add3A_110 = arith.constant 1 : i32
      %add3A_111 = arith.addi %select_n3A_97, %add3A_110 : i32
      %select_n3A_112 = arith.constant true
      %select_n3A_113 = arith.select %select_n3A_112, %add3A_111, %select_n3A_97 : i32
      %eq3A_114 = arith.constant 160 : i32
      %eq3A_115 = arith.cmpi eq, %select_n3A_113, %eq3A_114 : i32
      %select_n3A_116 = arith.constant 0 : i32
      %select_n3A_117 = arith.select %eq3A_115, %select_n3A_116, %select_n3A_113 : i32
      %add3A_118 = arith.constant 0 : i32
      %add3A_119 = arith.addi %select_n3A_117, %add3A_118 : i32
      %add3A_120 = arith.constant 1 : i32
      %add3A_121 = arith.addi %select_n3A_117, %add3A_120 : i32
      %select_n3A_122 = arith.constant true
      %select_n3A_123 = arith.select %select_n3A_122, %add3A_121, %select_n3A_117 : i32
      %eq3A_124 = arith.constant 160 : i32
      %eq3A_125 = arith.cmpi eq, %select_n3A_123, %eq3A_124 : i32
      %select_n3A_126 = arith.constant 0 : i32
      %select_n3A_127 = arith.select %eq3A_125, %select_n3A_126, %select_n3A_123 : i32
      %add3A_128 = arith.constant 0 : i32
      %add3A_129 = arith.addi %select_n3A_127, %add3A_128 : i32
      tpu.yield
    }) : () -> ()
    "tpu.region"() ({
      %run_scoped3A = tpu.sem_alloc : memref<!tpu.dma_semaphore, #tpu.memory_space<semaphore_mem>>
      %dma_start3A = arith.constant 0 : i32
      %dma_start3A_11 = tpu.memref_slice %arg5[%add3A, %dma_start3A] : memref<32x40000xf32, #tpu.memory_space<hbm>> -> memref<1x40000xf32, #tpu.memory_space<hbm>>
      %dma_start3A_12 = tpu.memref_squeeze %dma_start3A_11 : memref<1x40000xf32, #tpu.memory_space<hbm>> -> memref<40000xf32, #tpu.memory_space<hbm>>
      %dma_start3A_13 = arith.constant 0 : i32
      %dma_start3A_14 = tpu.memref_slice %arg5[%add3A, %dma_start3A_13] : memref<32x40000xf32, #tpu.memory_space<hbm>> -> memref<1x40000xf32, #tpu.memory_space<hbm>>
      %dma_start3A_15 = tpu.memref_squeeze %dma_start3A_14 : memref<1x40000xf32, #tpu.memory_space<hbm>> -> memref<40000xf32, #tpu.memory_space<hbm>>
      tpu.enqueue_dma source(%arg8 : memref<40000xf32, #tpu.memory_space<vmem>>) target(%dma_start3A_15 : memref<40000xf32, #tpu.memory_space<hbm>>) target_semaphore(%run_scoped3A : memref<!tpu.dma_semaphore, #tpu.memory_space<semaphore_mem>>)
      %dma_wait3A = arith.constant 0 : i32
      %dma_wait3A_16 = tpu.memref_slice %arg5[%add3A, %dma_wait3A] : memref<32x40000xf32, #tpu.memory_space<hbm>> -> memref<1x40000xf32, #tpu.memory_space<hbm>>
      %dma_wait3A_17 = tpu.memref_squeeze %dma_wait3A_16 : memref<1x40000xf32, #tpu.memory_space<hbm>> -> memref<40000xf32, #tpu.memory_space<hbm>>
      %dma_wait3A_18 = arith.constant 0 : i32
      %dma_wait3A_19 = tpu.memref_slice %arg5[%add3A, %dma_wait3A_18] : memref<32x40000xf32, #tpu.memory_space<hbm>> -> memref<1x40000xf32, #tpu.memory_space<hbm>>
      %dma_wait3A_20 = tpu.memref_squeeze %dma_wait3A_19 : memref<1x40000xf32, #tpu.memory_space<hbm>> -> memref<40000xf32, #tpu.memory_space<hbm>>
      tpu.wait_dma2 semaphore(%run_scoped3A : memref<!tpu.dma_semaphore, #tpu.memory_space<semaphore_mem>>) src(%arg8 : memref<40000xf32, #tpu.memory_space<vmem>>) dst(%dma_wait3A_20 : memref<40000xf32, #tpu.memory_space<hbm>>)
      tpu.yield
    }) : () -> ()
    return
  }
}

module attributes {stable_mosaic.version = 14 : i64} {
  func.func @_mm_body(%arg0: i32, %arg1: memref<1000x128xf32, #tpu.memory_space<vmem>>, %arg2: memref<1000x128xf32, #tpu.memory_space<vmem>>, %arg3: memref<1000x1xf32, #tpu.memory_space<vmem>>, %arg4: memref<1000x1xf32, #tpu.memory_space<vmem>>, %arg5: memref<128x128xf32, #tpu.memory_space<vmem>>, %arg6: memref<128x128xf32, #tpu.memory_space<vmem>>, %arg7: memref<1000x128xf32, #tpu.memory_space<vmem>>) attributes {dimension_semantics = [#tpu.dimension_semantics<arbitrary>], iteration_bounds = array<i64: 10>, scalar_prefetch = 0 : i64, scratch_operands = 0 : i64, tpu.core_type = #tpu.core_type<tc>, window_params = [{transform_indices = @transform_0, window_bounds = array<i64: 1000, 128>}, {transform_indices = @transform_1, window_bounds = array<i64: 1000, 128>}, {transform_indices = @transform_2, window_bounds = array<i64: 1000, 1>}, {transform_indices = @transform_3, window_bounds = array<i64: 1000, 1>}, {pipeline_mode = #tpu.pipeline_mode<synchronous>, transform_indices = @transform_4, window_bounds = array<i64: 128, 128>}, {pipeline_mode = #tpu.pipeline_mode<synchronous>, transform_indices = @transform_5, window_bounds = array<i64: 128, 128>}, {transform_indices = @transform_6, window_bounds = array<i64: 1000, 128>}]} {
    %get3A = arith.constant 0 : index
    %get3A_0 = arith.constant 0 : index
    %get3A_1 = vector.load %arg3[%get3A, %get3A_0] : memref<1000x1xf32, #tpu.memory_space<vmem>>, vector<1000x1xf32>
    %div3A = arith.constant 1.000000e+00 : f32
    %div3A_2 = vector.broadcast %div3A : f32 to vector<1000x1xf32>
    %div3A_3 = arith.divf %div3A_2, %get3A_1 : vector<1000x1xf32>
    %get3A_4 = arith.constant 0 : index
    %get3A_5 = arith.constant 0 : index
    %get3A_6 = vector.load %arg4[%get3A_4, %get3A_5] : memref<1000x1xf32, #tpu.memory_space<vmem>>, vector<1000x1xf32>
    %div3A_7 = arith.constant 1.000000e+00 : f32
    %div3A_8 = vector.broadcast %div3A_7 : f32 to vector<1000x1xf32>
    %div3A_9 = arith.divf %div3A_8, %get3A_6 : vector<1000x1xf32>
    %mul3A = arith.mulf %div3A_3, %div3A_9 : vector<1000x1xf32>
    %get3A_10 = arith.constant 0 : index
    %get3A_11 = arith.constant 0 : index
    %get3A_12 = vector.load %arg2[%get3A_10, %get3A_11] : memref<1000x128xf32, #tpu.memory_space<vmem>>, vector<1000x128xf32>
    %mul3A_13 = vector.broadcast %mul3A : vector<1000x1xf32> to vector<1000x128xf32>
    %mul3A_14 = arith.mulf %get3A_12, %mul3A_13 : vector<1000x128xf32>
    %get3A_15 = arith.constant 0 : index
    %get3A_16 = arith.constant 0 : index
    %get3A_17 = vector.load %arg1[%get3A_15, %get3A_16] : memref<1000x128xf32, #tpu.memory_space<vmem>>, vector<1000x128xf32>
    %get3A_18 = arith.constant 0 : index
    %get3A_19 = arith.constant 0 : index
    %get3A_20 = vector.load %arg5[%get3A_18, %get3A_19] : memref<128x128xf32, #tpu.memory_space<vmem>>, vector<128x128xf32>
    %dot_general3A = arith.constant dense<0.000000e+00> : vector<1000x128xf32>
    %dot_general3A_21 = tpu.matmul %get3A_17, %get3A_20, %dot_general3A {dimension_numbers = #tpu.dot_dimension_numbers<[1], [0], [0], [1], [0, 0, 1, 1], [], []>, transpose_lhs_hint = false} : vector<1000x128xf32>, vector<128x128xf32>, vector<1000x128xf32> -> vector<1000x128xf32>
    %get3A_22 = arith.constant 0 : index
    %get3A_23 = arith.constant 0 : index
    %get3A_24 = vector.load %arg6[%get3A_22, %get3A_23] : memref<128x128xf32, #tpu.memory_space<vmem>>, vector<128x128xf32>
    %dot_general3A_25 = arith.constant dense<0.000000e+00> : vector<1000x128xf32>
    %dot_general3A_26 = tpu.matmul %mul3A_14, %get3A_24, %dot_general3A_25 {dimension_numbers = #tpu.dot_dimension_numbers<[1], [0], [0], [1], [0, 0, 1, 1], [], []>, transpose_lhs_hint = false} : vector<1000x128xf32>, vector<128x128xf32>, vector<1000x128xf32> -> vector<1000x128xf32>
    %add3A = arith.addf %dot_general3A_21, %dot_general3A_26 : vector<1000x128xf32>
    %ge3A = arith.constant 0.000000e+00 : f32
    %ge3A_27 = vector.broadcast %ge3A : f32 to vector<1000x128xf32>
    %ge3A_28 = arith.cmpf oge, %add3A, %ge3A_27 : vector<1000x128xf32>
    %mul3A_29 = arith.constant 0.00999999977 : f32
    %mul3A_30 = vector.broadcast %mul3A_29 : f32 to vector<1000x128xf32>
    %mul3A_31 = arith.mulf %add3A, %mul3A_30 : vector<1000x128xf32>
    %select_n3A = arith.select %ge3A_28, %add3A, %mul3A_31 : vector<1000x128xi1>, vector<1000x128xf32>
    %swap3A = arith.constant 0 : index
    %swap3A_32 = arith.constant 0 : index
    %swap3A_33 = vector.load %arg7[%swap3A, %swap3A_32] : memref<1000x128xf32, #tpu.memory_space<vmem>>, vector<1000x128xf32>
    tpu.vector_store %arg7[%swap3A, %swap3A_32], %select_n3A {strides = array<i32>} : memref<1000x128xf32, #tpu.memory_space<vmem>>, vector<1000x128xf32>,
    return
  }
  func.func @transform_0(%arg0: i32) -> (i32, i32) {
    %c0_i32 = arith.constant 0 : i32
    %c0_i32_0 = arith.constant 0 : i32
    return %arg0, %c0_i32 : i32, i32
  }
  func.func @transform_1(%arg0: i32) -> (i32, i32) {
    %c0_i32 = arith.constant 0 : i32
    %c0_i32_0 = arith.constant 0 : i32
    return %arg0, %c0_i32 : i32, i32
  }
  func.func @transform_2(%arg0: i32) -> (i32, i32) {
    %c0_i32 = arith.constant 0 : i32
    %c0_i32_0 = arith.constant 0 : i32
    return %arg0, %c0_i32 : i32, i32
  }
  func.func @transform_3(%arg0: i32) -> (i32, i32) {
    %c0_i32 = arith.constant 0 : i32
    %c0_i32_0 = arith.constant 0 : i32
    return %arg0, %c0_i32 : i32, i32
  }
  func.func @transform_4(%arg0: i32) -> (i32, i32) {
    %c0_i32 = arith.constant 0 : i32
    %c0_i32_0 = arith.constant 0 : i32
    %c0_i32_1 = arith.constant 0 : i32
    return %c0_i32, %c0_i32_0 : i32, i32
  }
  func.func @transform_5(%arg0: i32) -> (i32, i32) {
    %c0_i32 = arith.constant 0 : i32
    %c0_i32_0 = arith.constant 0 : i32
    %c0_i32_1 = arith.constant 0 : i32
    return %c0_i32, %c0_i32_0 : i32, i32
  }
  func.func @transform_6(%arg0: i32) -> (i32, i32) {
    %c0_i32 = arith.constant 0 : i32
    %c0_i32_0 = arith.constant 0 : i32
    return %arg0, %c0_i32 : i32, i32
  }
}

module attributes {stable_mosaic.version = 14 : i64} {
  func.func @_mm_body(%arg0: i32, %arg1: memref<1000x128xf32, #tpu.memory_space<vmem>>, %arg2: memref<1000x128xf32, #tpu.memory_space<vmem>>, %arg3: memref<1000x1xf32, #tpu.memory_space<vmem>>, %arg4: memref<1000x1xf32, #tpu.memory_space<vmem>>, %arg5: memref<128x128xf32, #tpu.memory_space<vmem>>, %arg6: memref<128x128xf32, #tpu.memory_space<vmem>>, %arg7: memref<1000x128xf32, #tpu.memory_space<vmem>>) attributes {dimension_semantics = [#tpu.dimension_semantics<arbitrary>], iteration_bounds = array<i64: 10>, scalar_prefetch = 0 : i64, scratch_operands = 0 : i64, tpu.core_type = #tpu.core_type<tc>, window_params = [{transform_indices = @transform_0, window_bounds = array<i64: 1000, 128>}, {transform_indices = @transform_1, window_bounds = array<i64: 1000, 128>}, {transform_indices = @transform_2, window_bounds = array<i64: 1000, 1>}, {transform_indices = @transform_3, window_bounds = array<i64: 1000, 1>}, {pipeline_mode = #tpu.pipeline_mode<synchronous>, transform_indices = @transform_4, window_bounds = array<i64: 128, 128>}, {pipeline_mode = #tpu.pipeline_mode<synchronous>, transform_indices = @transform_5, window_bounds = array<i64: 128, 128>}, {transform_indices = @transform_6, window_bounds = array<i64: 1000, 128>}]} {
    %get3A = arith.constant 0 : index
    %get3A_0 = arith.constant 0 : index
    %get3A_1 = vector.load %arg3[%get3A, %get3A_0] : memref<1000x1xf32, #tpu.memory_space<vmem>>, vector<1000x1xf32>
    %div3A = arith.constant 1.000000e+00 : f32
    %div3A_2 = vector.broadcast %div3A : f32 to vector<1000x1xf32>
    %div3A_3 = arith.divf %div3A_2, %get3A_1 : vector<1000x1xf32>
    %get3A_4 = arith.constant 0 : index
    %get3A_5 = arith.constant 0 : index
    %get3A_6 = vector.load %arg4[%get3A_4, %get3A_5] : memref<1000x1xf32, #tpu.memory_space<vmem>>, vector<1000x1xf32>
    %div3A_7 = arith.constant 1.000000e+00 : f32
    %div3A_8 = vector.broadcast %div3A_7 : f32 to vector<1000x1xf32>
    %div3A_9 = arith.divf %div3A_8, %get3A_6 : vector<1000x1xf32>
    %mul3A = arith.mulf %div3A_3, %div3A_9 : vector<1000x1xf32>
    %get3A_10 = arith.constant 0 : index
    %get3A_11 = arith.constant 0 : index
    %get3A_12 = vector.load %arg2[%get3A_10, %get3A_11] : memref<1000x128xf32, #tpu.memory_space<vmem>>, vector<1000x128xf32>
    %mul3A_13 = vector.broadcast %mul3A : vector<1000x1xf32> to vector<1000x128xf32>
    %mul3A_14 = arith.mulf %get3A_12, %mul3A_13 : vector<1000x128xf32>
    %get3A_15 = arith.constant 0 : index
    %get3A_16 = arith.constant 0 : index
    %get3A_17 = vector.load %arg1[%get3A_15, %get3A_16] : memref<1000x128xf32, #tpu.memory_space<vmem>>, vector<1000x128xf32>
    %get3A_18 = arith.constant 0 : index
    %get3A_19 = arith.constant 0 : index
    %get3A_20 = vector.load %arg5[%get3A_18, %get3A_19] : memref<128x128xf32, #tpu.memory_space<vmem>>, vector<128x128xf32>
    %dot_general3A = arith.constant dense<0.000000e+00> : vector<1000x128xf32>
    %dot_general3A_21 = tpu.matmul %get3A_17, %get3A_20, %dot_general3A {dimension_numbers = #tpu.dot_dimension_numbers<[1], [0], [0], [1], [0, 0, 1, 1], [], []>, transpose_lhs_hint = false} : vector<1000x128xf32>, vector<128x128xf32>, vector<1000x128xf32> -> vector<1000x128xf32>
    %get3A_22 = arith.constant 0 : index
    %get3A_23 = arith.constant 0 : index
    %get3A_24 = vector.load %arg6[%get3A_22, %get3A_23] : memref<128x128xf32, #tpu.memory_space<vmem>>, vector<128x128xf32>
    %dot_general3A_25 = arith.constant dense<0.000000e+00> : vector<1000x128xf32>
    %dot_general3A_26 = tpu.matmul %mul3A_14, %get3A_24, %dot_general3A_25 {dimension_numbers = #tpu.dot_dimension_numbers<[1], [0], [0], [1], [0, 0, 1, 1], [], []>, transpose_lhs_hint = false} : vector<1000x128xf32>, vector<128x128xf32>, vector<1000x128xf32> -> vector<1000x128xf32>
    %add3A = arith.addf %dot_general3A_21, %dot_general3A_26 : vector<1000x128xf32>
    %ge3A = arith.constant 0.000000e+00 : f32
    %ge3A_27 = vector.broadcast %ge3A : f32 to vector<1000x128xf32>
    %ge3A_28 = arith.cmpf oge, %add3A, %ge3A_27 : vector<1000x128xf32>
    %mul3A_29 = arith.constant 0.00999999977 : f32
    %mul3A_30 = vector.broadcast %mul3A_29 : f32 to vector<1000x128xf32>
    %mul3A_31 = arith.mulf %add3A, %mul3A_30 : vector<1000x128xf32>
    %select_n3A = arith.select %ge3A_28, %add3A, %mul3A_31 : vector<1000x128xi1>, vector<1000x128xf32>
    %swap3A = arith.constant 0 : index
    %swap3A_32 = arith.constant 0 : index
    %swap3A_33 = vector.load %arg7[%swap3A, %swap3A_32] : memref<1000x128xf32, #tpu.memory_space<vmem>>, vector<1000x128xf32>
    tpu.vector_store %arg7[%swap3A, %swap3A_32], %select_n3A {strides = array<i32>} : memref<1000x128xf32, #tpu.memory_space<vmem>>, vector<1000x128xf32>,
    return
  }
  func.func @transform_0(%arg0: i32) -> (i32, i32) {
    %c0_i32 = arith.constant 0 : i32
    %c0_i32_0 = arith.constant 0 : i32
    return %arg0, %c0_i32 : i32, i32
  }
  func.func @transform_1(%arg0: i32) -> (i32, i32) {
    %c0_i32 = arith.constant 0 : i32
    %c0_i32_0 = arith.constant 0 : i32
    return %arg0, %c0_i32 : i32, i32
  }
  func.func @transform_2(%arg0: i32) -> (i32, i32) {
    %c0_i32 = arith.constant 0 : i32
    %c0_i32_0 = arith.constant 0 : i32
    return %arg0, %c0_i32 : i32, i32
  }
  func.func @transform_3(%arg0: i32) -> (i32, i32) {
    %c0_i32 = arith.constant 0 : i32
    %c0_i32_0 = arith.constant 0 : i32
    return %arg0, %c0_i32 : i32, i32
  }
  func.func @transform_4(%arg0: i32) -> (i32, i32) {
    %c0_i32 = arith.constant 0 : i32
    %c0_i32_0 = arith.constant 0 : i32
    %c0_i32_1 = arith.constant 0 : i32
    return %c0_i32, %c0_i32_0 : i32, i32
  }
  func.func @transform_5(%arg0: i32) -> (i32, i32) {
    %c0_i32 = arith.constant 0 : i32
    %c0_i32_0 = arith.constant 0 : i32
    %c0_i32_1 = arith.constant 0 : i32
    return %c0_i32, %c0_i32_0 : i32, i32
  }
  func.func @transform_6(%arg0: i32) -> (i32, i32) {
    %c0_i32 = arith.constant 0 : i32
    %c0_i32_0 = arith.constant 0 : i32
    return %arg0, %c0_i32 : i32, i32
  }
}

</mosaic_0001>

<sc_bundles>
// kernel: kernel.6.cloned.1.call-start
scs
__scs_entry_jumppad:
0x0: {  	(pc) =	sbr.rel $0x88, $3  }
0x1: {  	(tag) =	ssettag $0x0;
	lr =	simm.s32 $0x1  }
0x2: {  	[smem:$0x3F9A] =	sst lr;
	_ =	strace $0xD0000000  }
0x3: {  	_ = 	snop  }
0x4: {  	_ = 	snop  }
0x5: {  	_ = 	snop  }
0x6: {  	_ = 	snop  }
0x7: {  	_ = 	snop  }
__scs_overlays_trampoline_lowered:
0x8: {  	[smem:$0x3FA9] =	sst s0  }
0x9: {  	[smem:$0x3FAA] =	sst s1  }
0xa: {  	[smem:$0x3FAB] =	sst s2  }
0xb: {  	[smem:$0x3FAC] =	sst s3  }
0xc: {  	[smem:$0x3FAD] =	sst s4  }
0xd: {  	[smem:$0x3FAE] =	sst s5  }
0xe: {  	[smem:$0x3FAF] =	sst s6  }
0xf: {  	[smem:$0x3FB0] =	sst s7  }
0x10: {  	[smem:$0x3FB1] =	sst s8  }
0x11: {  	[smem:$0x3FB2] =	sst s9;
	s0 =	simm.s32 @!p0 $0x0  }
0x12: {  	s1 =	sld [smem:$0x3F98];
	s0 =	simm.s32 @p0 $0x1  }
0x13: {  	[smem:$0x3FB3] =	sst s0;
	s0 =	simm.s32 @!p1 $0x0  }
0x14: {  	s2 =	sld [smem:$0x3F97];
	s0 =	simm.s32 @p1 $0x1  }
0x15: {  	[smem:$0x3FB4] =	sst s0;
	s0 =	simm.s32 @!p2 $0x0  }
0x16: {  	s3 =	sld [smem:$0x3FDB];
	s0 =	simm.s32 @p2 $0x1  }
0x17: {  	s4 =	simm.s32 $0x1BF5;
	[smem:$0x3FB6] =	sst s0  }
0x18: {  	s0 =	sld [smem:$0x3F99];
	_ =	swait.ge [sflag:s4], $0x0  }
0x19: {  	s7 =	sld [smem:$0x3F9A]  }
0x1a: {  	s8 =	sadd.s32 $0xFFFFE003, lr  }
0x1b: {  	s9 =	sadd.s32 $0xFFFFFEF7, lr;
	s5 =	simm.s32 $0xFFFFFFFF;
	p2 =	slt.u32 s8, $0xFFFFF086  }
0x1c: {  	p1 =	slt.u32 s9, $0xF7A;
	s5 =	simm.s32 @!p2 $0x0  }
0x1d: {  	s5 =	simm.s32 @p1 $0x1;
	p0 =	seq.s32 s7, s2  }
0x1e: {  	s7 =	smul.u32 @!p0 $0xF7A, s2;
	p2 =	seq.s32 @!p0 s5, $0x0  }
0x1f: {  	s9 =	smul.u32 $0xF7A, s1;
	s8 =	simm.s32 @!p0 $0x1BF5;
	p2 =	por !p2, p0  }
0x20: {  	[sflag:s8] =	ssyncset.s32 @!p0 $0xFFFFF086;
	s6 =	sadd.s32 @!p0 s3, s7;
	s7 =	simm.s32 @!p0 $0x108  }
0x21: {  	s3 =	sadd.s32 s3, s9;
	s6 =	sadd.s32 @!p0 $0x88, s6;
	s7 =	simm.s32 @p2 $0x1082  }
0x22: {  	[simem:s7], [sflag:s8] =	dma.local @!p0 [hbm:s6], $0xF7A  }
0x23: {  	s9 =	sor.u32 $0xD0000000, s2;
	s6 =	simm.s32 $0x108;
	_ =	swait.ge @!p0 [sflag:s8], $0x0  }
0x24: {  	s3 =	sadd.s32 $0x88, s3;
	s6 =	simm.s32 @!p1 $0x1082;
	[sflag:s4] =	ssyncset.s32 $0xFFFFF086  }
0x25: {  	[simem:s6], [sflag:s4] =	dma.local [hbm:s3], $0xF7A  }
0x26: {  	[smem:$0x3F9A] =	sst s1;
	(tag) =	ssettag s2;
	_ =	strace s9  }
0x27: {  	s1 =	sld [smem:$0x3FAA]  }
0x28: {  	s2 =	sld [smem:$0x3FAB]  }
0x29: {  	s4 =	sld [smem:$0x3FAD]  }
0x2a: {  	p0 =	seq.s32 s5, $0x0;
	s5 =	sld [smem:$0x3FAE]  }
0x2b: {  	s6 =	sld [smem:$0x3FAF]  }
0x2c: {  	s7 =	sld [smem:$0x3FB0]  }
0x2d: {  	s3 =	simm.s32 $0x108;
	s8 =	sld [smem:$0x3FB1]  }
0x2e: {  	s3 =	simm.s32 @!p0 $0x1082;
	s9 =	sld [smem:$0x3FB2]  }
0x2f: {  	lr =	sadd.s32 s0, s3;
	s0 =	sld [smem:$0x3FA9]  }
0x30: {  	s3 =	sld [smem:$0x3FAC]  }
0x31: {  	[smem:$0x3FB5] =	sst s10  }
0x32: {  	s10 =	sld [smem:$0x3FB3];
	_ =	sdelay $0x3  }
0x33: {  	p0 =	seq.s32 s10, $0x1;
	s10 =	sld [smem:$0x3FB5];
	_ =	sdelay $0x3  }
0x34: {  	[smem:$0x3FB5] =	sst s10  }
0x35: {  	s10 =	sld [smem:$0x3FB4];
	_ =	sdelay $0x3  }
0x36: {  	p1 =	seq.s32 s10, $0x1;
	s10 =	sld [smem:$0x3FB5];
	_ =	sdelay $0x3  }
0x37: {  	[smem:$0x3FB5] =	sst s10  }
0x38: {  	s10 =	sld [smem:$0x3FB6]  }
0x39: {  	_ = 	snop;
	(pc) =	sbr.ind lr, $3  }
0x3a: {  	_ = 	snop  }
0x3b: {  	_ = 	snop  }
0x3c: {  	p2 =	seq.s32 s10, $0x1;
	s10 =	sld [smem:$0x3FB5]  }
0x3d: {  	_ =	shalt  }
0x3e: {  	_ =	shalt  }
0x3f: {  	_ =	shalt  }
0x40: {  	_ =	shalt  }
0x41: {  	_ =	shalt  }
0x42: {  	_ =	shalt  }
0x43: {  	_ =	shalt  }
0x44: {  	_ =	shalt  }
0x45: {  	_ =	shalt  }
0x46: {  	_ =	shalt  }
0x47: {  	_ =	shalt  }
0x48: {  	_ =	shalt  }
0x49: {  	_ =	shalt  }
0x4a: {  	_ =	shalt  }
0x4b: {  	_ =	shalt  }
0x4c: {  	_ =	shalt  }
0x4d: {  	_ =	shalt  }
0x4e: {  	_ =	shalt  }
0x4f: {  	_ =	shalt  }
0x50: {  	_ =	shalt  }
0x51: {  	_ =	shalt  }
0x52: {  	_ =	shalt  }
0x53: {  	_ =	shalt  }
0x54: {  	_ =	shalt  }
0x55: {  	_ =	shalt  }
0x56: {  	_ =	shalt  }
0x57: {  	_ =	shalt  }
0x58: {  	_ =	shalt  }
0x59: {  	_ =	shalt  }
0x5a: {  	_ =	shalt  }
0x5b: {  	_ =	shalt  }
0x5c: {  	_ =	shalt  }
0x5d: {  	_ =	shalt  }
0x5e: {  	_ =	shalt  }
0x5f: {  	_ =	shalt  }
0x60: {  	_ =	shalt  }
0x61: {  	_ =	shalt  }
0x62: {  	_ =	shalt  }
0x63: {  	_ =	shalt  }
0x64: {  	_ =	shalt  }
0x65: {  	_ =	shalt  }
0x66: {  	_ =	shalt  }
0x67: {  	_ =	shalt  }
0x68: {  	_ =	shalt  }
0x69: {  	_ =	shalt  }
0x6a: {  	_ =	shalt  }
0x6b: {  	_ =	shalt  }
0x6c: {  	_ =	shalt  }
0x6d: {  	_ =	shalt  }
0x6e: {  	_ =	shalt  }
0x6f: {  	_ =	shalt  }
0x70: {  	_ =	shalt  }
0x71: {  	_ =	shalt  }
0x72: {  	_ =	shalt  }
0x73: {  	_ =	shalt  }
0x74: {  	_ =	shalt  }
0x75: {  	_ =	shalt  }
0x76: {  	_ =	shalt  }
0x77: {  	_ =	shalt  }
0x78: {  	_ =	shalt  }
0x79: {  	_ =	shalt  }
0x7a: {  	_ =	shalt  }
0x7b: {  	_ =	shalt  }
0x7c: {  	_ =	shalt  }
0x7d: {  	_ =	shalt  }
0x7e: {  	_ =	shalt  }
0x7f: {  	_ =	shalt  }
0x80: {  	_ =	shalt  }
0x81: {  	_ =	shalt  }
0x82: {  	_ =	shalt  }
0x83: {  	_ =	shalt  }
0x84: {  	_ =	shalt  }
0x85: {  	_ =	shalt  }
0x86: {  	_ =	shalt  }
0x87: {  	_ =	shalt  }
.Lfunc_end0:
.L_simem_size_0:
called_computation_lowered:
.L_overlay_start_0:
0x88: {  	s2 =	sld [smem:$0x3FD9]  }
0x89: {  	s3 =	sld [smem:$0x3FFE];
	_ =	sdelay $0x1  }
0x8a: {  	s1 =	srdreg.scid  }
0x8b: {  	s0 =	sand.u32 $0x1, s1  }
0x8c: {  	s17 =	sshll.u32 s0, $0xA;
	s2 =	sadd.s32 s3, s2  }
0x8d: {  	s2 =	sadd.s32 s2, s17  }
0x8e: {  	[smem:$0x3FC1] =	sst s2  }
0x8f: {  	_ = 	snop  }
0x90: {  	s2 =	sld [smem:$0x3FC8]  }
0x91: {  	s18 =	sld [smem:$0x3FC7];
	(tm) =	ssettm $0x1  }
0x92: {  	s4 =	sld [smem:$0x3FFB];
	_ =	sdelay $0x3  }
0x93: {  	_ =	strace s4  }
0x94: {  	s4 =	sld [smem:$0x3FFC];
	_ =	sdelay $0x3  }
0x95: {  	_ =	strace s4  }
0x96: {  	s4 =	sld [smem:$0x3FFD];
	_ =	sdelay $0x3  }
0x97: {  	_ =	strace s4  }
0x98: {  	_ =	strace $0x8FFFFFFF  }
0x99: {  	s19 =	sld [smem:$0x3FDB];
	_ =	sdelay $0x1  }
0x9a: {  	s5 =	simm.s32 $_scs_section_size  }
0x9b: {  	s6 =	simm.s32 $_size__tile_overlayer_lowered;
	s7 =	simm.s32 $_tile_overlayer_lowered  }
0x9c: {  	s22 =	simm.s32 $0x1BFF;
	s21 =	sshll.u32 s7, $0x1;
	s4 =	sadd.s32 s5, s19  }
0x9d: {  	s8 =	simm.s32 $0x0;
	s20 =	sshll.u32 s6, $0x1;
	s6 =	sadd.s32 s21, s4  }
0x9e: {  	[timem:s8], [sflag:s22] =	dma.local [hbm:s6], s20  }
0x9f: {  	_ =	swait.ge [sflag:s22], s20  }
0xa0: {  	s5 =	ssub.s32 $0x0, s20;
	[sflag:s22] =	ssyncset.done $0x0  }
0xa1: {  	[sflag:s22] =	ssyncadd.s32 s5;
	_ =	sdelay $0x1  }
0xa2: {  	s23 =	simm.s32 $0x1B8B  }
0xa3: {  	_ =	swait.ge [sflag:s23], $0x1  }
0xa4: {  	[sflag:s23] =	ssyncset.done $0x0  }
0xa5: {  	s25 =	simm.s32 $0x1B8E;
	s24 =	sld [smem:$0x3FFE];
	[sflag:s23] =	ssyncadd.s32 $0xFFFFFFFF  }
0xa6: {  	s26 =	simm.s32 $execute0_lowered;
	[smem:$0x3FD2] =	sst s25  }
0xa7: {  	s6 =	sshll.u32 s26, $0x1;
	_ =	strace $0x80000046;
	[dreg:$0x1] =	wrdreg $0xFFFFFFFF  }
0xa8: {  	s28 =	simm.s32 $_size_execute0_lowered;
	s4 =	sadd.s32 s4, s6;
	[dreg:$0x0] =	wrdreg $0x0  }
0xa9: {  	s6 =	sshll.u32 s28, $0x1;
	[dreg:$0x2] =	wrdreg s4  }
0xaa: {  	[dreg:$0x3] =	wrdreg s6  }
0xab: {  	[dreg:$0x4] =	wrdreg $0xC0  }
0xac: {  	_ =	task [dreg:s8], $0x5FFFF  }
0xad: {  	[dreg:$0x1] =	wrdreg $0xFFFFFFFF  }
0xae: {  	[dreg:$0x0] =	wrdreg $0x60  }
0xaf: {  	[dreg:$0x2] =	wrdreg s24  }
0xb0: {  	[dreg:$0x3] =	wrdreg s2  }
0xb1: {  	[dreg:$0x4] =	wrdreg s18  }
0xb2: {  	[dreg:$0x5] =	wrdreg $0x9  }
0xb3: {  	_ =	task.clear_ibuf [dreg:s8], $0x6FFFF;
	_ =	strace $0x90000046  }
0xb4: {  	s29 =	simm.s32 $0x9;
	_ =	strace $0x80000054  }
0xb5: {  	_ =	swait.ge [sflag:s29], $0x1  }
0xb6: {  	[sflag:s29] =	ssyncadd.s32 $0xFFFFFFFF  }
0xb7: {  	_ =	strace $0x90000054  }
0xb8: {  	_ =	sfence  }
0xb9: {  	s30 =	sld [smem:$0x0];
	_ =	sdelay $0x2  }
0xba: {  	s31 =	sshll.u32 s1, $0xD;
	s1 =	sshrl.u32 s1, $0x2  }
0xbb: {  	s3 =	sand.u32 $0x4000, s31;
	s1 =	sadd.s32 s1, s30  }
0xbc: {  	s0 =	sor.u32 s3, s0;
	s1 =	sshll.u32 s1, $0x11  }
0xbd: {  	s0 =	sor.u32 s1, s0  }
0xbe: {  	s0 =	sadd.s32 $0x8F2B, s0  }
0xbf: {  	[sflag:s0] =	ssyncadd.remote.s32 $0x1  }
0xc0: {  	_ =	sfence.sel $0xFFFF  }
0xc1: {  	[dreg:$0x0] =	wrdreg $0xFFFFFFFF;
	(pc) =	sbr.abs _section_cstart, $3  }
0xc2: {  	[dreg:$0x1] =	wrdreg $0xFFFFFFFF  }
0xc3: {  	_ =	task.clear_ibuf [dreg:s8], $0x2FFFF;
	_ =	strace $0x9FFFFFFF  }
0xc4: {  	(tm) =	ssettm $0x7FFFFFFF  }
0xc5: {  	_ =	shalt  }
tec
execute0_lowered:
.L_overlay_start_1:
0x0: {  	(tag) =	ssettag $0x1  }
0x1: {  	s5 =	rddreg [dreg:$0x0]  }
0x2: {  	s1 =	rddreg [dreg:$0x1];
	s2 =	srdreg.scid  }
0x3: {  	s0 =	stileid.u32;
	s9 =	simm.s32 $0x400;
	s10 =	simm.s32 $0x1  }
0x4: {  	s11 =	simm.s32 $0x18780;
	s12 =	simm.s32 $0x1A700;
	s13 =	simm.s32 $0x9C80  }
0x5: {  	s14 =	simm.s32 $0xEB00;
	s15 =	simm.s32 $0x0;
	s6 =	sand.u32 $0x1, s2  }
0x6: {  	s28 =	sshrl.u32 s0, $0x2;
	s3 =	sshll.u32 s0, $0x8;
	s2 =	rddreg [dreg:$0x3]  }
0x7: {  	s7 =	smul.u32 $0x4E400, s28;
	s29 =	sshll.u32 s6, $0x7;
	s4 =	sand.u32 $0x300, s3  }
0x8: {  	s3 =	rddreg [dreg:$0x2];
	s6 =	ssub.s32 $0x2, s6;
	s8 =	sor.u32 s29, s4  }
0x9: {  	s4 =	simm.s32 $0x0;
	s30 =	sshrl.u32 s6, $0x1;
	s7 =	sor.u32 s7, s8  }
0xa: {  	[smem:$0x7FF] =	sst s4;
	s31 =	ssub.s32 s6, s30;
	s7 =	sshrl.u32 s7, $0x3  }
0xb: {  	s8 =	simm.s32 $0x80;
	_ =	strace $0x80000047;
	s7 =	sadd.s32 s7, s5  }
0xc: {  	v0 =	vimm.f32 $0.0e+00;
	s5 =	sadd.s32 $0x2400, s7;
	s6 =	sadd.s32 $0x29600, s7;
	s7 =	smax.u32 s31, $0x1  }
.LBB2_1:
0xd: {  	[tilespmem:s4], [sflag:$0x1] =	stream.strided.gather [hbm4b:s5+s8], $0x9C80, s9, s8, $0x38;
	[tilespmem:$0x1C680] =	vst v63  }
0xe: {  	_ =	swait.ge [sflag:s10], $0x9C80  }
0xf: {  	[sflag:s10] =	ssyncset.done $0x0  }
0x10: {  	s16 =	simm.s32 $0x0;
	[sflag:s10] =	ssyncadd.s32 $0xFFFF6380  }
.LBB2_2:
0x11: {  	p0 =	sne.s32 s16, $0x13840  }
.Ltmp0:
0x12: {  	_ = 	snop;
	(pc) =	sbr.rel @p0 .LBB2_2-.Ltmp0, $3  }
0x13: {  	_ =	sdelay $0x1  }
0x14: {  	s17 =	sshra.s32 s16, $0x2  }
0x15: {  	s16 =	sadd.s32 $0x40, s16;
	[tilespmem:s17+$0x9C80] =	vst v0  }
0x16: {  	s16 =	simm.s32 $0x40;
	s17 =	simm.s32 $0x0  }
.LBB2_4:
0x17: {  	p0 =	sne.s32 s16, $0x270C0;
	[tilespmem:s17+$0xEB00] =	vst v0;
	s17 =	smov.u32 s16;
	s16 =	sadd.s32 $0x40, s16  }
.Ltmp1:
0x18: {  	(pc) =	sbr.rel @p0 .LBB2_4-.Ltmp1, $2  }
0x19: {  	_ =	sdelay $0x2  }
0x1a: {  	s17 =	sshra.s32 s17, $0x2  }
0x1b: {  	[tilespmem:s17+$0xEB00] =	vst v0  }
0x1c: {  	s21 =	simm.s32 $0x0;
	_ =	strace $0x80000048  }
0x1d: {  	[tilespmem:s11], [sflag:$0x1] =	stream.linear.gather [hbm4b:s1+s21], $0xFA0, $0x200038;
	[tilespmem:$0x1C680] =	vst v63  }
0x1e: {  	s16 =	simm.s32 $0x1;
	s17 =	simm.s32 $0x0;
	s18 =	simm.s32 $0x1  }
0x1f: {  	[tilespmem:s12], [sflag:$0x3] =	stream.linear.gather [hbm4b:s3+s21], $0xFA0, $0x200038;
	[tilespmem:$0x1C680] =	vst v63  }
0x20: {  	s19 =	simm.s32 $0x0;
	s20 =	simm.s32 $0x0;
	_ =	strace $0x90000048  }
.LBB2_6:
0x21: {  	s22 =	sadd.s32 $0x1, s21  }
0x22: {  	p0 =	seq.s32 s22, $0xA0  }
0x23: {  	s22 =	simm.s32 @p0 $0x0;
	p0 =	seq.s32 s20, $0x9F  }
0x24: {  	p1 =	seq.s32 @!p0 s21, s22  }
0x25: {  	p2 =	por p1, p0  }
0x26: {  	s23 =	sand.u32 @!p2 $0x1, s16;
	s26 =	smul.u32 @!p2 $0xFA0, s22  }
0x27: {  	s24 =	smul.u32 @!p2 $0x3E80, s23  }
0x28: {  	_ =	strace @!p2 $0x80000049  }
0x29: {  	s29 =	simm.s32 @!p2 $0x0;
	s26 =	sshrl.u32 @!p2 s26, $0x3;
	s24 =	sshrl.u32 @!p2 s24, $0x2  }
0x2a: {  	s23 =	sadd.s32 @!p2 $0x1, s23;
	s28 =	sadd.s32 @!p2 s1, s26;
	s24 =	sadd.s32 @!p2 $0x18780, s24  }
0x2b: {  	[tilespmem:s24], [sflag:s23] =	stream.linear.gather @!p2 [hbm4b:s28+s29], $0xFA0, $0x200038;
	[tilespmem:$0x1C680] =	vst v63  }
0x2c: {  	s23 =	sand.u32 @!p2 $0x1, s18  }
0x2d: {  	s24 =	smul.u32 @!p2 $0x3E80, s23;
	_ =	sdelay $0x1  }
0x2e: {  	s26 =	sadd.s32 @!p2 s3, s26;
	_ =	strace @!p2 $0x90000049;
	s24 =	sshrl.u32 @!p2 s24, $0x2  }
0x2f: {  	s23 =	sadd.s32 @!p2 $0x3, s23;
	_ =	strace @!p2 $0x8000004A;
	s24 =	sadd.s32 @!p2 $0x1A700, s24  }
0x30: {  	[tilespmem:s24], [sflag:s23] =	stream.linear.gather @!p2 [hbm4b:s26+s29], $0xFA0, $0x200038;
	[tilespmem:$0x1C680] =	vst v63  }
0x31: {  	s23 =	sand.u32 $0x1, s19;
	_ =	strace @!p2 $0x9000004A  }
0x32: {  	s26 =	sadd.s32 $0x1, s23;
	_ =	strace $0x8000004B  }
0x33: {  	_ =	swait.ge [sflag:s26], $0xFA0  }
0x34: {  	[sflag:s26] =	ssyncset.done $0x0  }
0x35: {  	[sflag:s26] =	ssyncadd.s32 $0xFFFFF060  }
0x36: {  	s30 =	sand.u32 $0x1, s17;
	_ =	strace $0x9000004B  }
0x37: {  	s31 =	sadd.s32 $0x3, s30;
	_ =	strace $0x8000004C  }
0x38: {  	_ =	swait.ge [sflag:s31], $0xFA0  }
0x39: {  	[sflag:s31] =	ssyncset.done $0x0  }
0x3a: {  	p3 =	seq.s32 s23, $0x1;
	s26 =	simm.s32 $0xFA0;
	[sflag:s31] =	ssyncadd.s32 $0xFFFFF060  }
0x3b: {  	s26 =	simm.s32 @!p3 $0x0;
	_ =	strace $0x9000004C  }
0x3c: {  	s29 =	sadd.s32 $0x187A0, s26;
	_ =	strace $0x8000004D  }
0x3d: {  	v1 =	vld [tilespmem:s29+$0x10];
	_ =	sdelay $0x2  }
0x3e: {  	s28 =	simm.s32 $0xFA0;
	p3 =	seq.s32 s30, $0x1;
	v2 =	vld [tilespmem:s29+$0xFFFFFFE0]  }
0x3f: {  	s28 =	simm.s32 @!p3 $0x0;
	v5 =	vld [tilespmem:s29+$0xFFFFFFF0]  }
0x40: {  	s23 =	sadd.s32 $0x1A720, s28;
	v6 =	vld [tilespmem:s29+$0x0];
	v3 =	vadd.s32 $0x2710, v1  }
0x41: {  	v7 =	vld [tilespmem:s23+$0x10];
	v4 =	vadd.s32 $0x4E20, v1  }
0x42: {  	v9 =	vld [tilespmem:s23+$0xFFFFFFE0];
	v8 =	vadd.s32 $0x7530, v1  }
0x43: {  	v11 =	vld [tilespmem:s23+$0xFFFFFFF0];
	v10 =	vadd.s32 $0x2710, v2  }
0x44: {  	v1 =	vld.idx.msk [tilespmem:v1+s4+$0x0], $0xffff  }
0x45: {  	v16 =	vadd.s32 $0x4E20, v2;
	v3 =	vld.idx.msk [tilespmem:v3+s4+$0x0], $0xffff  }
0x46: {  	v12 =	vld.idx.msk [tilespmem:v4+s4+$0x0], $0xffff  }
0x47: {  	v13 =	vadd.s32 $0x1388, v7;
	v8 =	vld.idx.msk [tilespmem:v8+s4+$0x0], $0xffff  }
0x48: {  	v17 =	vld.idx.msk [tilespmem:v10+s4+$0x0], $0xffff;
	v10 =	vadd.s32 $0x7530, v2  }
0x49: {  	v4 =	vld [tilespmem:s23+$0x0]  }
0x4a: {  	v14 =	vadd.s32 $0x2710, v7;
	v58 =	vld.idx.msk [tilespmem:v16+s4+$0x0], $0xffff  }
0x4b: {  	v15 =	vadd.s32 $0x3A98, v7;
	[tilespmem:v7+s13+$0x0] =	vst.idx.add.f32.msk $0xffff, v1  }
0x4c: {  	v1 =	vadd.s32 $0x2710, v5;
	[tilespmem:v13+s13+$0x0] =	vst.idx.add.f32.msk $0xffff, v3  }
0x4d: {  	v7 =	vadd.s32 $0x7530, v5;
	v59 =	vld.idx.msk [tilespmem:v10+s4+$0x0], $0xffff  }
0x4e: {  	v57 =	vadd.s32 $0x2710, v6;
	v3 =	vadd.s32 $0x4E20, v5;
	v5 =	vld.idx.msk [tilespmem:v5+s4+$0x0], $0xffff  }
0x4f: {  	[tilespmem:v14+s13+$0x0] =	vst.idx.add.f32.msk $0xffff, v12  }
0x50: {  	v61 =	vadd.s32 $0x7530, v6;
	[tilespmem:v15+s13+$0x0] =	vst.idx.add.f32.msk $0xffff, v8  }
0x51: {  	v60 =	vld.idx.msk [tilespmem:v1+s4+$0x0], $0xffff  }
0x52: {  	v10 =	vadd.s32 $0x4E20, v6;
	v8 =	vld.idx.msk [tilespmem:v7+s4+$0x0], $0xffff  }
0x53: {  	v1 =	vld.idx.msk [tilespmem:v57+s4+$0x0], $0xffff  }
0x54: {  	v7 =	vld.idx.msk [tilespmem:v2+s4+$0x0], $0xffff  }
0x55: {  	v2 =	vld.idx.msk [tilespmem:v61+s4+$0x0], $0xffff  }
0x56: {  	v62 =	vadd.s32 $0x1388, v9;
	v18 =	vld.idx.msk [tilespmem:v3+s4+$0x0], $0xffff  }
0x57: {  	v19 =	vadd.s32 $0x2710, v9;
	v3 =	vld.idx.msk [tilespmem:v10+s4+$0x0], $0xffff  }
0x58: {  	v10 =	vld.idx.msk [tilespmem:v6+s4+$0x0], $0xffff;
	v6 =	vadd.s32 $0x1388, v11  }
0x59: {  	v63 =	vadd.s32 $0x3A98, v9;
	[tilespmem:v11+s13+$0x0] =	vst.idx.add.f32.msk $0xffff, v5  }
0x5a: {  	v20 =	vadd.s32 $0x2710, v11;
	[tilespmem:v9+s13+$0x0] =	vst.idx.add.f32.msk $0xffff, v7  }
0x5b: {  	[tilespmem:v62+s13+$0x0] =	vst.idx.add.f32.msk $0xffff, v17  }
0x5c: {  	p1 =	por !p1, p0;
	s24 =	simm.s32 $0x0;
	s30 =	sadd.s32 @!p2 $0x1, s16;
	[tilespmem:v19+s13+$0x0] =	vst.idx.add.f32.msk $0xffff, v58  }
0x5d: {  	s25 =	smov.u32 s16;
	s24 =	simm.s32 @p1 $0x1;
	s16 =	smov.u32 @p1 s30;
	[tilespmem:v6+s13+$0x0] =	vst.idx.add.f32.msk $0xffff, v60  }
0x5e: {  	s24 =	simm.s32 @p0 $0x0;
	s16 =	smov.u32 @p0 s25;
	s25 =	sshll.u32 s26, $0x2;
	v5 =	vadd.s32 $0x3A98, v4;
	[tilespmem:v63+s13+$0x0] =	vst.idx.add.f32.msk $0xffff, v59  }
0x5f: {  	s26 =	sshll.u32 s28, $0x2;
	s28 =	simm.s32 $0x0;
	s29 =	sadd.s32 $0x40, s29;
	v9 =	vadd.s32 $0x3A98, v11;
	v7 =	vadd.s32 $0x2710, v4;
	v6 =	vadd.s32 $0x1388, v4;
	[tilespmem:v20+s13+$0x0] =	vst.idx.add.f32.msk $0xffff, v18  }
.LBB2_7:
0x60: {  	v11 =	vld [tilespmem:s29+$0x10]  }
0x61: {  	v12 =	vld [tilespmem:s29+$0xFFFFFFF0]  }
0x62: {  	s28 =	sadd.s32 $0x40, s28;
	v13 =	vld [tilespmem:s29+$0x0]  }
0x63: {  	p1 =	slt.u32 s28, $0xF40;
	v14 =	vld [tilespmem:s29+$0xFFFFFFE0]  }
0x64: {  	[tilespmem:v9+s13+$0x0] =	vst.idx.add.f32.msk $0xffff, v8  }
0x65: {  	s23 =	sadd.s32 $0x40, s23;
	v8 =	vadd.s32 $0x2710, v11;
	[tilespmem:v4+s13+$0x0] =	vst.idx.add.f32.msk $0xffff, v10  }
0x66: {  	v4 =	vadd.s32 $0x4E20, v11;
	v10 =	vadd.s32 $0x2710, v12;
	v15 =	vadd.s32 $0x4E20, v12;
	v16 =	vld [tilespmem:s23+$0x10]  }
0x67: {  	v9 =	vadd.s32 $0x7530, v11;
	v18 =	vadd.s32 $0x7530, v12;
	v17 =	vld [tilespmem:s23+$0xFFFFFFE0];
	v19 =	vadd.s32 $0x2710, v13  }
0x68: {  	v20 =	vadd.s32 $0x2710, v14;
	v21 =	vadd.s32 $0x4E20, v14;
	v22 =	vadd.s32 $0x7530, v14;
	v23 =	vld [tilespmem:s23+$0xFFFFFFF0]  }
0x69: {  	v24 =	vadd.s32 $0x4E20, v13;
	v25 =	vadd.s32 $0x7530, v13;
	v11 =	vld.idx.msk [tilespmem:v11+s4+$0x0], $0xffff  }
0x6a: {  	v8 =	vld.idx.msk [tilespmem:v8+s4+$0x0], $0xffff  }
0x6b: {  	v26 =	vld.idx.msk [tilespmem:v4+s4+$0x0], $0xffff;
	v27 =	vadd.s32 $0x1388, v16  }
0x6c: {  	v31 =	vadd.s32 $0x2710, v16;
	v28 =	vadd.s32 $0x1388, v17;
	v29 =	vadd.s32 $0x2710, v17;
	v30 =	vld.idx.msk [tilespmem:v9+s4+$0x0], $0xffff  }
0x6d: {  	v34 =	vadd.s32 $0x3A98, v16;
	v32 =	vadd.s32 $0x3A98, v17;
	v33 =	vadd.s32 $0x1388, v23;
	v4 =	vld [tilespmem:s23+$0x0]  }
0x6e: {  	v35 =	vadd.s32 $0x2710, v23;
	v9 =	vadd.s32 $0x3A98, v23;
	v20 =	vld.idx.msk [tilespmem:v20+s4+$0x0], $0xffff  }
0x6f: {  	[tilespmem:v16+s13+$0x0] =	vst.idx.add.f32.msk $0xffff, v11  }
0x70: {  	[tilespmem:v27+s13+$0x0] =	vst.idx.add.f32.msk $0xffff, v8  }
0x71: {  	[tilespmem:v31+s13+$0x0] =	vst.idx.add.f32.msk $0xffff, v26  }
0x72: {  	v11 =	vadd.s32 $0x1388, v4;
	v16 =	vadd.s32 $0x2710, v4;
	v26 =	vadd.s32 $0x3A98, v4;
	[tilespmem:v34+s13+$0x0] =	vst.idx.add.f32.msk $0xffff, v30  }
0x73: {  	v21 =	vld.idx.msk [tilespmem:v21+s4+$0x0], $0xffff  }
0x74: {  	v22 =	vld.idx.msk [tilespmem:v22+s4+$0x0], $0xffff  }
0x75: {  	v27 =	vld.idx.msk [tilespmem:v10+s4+$0x0], $0xffff  }
0x76: {  	v15 =	vld.idx.msk [tilespmem:v15+s4+$0x0], $0xffff  }
0x77: {  	v8 =	vld.idx.msk [tilespmem:v18+s4+$0x0], $0xffff  }
0x78: {  	v18 =	vld.idx.msk [tilespmem:v19+s4+$0x0], $0xffff  }
0x79: {  	v19 =	vld.idx.msk [tilespmem:v24+s4+$0x0], $0xffff  }
0x7a: {  	v24 =	vld.idx.msk [tilespmem:v25+s4+$0x0], $0xffff  }
0x7b: {  	v14 =	vld.idx.msk [tilespmem:v14+s4+$0x0], $0xffff  }
0x7c: {  	v12 =	vld.idx.msk [tilespmem:v12+s4+$0x0], $0xffff  }
0x7d: {  	v10 =	vld.idx.msk [tilespmem:v13+s4+$0x0], $0xffff  }
0x7e: {  	[tilespmem:v6+s13+$0x0] =	vst.idx.add.f32.msk $0xffff, v1;
	v6 =	vmov v11;
	v1 =	vmov v18  }
0x7f: {  	[tilespmem:v7+s13+$0x0] =	vst.idx.add.f32.msk $0xffff, v3;
	v7 =	vmov v16;
	v3 =	vmov v19  }
0x80: {  	[tilespmem:v5+s13+$0x0] =	vst.idx.add.f32.msk $0xffff, v2;
	v5 =	vmov v26;
	v2 =	vmov v24  }
0x81: {  	[tilespmem:v17+s13+$0x0] =	vst.idx.add.f32.msk $0xffff, v14  }
0x82: {  	[tilespmem:v28+s13+$0x0] =	vst.idx.add.f32.msk $0xffff, v20  }
.Ltmp2:
0x83: {  	[tilespmem:v29+s13+$0x0] =	vst.idx.add.f32.msk $0xffff, v21;
	(pc) =	sbr.rel @p1 .LBB2_7-.Ltmp2, $4  }
0x84: {  	[tilespmem:v32+s13+$0x0] =	vst.idx.add.f32.msk $0xffff, v22  }
0x85: {  	[tilespmem:v23+s13+$0x0] =	vst.idx.add.f32.msk $0xffff, v12  }
0x86: {  	[tilespmem:v33+s13+$0x0] =	vst.idx.add.f32.msk $0xffff, v27  }
0x87: {  	s29 =	sadd.s32 $0x40, s29;
	[tilespmem:v35+s13+$0x0] =	vst.idx.add.f32.msk $0xffff, v15  }
0x88: {  	_ =	sdelay $0x3  }
0x89: {  	[tilespmem:v9+s13+$0x0] =	vst.idx.add.f32.msk $0xffff, v8  }
0x8a: {  	[tilespmem:v4+s13+$0x0] =	vst.idx.add.f32.msk $0xffff, v10  }
0x8b: {  	[tilespmem:v6+s13+$0x0] =	vst.idx.add.f32.msk $0xffff, v1  }
0x8c: {  	s23 =	sshrl.u32 s26, $0x2;
	s25 =	sshrl.u32 s25, $0x2;
	[tilespmem:v7+s13+$0x0] =	vst.idx.add.f32.msk $0xffff, v3  }
0x8d: {  	s26 =	simm.s32 $0xF70;
	s23 =	sadd.s32 $0x1B680, s23;
	s25 =	sadd.s32 $0x19700, s25;
	[tilespmem:v5+s13+$0x0] =	vst.idx.add.f32.msk $0xffff, v2  }
.LBB2_9:
0x8e: {  	v1 =	vld [tilespmem:s25+$0x0];
	_ =	sdelay $0x4  }
0x8f: {  	v2 =	vld [tilespmem:s23+$0x0];
	v3 =	vadd.s32 $0x2710, v1  }
0x90: {  	v4 =	vadd.s32 $0x4E20, v1  }
0x91: {  	v5 =	vadd.s32 $0x7530, v1;
	_ =	sdelay $0x1  }
0x92: {  	v1 =	vld.idx.msk [tilespmem:v1+s4+$0x0], $0xffff  }
0x93: {  	v6 =	vadd.s32 $0x1388, v2;
	v3 =	vld.idx.msk [tilespmem:v3+s4+$0x0], $0xffff  }
0x94: {  	s26 =	sadd.s32 $0x10, s26;
	v7 =	vadd.s32 $0x2710, v2;
	v4 =	vld.idx.msk [tilespmem:v4+s4+$0x0], $0xffff  }
0x95: {  	p1 =	slt.u32 s26, $0xF90;
	v8 =	vadd.s32 $0x3A98, v2;
	v5 =	vld.idx.msk [tilespmem:v5+s4+$0x0], $0xffff  }
.Ltmp3:
0x96: {  	_ = 	snop;
	(pc) =	sbr.rel @p1 .LBB2_9-.Ltmp3, $4  }
0x97: {  	[tilespmem:v2+s13+$0x0] =	vst.idx.add.f32.msk $0xffff, v1  }
0x98: {  	[tilespmem:v6+s13+$0x0] =	vst.idx.add.f32.msk $0xffff, v3  }
0x99: {  	[tilespmem:v7+s13+$0x0] =	vst.idx.add.f32.msk $0xffff, v4  }
0x9a: {  	s23 =	sadd.s32 $0x10, s23;
	s25 =	sadd.s32 $0x10, s25;
	[tilespmem:v8+s13+$0x0] =	vst.idx.add.f32.msk $0xffff, v5  }
0x9b: {  	p1 =	sne.s32 s21, s22  }
0x9c: {  	s21 =	simm.s32 $0x1;
	s20 =	sadd.s32 $0x1, s20;
	p0 =	por p0, p1  }
0x9d: {  	s21 =	simm.s32 @!p0 $0x0;
	p0 =	sne.s32 s20, $0xA0  }
.Ltmp4:
0x9e: {  	_ = 	snop;
	(pc) =	sbr.rel @p0 .LBB2_6-.Ltmp4, $3  }
0x9f: {  	_ =	sdelay $0x1  }
0xa0: {  	s18 =	sadd.s32 s18, s24;
	_ =	strace $0x9000004D  }
0xa1: {  	s19 =	sadd.s32 s21, s19;
	s17 =	sadd.s32 s21, s17;
	s21 =	smov.u32 s22  }
0xa2: {  	_ =	strace $0x8000004E;
	s21 =	simm.s32 $0x0  }
0xa3: {  	[tilespmem:s11], [sflag:$0x1] =	stream.linear.gather [hbm4b:s1+s21], $0xFA0, $0x200038;
	[tilespmem:$0x1C680] =	vst v63  }
0xa4: {  	s16 =	simm.s32 $0x1;
	s17 =	simm.s32 $0x0;
	s18 =	simm.s32 $0x1  }
0xa5: {  	[tilespmem:s12], [sflag:$0x3] =	stream.linear.gather [hbm4b:s3+s21], $0xFA0, $0x200038;
	[tilespmem:$0x1C680] =	vst v63  }
0xa6: {  	s19 =	simm.s32 $0x0;
	s20 =	simm.s32 $0x0;
	_ =	strace $0x9000004E  }
.LBB2_12:
0xa7: {  	s22 =	sadd.s32 $0x1, s21  }
0xa8: {  	p0 =	seq.s32 s22, $0xA0  }
0xa9: {  	s22 =	simm.s32 @p0 $0x0;
	p0 =	seq.s32 s20, $0x9F  }
0xaa: {  	p1 =	seq.s32 @!p0 s21, s22  }
0xab: {  	p2 =	por p1, p0  }
0xac: {  	s23 =	sand.u32 @!p2 $0x1, s16;
	s25 =	smul.u32 @!p2 $0xFA0, s22  }
0xad: {  	s24 =	smul.u32 @!p2 $0x3E80, s23  }
0xae: {  	_ =	strace @!p2 $0x8000004F  }
0xaf: {  	s29 =	simm.s32 @!p2 $0x0;
	s25 =	sshrl.u32 @!p2 s25, $0x3;
	s24 =	sshrl.u32 @!p2 s24, $0x2  }
0xb0: {  	s23 =	sadd.s32 @!p2 $0x1, s23;
	s28 =	sadd.s32 @!p2 s1, s25;
	s24 =	sadd.s32 @!p2 $0x18780, s24  }
0xb1: {  	[tilespmem:s24], [sflag:s23] =	stream.linear.gather @!p2 [hbm4b:s28+s29], $0xFA0, $0x200038;
	[tilespmem:$0x1C680] =	vst v63  }
0xb2: {  	s23 =	sand.u32 @!p2 $0x1, s18  }
0xb3: {  	s24 =	smul.u32 @!p2 $0x3E80, s23;
	_ =	sdelay $0x1  }
0xb4: {  	s25 =	sadd.s32 @!p2 s3, s25;
	_ =	strace @!p2 $0x9000004F;
	s24 =	sshrl.u32 @!p2 s24, $0x2  }
0xb5: {  	s23 =	sadd.s32 @!p2 $0x3, s23;
	_ =	strace @!p2 $0x80000050;
	s24 =	sadd.s32 @!p2 $0x1A700, s24  }
0xb6: {  	[tilespmem:s24], [sflag:s23] =	stream.linear.gather @!p2 [hbm4b:s25+s29], $0xFA0, $0x200038;
	[tilespmem:$0x1C680] =	vst v63  }
0xb7: {  	s23 =	sand.u32 $0x1, s19;
	_ =	strace @!p2 $0x90000050  }
0xb8: {  	s25 =	sadd.s32 $0x1, s23;
	_ =	strace $0x80000051  }
0xb9: {  	_ =	swait.ge [sflag:s25], $0xFA0  }
0xba: {  	[sflag:s25] =	ssyncset.done $0x0  }
0xbb: {  	[sflag:s25] =	ssyncadd.s32 $0xFFFFF060  }
0xbc: {  	s30 =	sand.u32 $0x1, s17;
	_ =	strace $0x90000051  }
0xbd: {  	s31 =	sadd.s32 $0x3, s30;
	_ =	strace $0x80000052  }
0xbe: {  	_ =	swait.ge [sflag:s31], $0xFA0  }
0xbf: {  	[sflag:s31] =	ssyncset.done $0x0  }
0xc0: {  	p3 =	seq.s32 s30, $0x1;
	s28 =	simm.s32 $0xFA0;
	[sflag:s31] =	ssyncadd.s32 $0xFFFFF060  }
0xc1: {  	s28 =	simm.s32 @!p3 $0x0;
	_ =	strace $0x90000052  }
0xc2: {  	s24 =	sadd.s32 $0x1A720, s28;
	_ =	strace $0x80000053  }
0xc3: {  	v4 =	vld [tilespmem:s24+$0x10]  }
0xc4: {  	s29 =	simm.s32 $0xFA0;
	p3 =	seq.s32 s23, $0x1;
	v18 =	vld [tilespmem:s24+$0x0]  }
0xc5: {  	s29 =	simm.s32 @!p3 $0x0;
	v19 =	vld [tilespmem:s24+$0xFFFFFFF0]  }
0xc6: {  	s25 =	sadd.s32 $0x187A0, s29;
	v6 =	vld [tilespmem:s24+$0xFFFFFFE0]  }
0xc7: {  	v1 =	vld [tilespmem:s25+$0xFFFFFFE0]  }
0xc8: {  	v3 =	vld [tilespmem:s25+$0x0]  }
0xc9: {  	v2 =	vld [tilespmem:s25+$0xFFFFFFF0];
	v5 =	vadd.s32 $0x3A98, v4  }
0xca: {  	v9 =	vld [tilespmem:s25+$0x10];
	v7 =	vadd.s32 $0x2710, v4  }
0xcb: {  	v10 =	vadd.s32 $0x3A98, v18;
	v16 =	vld.idx.msk [tilespmem:v4+s13+$0x0], $0xffff  }
0xcc: {  	v12 =	vadd.s32 $0x3A98, v19;
	v14 =	vld.idx.msk [tilespmem:v18+s13+$0x0], $0xffff  }
0xcd: {  	v13 =	vadd.s32 $0x3A98, v6;
	v15 =	vld.idx.msk [tilespmem:v19+s13+$0x0], $0xffff  }
0xce: {  	v20 =	vadd.s32 $0x2710, v18;
	v8 =	vld.idx.msk [tilespmem:v5+s13+$0x0], $0xffff  }
0xcf: {  	v17 =	vadd.s32 $0x1388, v4;
	v11 =	vld.idx.msk [tilespmem:v7+s13+$0x0], $0xffff  }
0xd0: {  	v21 =	vadd.s32 $0x1388, v19;
	v7 =	vld.idx.msk [tilespmem:v10+s13+$0x0], $0xffff  }
0xd1: {  	v22 =	vadd.s32 $0x2710, v6;
	v5 =	vld.idx.msk [tilespmem:v12+s13+$0x0], $0xffff  }
0xd2: {  	v23 =	vadd.s32 $0x1388, v6;
	v4 =	vld.idx.msk [tilespmem:v13+s13+$0x0], $0xffff  }
0xd3: {  	v12 =	vld.idx.msk [tilespmem:v20+s13+$0x0], $0xffff;
	v20 =	vadd.s32 $0x1388, v18  }
0xd4: {  	p1 =	por !p1, p0;
	s30 =	sadd.s32 @!p2 $0x1, s16;
	v17 =	vld.idx.msk [tilespmem:v17+s13+$0x0], $0xffff  }
0xd5: {  	s26 =	smov.u32 s16;
	s16 =	smov.u32 @p1 s30;
	s23 =	simm.s32 $0x0;
	v19 =	vadd.s32 $0x2710, v19;
	v10 =	vld.idx.msk [tilespmem:v21+s13+$0x0], $0xffff  }
0xd6: {  	s16 =	smov.u32 @p0 s26;
	s28 =	sshll.u32 s28, $0x2;
	s23 =	simm.s32 @p1 $0x1;
	v13 =	vld.idx.msk [tilespmem:v22+s13+$0x0], $0xffff  }
0xd7: {  	s23 =	simm.s32 @p0 $0x0;
	s26 =	sshll.u32 s29, $0x2;
	s29 =	simm.s32 $0x0;
	v18 =	vld.idx.msk [tilespmem:v23+s13+$0x0], $0xffff  }
.LBB2_13:
0xd8: {  	s29 =	sadd.s32 $0x40, s29;
	v20 =	vld.idx.msk [tilespmem:v20+s13+$0x0], $0xffff;
	s25 =	sadd.s32 $0x40, s25;
	s24 =	sadd.s32 $0x40, s24  }
0xd9: {  	v21 =	vadd.s32 $0x2710, v3;
	p1 =	slt.u32 s29, $0xF40;
	[tilespmem:v9+s14+$0x0] =	vst.idx.add.f32.msk $0xffff, v16  }
0xda: {  	v16 =	vld.idx.msk [tilespmem:v19+s13+$0x0], $0xffff;
	v19 =	vadd.s32 $0x2710, v9  }
0xdb: {  	v22 =	vadd.s32 $0x4E20, v9;
	v6 =	vld.idx.msk [tilespmem:v6+s13+$0x0], $0xffff  }
0xdc: {  	[tilespmem:v2+s14+$0x0] =	vst.idx.add.f32.msk $0xffff, v15  }
0xdd: {  	v15 =	vadd.s32 $0x2710, v1;
	[tilespmem:v3+s14+$0x0] =	vst.idx.add.f32.msk $0xffff, v14  }
0xde: {  	v9 =	vadd.s32 $0x7530, v9;
	[tilespmem:v21+s14+$0x0] =	vst.idx.add.f32.msk $0xffff, v20  }
0xdf: {  	v14 =	vadd.s32 $0x4E20, v3;
	[tilespmem:v19+s14+$0x0] =	vst.idx.add.f32.msk $0xffff, v17  }
0xe0: {  	v3 =	vadd.s32 $0x7530, v3;
	[tilespmem:v22+s14+$0x0] =	vst.idx.add.f32.msk $0xffff, v11  }
0xe1: {  	[tilespmem:v1+s14+$0x0] =	vst.idx.add.f32.msk $0xffff, v6;
	v6 =	vadd.s32 $0x2710, v2  }
0xe2: {  	v11 =	vadd.s32 $0x4E20, v1;
	[tilespmem:v15+s14+$0x0] =	vst.idx.add.f32.msk $0xffff, v18  }
0xe3: {  	v15 =	vadd.s32 $0x4E20, v2;
	[tilespmem:v9+s14+$0x0] =	vst.idx.add.f32.msk $0xffff, v8  }
0xe4: {  	v1 =	vadd.s32 $0x7530, v1;
	v2 =	vadd.s32 $0x7530, v2;
	[tilespmem:v14+s14+$0x0] =	vst.idx.add.f32.msk $0xffff, v12  }
0xe5: {  	[tilespmem:v3+s14+$0x0] =	vst.idx.add.f32.msk $0xffff, v7  }
0xe6: {  	[tilespmem:v6+s14+$0x0] =	vst.idx.add.f32.msk $0xffff, v10  }
0xe7: {  	[tilespmem:v11+s14+$0x0] =	vst.idx.add.f32.msk $0xffff, v13  }
0xe8: {  	[tilespmem:v15+s14+$0x0] =	vst.idx.add.f32.msk $0xffff, v16  }
0xe9: {  	[tilespmem:v2+s14+$0x0] =	vst.idx.add.f32.msk $0xffff, v5  }
0xea: {  	[tilespmem:v1+s14+$0x0] =	vst.idx.add.f32.msk $0xffff, v4  }
0xeb: {  	v4 =	vld [tilespmem:s24+$0x10]  }
0xec: {  	v5 =	vld [tilespmem:s24+$0x0]  }
0xed: {  	v7 =	vld [tilespmem:s24+$0xFFFFFFF0]  }
0xee: {  	v6 =	vld [tilespmem:s24+$0xFFFFFFE0]  }
0xef: {  	v1 =	vld [tilespmem:s25+$0xFFFFFFE0]  }
0xf0: {  	v3 =	vld [tilespmem:s25+$0x0];
	v10 =	vadd.s32 $0x1388, v4;
	v11 =	vadd.s32 $0x2710, v4;
	v8 =	vadd.s32 $0x3A98, v4  }
0xf1: {  	v2 =	vld [tilespmem:s25+$0xFFFFFFF0];
	v20 =	vadd.s32 $0x1388, v5;
	v12 =	vadd.s32 $0x2710, v5;
	v13 =	vadd.s32 $0x3A98, v5  }
0xf2: {  	v18 =	vadd.s32 $0x1388, v7;
	v19 =	vadd.s32 $0x2710, v7;
	v17 =	vadd.s32 $0x3A98, v7;
	v9 =	vld [tilespmem:s25+$0x10]  }
0xf3: {  	v21 =	vadd.s32 $0x1388, v6;
	v22 =	vadd.s32 $0x2710, v6;
	v23 =	vadd.s32 $0x3A98, v6;
	v16 =	vld.idx.msk [tilespmem:v4+s13+$0x0], $0xffff  }
0xf4: {  	v14 =	vld.idx.msk [tilespmem:v5+s13+$0x0], $0xffff  }
0xf5: {  	v15 =	vld.idx.msk [tilespmem:v7+s13+$0x0], $0xffff  }
0xf6: {  	v8 =	vld.idx.msk [tilespmem:v8+s13+$0x0], $0xffff  }
0xf7: {  	v11 =	vld.idx.msk [tilespmem:v11+s13+$0x0], $0xffff  }
0xf8: {  	v7 =	vld.idx.msk [tilespmem:v13+s13+$0x0], $0xffff  }
0xf9: {  	v5 =	vld.idx.msk [tilespmem:v17+s13+$0x0], $0xffff  }
0xfa: {  	v4 =	vld.idx.msk [tilespmem:v23+s13+$0x0], $0xffff  }
.Ltmp5:
0xfb: {  	v17 =	vld.idx.msk [tilespmem:v10+s13+$0x0], $0xffff;
	(pc) =	sbr.rel @p1 .LBB2_13-.Ltmp5, $4  }
0xfc: {  	v12 =	vld.idx.msk [tilespmem:v12+s13+$0x0], $0xffff  }
0xfd: {  	v10 =	vld.idx.msk [tilespmem:v18+s13+$0x0], $0xffff  }
0xfe: {  	v13 =	vld.idx.msk [tilespmem:v22+s13+$0x0], $0xffff  }
0xff: {  	v18 =	vld.idx.msk [tilespmem:v21+s13+$0x0], $0xffff  }
0x100: {  	_ =	sdelay $0x3  }
0x101: {  	v20 =	vld.idx.msk [tilespmem:v20+s13+$0x0], $0xffff  }
0x102: {  	v21 =	vadd.s32 $0x2710, v3;
	[tilespmem:v9+s14+$0x0] =	vst.idx.add.f32.msk $0xffff, v16  }
0x103: {  	v56 =	vld.idx.msk [tilespmem:v19+s13+$0x0], $0xffff;
	v57 =	vadd.s32 $0x2710, v9  }
0x104: {  	v6 =	vld.idx.msk [tilespmem:v6+s13+$0x0], $0xffff  }
0x105: {  	[tilespmem:v2+s14+$0x0] =	vst.idx.add.f32.msk $0xffff, v15;
	v61 =	vadd.s32 $0x2710, v2  }
0x106: {  	v22 =	vadd.s32 $0x4E20, v9;
	[tilespmem:v3+s14+$0x0] =	vst.idx.add.f32.msk $0xffff, v14  }
0x107: {  	v58 =	vadd.s32 $0x2710, v1;
	[tilespmem:v21+s14+$0x0] =	vst.idx.add.f32.msk $0xffff, v20  }
0x108: {  	v60 =	vadd.s32 $0x4E20, v3;
	[tilespmem:v57+s14+$0x0] =	vst.idx.add.f32.msk $0xffff, v17  }
0x109: {  	v63 =	vadd.s32 $0x4E20, v2;
	[tilespmem:v1+s14+$0x0] =	vst.idx.add.f32.msk $0xffff, v6  }
0x10a: {  	v59 =	vadd.s32 $0x7530, v9;
	[tilespmem:v61+s14+$0x0] =	vst.idx.add.f32.msk $0xffff, v10  }
0x10b: {  	v3 =	vadd.s32 $0x7530, v3;
	[tilespmem:v22+s14+$0x0] =	vst.idx.add.f32.msk $0xffff, v11  }
0x10c: {  	v62 =	vadd.s32 $0x4E20, v1;
	[tilespmem:v58+s14+$0x0] =	vst.idx.add.f32.msk $0xffff, v18  }
0x10d: {  	v2 =	vadd.s32 $0x7530, v2;
	[tilespmem:v60+s14+$0x0] =	vst.idx.add.f32.msk $0xffff, v12  }
0x10e: {  	v1 =	vadd.s32 $0x7530, v1;
	[tilespmem:v63+s14+$0x0] =	vst.idx.add.f32.msk $0xffff, v56  }
0x10f: {  	[tilespmem:v59+s14+$0x0] =	vst.idx.add.f32.msk $0xffff, v8  }
0x110: {  	[tilespmem:v3+s14+$0x0] =	vst.idx.add.f32.msk $0xffff, v7  }
0x111: {  	[tilespmem:v62+s14+$0x0] =	vst.idx.add.f32.msk $0xffff, v13  }
0x112: {  	s24 =	sshrl.u32 s28, $0x2;
	s25 =	sshrl.u32 s26, $0x2;
	[tilespmem:v2+s14+$0x0] =	vst.idx.add.f32.msk $0xffff, v5  }
0x113: {  	s26 =	simm.s32 $0xF70;
	s24 =	sadd.s32 $0x1B680, s24;
	s25 =	sadd.s32 $0x19700, s25;
	[tilespmem:v1+s14+$0x0] =	vst.idx.add.f32.msk $0xffff, v4  }
.LBB2_15:
0x114: {  	v1 =	vld [tilespmem:s24+$0x0];
	_ =	sdelay $0x4  }
0x115: {  	v2 =	vld [tilespmem:s25+$0x0];
	v3 =	vadd.s32 $0x1388, v1  }
0x116: {  	v4 =	vadd.s32 $0x2710, v1  }
0x117: {  	v5 =	vadd.s32 $0x3A98, v1;
	_ =	sdelay $0x1  }
0x118: {  	v1 =	vld.idx.msk [tilespmem:v1+s13+$0x0], $0xffff  }
0x119: {  	v6 =	vadd.s32 $0x2710, v2;
	v3 =	vld.idx.msk [tilespmem:v3+s13+$0x0], $0xffff  }
0x11a: {  	s26 =	sadd.s32 $0x10, s26;
	v7 =	vadd.s32 $0x4E20, v2;
	v4 =	vld.idx.msk [tilespmem:v4+s13+$0x0], $0xffff  }
0x11b: {  	p1 =	slt.u32 s26, $0xF90;
	v8 =	vadd.s32 $0x7530, v2;
	v5 =	vld.idx.msk [tilespmem:v5+s13+$0x0], $0xffff  }
.Ltmp6:
0x11c: {  	_ = 	snop;
	(pc) =	sbr.rel @p1 .LBB2_15-.Ltmp6, $4  }
0x11d: {  	[tilespmem:v2+s14+$0x0] =	vst.idx.add.f32.msk $0xffff, v1  }
0x11e: {  	[tilespmem:v6+s14+$0x0] =	vst.idx.add.f32.msk $0xffff, v3  }
0x11f: {  	[tilespmem:v7+s14+$0x0] =	vst.idx.add.f32.msk $0xffff, v4  }
0x120: {  	s24 =	sadd.s32 $0x10, s24;
	s25 =	sadd.s32 $0x10, s25;
	[tilespmem:v8+s14+$0x0] =	vst.idx.add.f32.msk $0xffff, v5  }
0x121: {  	p1 =	sne.s32 s21, s22  }
0x122: {  	s21 =	simm.s32 $0x1;
	s20 =	sadd.s32 $0x1, s20;
	p0 =	por p0, p1  }
0x123: {  	s21 =	simm.s32 @!p0 $0x0;
	p0 =	sne.s32 s20, $0xA0  }
.Ltmp7:
0x124: {  	_ = 	snop;
	(pc) =	sbr.rel @p0 .LBB2_12-.Ltmp7, $3  }
0x125: {  	_ =	sdelay $0x1  }
0x126: {  	s18 =	sadd.s32 s18, s23;
	_ =	strace $0x90000053  }
0x127: {  	s19 =	sadd.s32 s21, s19;
	s17 =	sadd.s32 s21, s17;
	s21 =	smov.u32 s22  }
0x128: {  	s15 =	sadd.s32 $0x1, s15  }
0x129: {  	p0 =	sne.s32 s15, s7  }
.Ltmp8:
0x12a: {  	_ = 	snop;
	(pc) =	sbr.rel @p0 .LBB2_1-.Ltmp8, $4  }
0x12b: {  	[hbm4b:s6+s8] =	stream.strided.scatter [tilespmem:s14], [sflag:$0x1], $0x9C80, s9, s8, $0x38;
	[tilespmem:$0x1C680] =	vst v63  }
0x12c: {  	_ =	swait.ge [sflag:s10], $0x9C80  }
0x12d: {  	[sflag:s10] =	ssyncset.done $0x0  }
0x12e: {  	[sflag:s10] =	ssyncadd.s32 $0xFFFF6380  }
0x12f: {  	_ =	sfence.sel $0x180000  }
0x130: {  	[bflag:$0x0] =	sbarrier.arrive $0xFFFF  }
0x131: {  	p0 =	sne.s32 s0, $0x0;
	_ =	strace $0x90000047  }
0x132: {  	s0 =	sadd.s32 @!p0 $0x100000, s2;
	[bflag:$0x2] =	sbarrier.arrive $0xFFFF  }
0x133: {  	[sflag:s0] =	ssyncadd.tile.s32 @!p0 $0x1;
	_ =	shalt  }
.Lfunc_end2:
_tile_overlayer_lowered:
.L_overlay_start_2:
0x134: {  	(tag) =	ssettag $0x2  }
0x135: {  	s0 =	rddreg [dreg:$0x0];
	s2 =	stileid.u32  }
0x136: {  	s1 =	rddreg [dreg:$0x1];
	p0 =	sne.s32 s2, $0x0  }
0x137: {  	s3 =	rddreg [dreg:$0x2];
	[bflag:$0x3] =	sbarrier.arrive $0xFFFF;
	s2 =	simm.s32 @!p0 $0x1C01  }
0x138: {  	[timem:s3], [sflag:s2] =	dma.local @!p0 [hbm:s0], s1  }
0x139: {  	s0 =	simm.s32 @!p0 $0x1  }
0x13a: {  	_ =	swait.ge @!p0 [sflag:s0], s1  }
0x13b: {  	s1 =	ssub.s32 @!p0 $0x0, s1;
	[sflag:s0] =	ssyncset.done @!p0 $0x0  }
0x13c: {  	[sflag:s0] =	ssyncadd.s32 @!p0 s1  }
0x13d: {  	[bflag:$0x3] =	sbarrier.arrive $0xFFFF  }
0x13e: {  	_ =	shalt  }

// kernel: kernel.9.cloned.1.call-start
scs
__scs_entry_jumppad:
0x0: {  	(pc) =	sbr.rel $0x88, $3  }
0x1: {  	(tag) =	ssettag $0x0;
	lr =	simm.s32 $0x1  }
0x2: {  	[smem:$0x3F9A] =	sst lr;
	_ =	strace $0xD0000000  }
0x3: {  	_ = 	snop  }
0x4: {  	_ = 	snop  }
0x5: {  	_ = 	snop  }
0x6: {  	_ = 	snop  }
0x7: {  	_ = 	snop  }
__scs_overlays_trampoline_lowered:
0x8: {  	[smem:$0x3FA9] =	sst s0  }
0x9: {  	[smem:$0x3FAA] =	sst s1  }
0xa: {  	[smem:$0x3FAB] =	sst s2  }
0xb: {  	[smem:$0x3FAC] =	sst s3  }
0xc: {  	[smem:$0x3FAD] =	sst s4  }
0xd: {  	[smem:$0x3FAE] =	sst s5  }
0xe: {  	[smem:$0x3FAF] =	sst s6  }
0xf: {  	[smem:$0x3FB0] =	sst s7  }
0x10: {  	[smem:$0x3FB1] =	sst s8  }
0x11: {  	[smem:$0x3FB2] =	sst s9;
	s0 =	simm.s32 @!p0 $0x0  }
0x12: {  	s1 =	sld [smem:$0x3F98];
	s0 =	simm.s32 @p0 $0x1  }
0x13: {  	[smem:$0x3FB3] =	sst s0;
	s0 =	simm.s32 @!p1 $0x0  }
0x14: {  	s2 =	sld [smem:$0x3F97];
	s0 =	simm.s32 @p1 $0x1  }
0x15: {  	[smem:$0x3FB4] =	sst s0;
	s0 =	simm.s32 @!p2 $0x0  }
0x16: {  	s3 =	sld [smem:$0x3FDB];
	s0 =	simm.s32 @p2 $0x1  }
0x17: {  	s4 =	simm.s32 $0x1BF5;
	[smem:$0x3FB6] =	sst s0  }
0x18: {  	s0 =	sld [smem:$0x3F99];
	_ =	swait.ge [sflag:s4], $0x0  }
0x19: {  	s7 =	sld [smem:$0x3F9A]  }
0x1a: {  	s8 =	sadd.s32 $0xFFFFE003, lr  }
0x1b: {  	s9 =	sadd.s32 $0xFFFFFEF7, lr;
	s5 =	simm.s32 $0xFFFFFFFF;
	p2 =	slt.u32 s8, $0xFFFFF086  }
0x1c: {  	p1 =	slt.u32 s9, $0xF7A;
	s5 =	simm.s32 @!p2 $0x0  }
0x1d: {  	s5 =	simm.s32 @p1 $0x1;
	p0 =	seq.s32 s7, s2  }
0x1e: {  	s7 =	smul.u32 @!p0 $0xF7A, s2;
	p2 =	seq.s32 @!p0 s5, $0x0  }
0x1f: {  	s9 =	smul.u32 $0xF7A, s1;
	s8 =	simm.s32 @!p0 $0x1BF5;
	p2 =	por !p2, p0  }
0x20: {  	[sflag:s8] =	ssyncset.s32 @!p0 $0xFFFFF086;
	s6 =	sadd.s32 @!p0 s3, s7;
	s7 =	simm.s32 @!p0 $0x108  }
0x21: {  	s3 =	sadd.s32 s3, s9;
	s6 =	sadd.s32 @!p0 $0x88, s6;
	s7 =	simm.s32 @p2 $0x1082  }
0x22: {  	[simem:s7], [sflag:s8] =	dma.local @!p0 [hbm:s6], $0xF7A  }
0x23: {  	s9 =	sor.u32 $0xD0000000, s2;
	s6 =	simm.s32 $0x108;
	_ =	swait.ge @!p0 [sflag:s8], $0x0  }
0x24: {  	s3 =	sadd.s32 $0x88, s3;
	s6 =	simm.s32 @!p1 $0x1082;
	[sflag:s4] =	ssyncset.s32 $0xFFFFF086  }
0x25: {  	[simem:s6], [sflag:s4] =	dma.local [hbm:s3], $0xF7A  }
0x26: {  	[smem:$0x3F9A] =	sst s1;
	(tag) =	ssettag s2;
	_ =	strace s9  }
0x27: {  	s1 =	sld [smem:$0x3FAA]  }
0x28: {  	s2 =	sld [smem:$0x3FAB]  }
0x29: {  	s4 =	sld [smem:$0x3FAD]  }
0x2a: {  	p0 =	seq.s32 s5, $0x0;
	s5 =	sld [smem:$0x3FAE]  }
0x2b: {  	s6 =	sld [smem:$0x3FAF]  }
0x2c: {  	s7 =	sld [smem:$0x3FB0]  }
0x2d: {  	s3 =	simm.s32 $0x108;
	s8 =	sld [smem:$0x3FB1]  }
0x2e: {  	s3 =	simm.s32 @!p0 $0x1082;
	s9 =	sld [smem:$0x3FB2]  }
0x2f: {  	lr =	sadd.s32 s0, s3;
	s0 =	sld [smem:$0x3FA9]  }
0x30: {  	s3 =	sld [smem:$0x3FAC]  }
0x31: {  	[smem:$0x3FB5] =	sst s10  }
0x32: {  	s10 =	sld [smem:$0x3FB3];
	_ =	sdelay $0x3  }
0x33: {  	p0 =	seq.s32 s10, $0x1;
	s10 =	sld [smem:$0x3FB5];
	_ =	sdelay $0x3  }
0x34: {  	[smem:$0x3FB5] =	sst s10  }
0x35: {  	s10 =	sld [smem:$0x3FB4];
	_ =	sdelay $0x3  }
0x36: {  	p1 =	seq.s32 s10, $0x1;
	s10 =	sld [smem:$0x3FB5];
	_ =	sdelay $0x3  }
0x37: {  	[smem:$0x3FB5] =	sst s10  }
0x38: {  	s10 =	sld [smem:$0x3FB6]  }
0x39: {  	_ = 	snop;
	(pc) =	sbr.ind lr, $3  }
0x3a: {  	_ = 	snop  }
0x3b: {  	_ = 	snop  }
0x3c: {  	p2 =	seq.s32 s10, $0x1;
	s10 =	sld [smem:$0x3FB5]  }
0x3d: {  	_ =	shalt  }
0x3e: {  	_ =	shalt  }
0x3f: {  	_ =	shalt  }
0x40: {  	_ =	shalt  }
0x41: {  	_ =	shalt  }
0x42: {  	_ =	shalt  }
0x43: {  	_ =	shalt  }
0x44: {  	_ =	shalt  }
0x45: {  	_ =	shalt  }
0x46: {  	_ =	shalt  }
0x47: {  	_ =	shalt  }
0x48: {  	_ =	shalt  }
0x49: {  	_ =	shalt  }
0x4a: {  	_ =	shalt  }
0x4b: {  	_ =	shalt  }
0x4c: {  	_ =	shalt  }
0x4d: {  	_ =	shalt  }
0x4e: {  	_ =	shalt  }
0x4f: {  	_ =	shalt  }
0x50: {  	_ =	shalt  }
0x51: {  	_ =	shalt  }
0x52: {  	_ =	shalt  }
0x53: {  	_ =	shalt  }
0x54: {  	_ =	shalt  }
0x55: {  	_ =	shalt  }
0x56: {  	_ =	shalt  }
0x57: {  	_ =	shalt  }
0x58: {  	_ =	shalt  }
0x59: {  	_ =	shalt  }
0x5a: {  	_ =	shalt  }
0x5b: {  	_ =	shalt  }
0x5c: {  	_ =	shalt  }
0x5d: {  	_ =	shalt  }
0x5e: {  	_ =	shalt  }
0x5f: {  	_ =	shalt  }
0x60: {  	_ =	shalt  }
0x61: {  	_ =	shalt  }
0x62: {  	_ =	shalt  }
0x63: {  	_ =	shalt  }
0x64: {  	_ =	shalt  }
0x65: {  	_ =	shalt  }
0x66: {  	_ =	shalt  }
0x67: {  	_ =	shalt  }
0x68: {  	_ =	shalt  }
0x69: {  	_ =	shalt  }
0x6a: {  	_ =	shalt  }
0x6b: {  	_ =	shalt  }
0x6c: {  	_ =	shalt  }
0x6d: {  	_ =	shalt  }
0x6e: {  	_ =	shalt  }
0x6f: {  	_ =	shalt  }
0x70: {  	_ =	shalt  }
0x71: {  	_ =	shalt  }
0x72: {  	_ =	shalt  }
0x73: {  	_ =	shalt  }
0x74: {  	_ =	shalt  }
0x75: {  	_ =	shalt  }
0x76: {  	_ =	shalt  }
0x77: {  	_ =	shalt  }
0x78: {  	_ =	shalt  }
0x79: {  	_ =	shalt  }
0x7a: {  	_ =	shalt  }
0x7b: {  	_ =	shalt  }
0x7c: {  	_ =	shalt  }
0x7d: {  	_ =	shalt  }
0x7e: {  	_ =	shalt  }
0x7f: {  	_ =	shalt  }
0x80: {  	_ =	shalt  }
0x81: {  	_ =	shalt  }
0x82: {  	_ =	shalt  }
0x83: {  	_ =	shalt  }
0x84: {  	_ =	shalt  }
0x85: {  	_ =	shalt  }
0x86: {  	_ =	shalt  }
0x87: {  	_ =	shalt  }
.Lfunc_end0:
.L_simem_size_0:
called_computation.1_lowered:
.L_overlay_start_0:
0x88: {  	s2 =	sld [smem:$0x3FD9]  }
0x89: {  	s3 =	sld [smem:$0x3FFE];
	_ =	sdelay $0x1  }
0x8a: {  	s1 =	srdreg.scid  }
0x8b: {  	s0 =	sand.u32 $0x1, s1  }
0x8c: {  	s17 =	sshll.u32 s0, $0xA;
	s2 =	sadd.s32 s3, s2  }
0x8d: {  	s2 =	sadd.s32 s2, s17  }
0x8e: {  	[smem:$0x3FC1] =	sst s2  }
0x8f: {  	_ = 	snop  }
0x90: {  	s2 =	sld [smem:$0x3FC8]  }
0x91: {  	s18 =	sld [smem:$0x3FC7];
	(tm) =	ssettm $0x1  }
0x92: {  	s4 =	sld [smem:$0x3FFB];
	_ =	sdelay $0x3  }
0x93: {  	_ =	strace s4  }
0x94: {  	s4 =	sld [smem:$0x3FFC];
	_ =	sdelay $0x3  }
0x95: {  	_ =	strace s4  }
0x96: {  	s4 =	sld [smem:$0x3FFD];
	_ =	sdelay $0x3  }
0x97: {  	_ =	strace s4  }
0x98: {  	_ =	strace $0x8FFFFFFF  }
0x99: {  	s19 =	sld [smem:$0x3FDB];
	_ =	sdelay $0x1  }
0x9a: {  	s5 =	simm.s32 $_scs_section_size  }
0x9b: {  	s6 =	simm.s32 $_size__tile_overlayer_lowered;
	s7 =	simm.s32 $_tile_overlayer_lowered  }
0x9c: {  	s22 =	simm.s32 $0x1BFF;
	s21 =	sshll.u32 s7, $0x1;
	s4 =	sadd.s32 s5, s19  }
0x9d: {  	s8 =	simm.s32 $0x0;
	s20 =	sshll.u32 s6, $0x1;
	s6 =	sadd.s32 s21, s4  }
0x9e: {  	[timem:s8], [sflag:s22] =	dma.local [hbm:s6], s20  }
0x9f: {  	_ =	swait.ge [sflag:s22], s20  }
0xa0: {  	s5 =	ssub.s32 $0x0, s20;
	[sflag:s22] =	ssyncset.done $0x0  }
0xa1: {  	[sflag:s22] =	ssyncadd.s32 s5;
	_ =	sdelay $0x1  }
0xa2: {  	s23 =	simm.s32 $0x1B8B  }
0xa3: {  	_ =	swait.ge [sflag:s23], $0x1  }
0xa4: {  	[sflag:s23] =	ssyncset.done $0x0  }
0xa5: {  	s25 =	simm.s32 $0x1B8E;
	s24 =	sld [smem:$0x3FFE];
	[sflag:s23] =	ssyncadd.s32 $0xFFFFFFFF  }
0xa6: {  	s26 =	simm.s32 $execute0_lowered;
	[smem:$0x3FD2] =	sst s25  }
0xa7: {  	s6 =	sshll.u32 s26, $0x1;
	_ =	strace $0x80000055;
	[dreg:$0x1] =	wrdreg $0xFFFFFFFF  }
0xa8: {  	s28 =	simm.s32 $_size_execute0_lowered;
	s4 =	sadd.s32 s4, s6;
	[dreg:$0x0] =	wrdreg $0x0  }
0xa9: {  	s6 =	sshll.u32 s28, $0x1;
	[dreg:$0x2] =	wrdreg s4  }
0xaa: {  	[dreg:$0x3] =	wrdreg s6  }
0xab: {  	[dreg:$0x4] =	wrdreg $0xC0  }
0xac: {  	_ =	task [dreg:s8], $0x5FFFF  }
0xad: {  	[dreg:$0x1] =	wrdreg $0xFFFFFFFF  }
0xae: {  	[dreg:$0x0] =	wrdreg $0x60  }
0xaf: {  	[dreg:$0x2] =	wrdreg s24  }
0xb0: {  	[dreg:$0x3] =	wrdreg s2  }
0xb1: {  	[dreg:$0x4] =	wrdreg s18  }
0xb2: {  	[dreg:$0x5] =	wrdreg $0x9  }
0xb3: {  	_ =	task.clear_ibuf [dreg:s8], $0x6FFFF;
	_ =	strace $0x90000055  }
0xb4: {  	s29 =	simm.s32 $0x9;
	_ =	strace $0x80000063  }
0xb5: {  	_ =	swait.ge [sflag:s29], $0x1  }
0xb6: {  	[sflag:s29] =	ssyncadd.s32 $0xFFFFFFFF  }
0xb7: {  	_ =	strace $0x90000063  }
0xb8: {  	_ =	sfence  }
0xb9: {  	s30 =	sld [smem:$0x0];
	_ =	sdelay $0x2  }
0xba: {  	s31 =	sshll.u32 s1, $0xD;
	s1 =	sshrl.u32 s1, $0x2  }
0xbb: {  	s3 =	sand.u32 $0x4000, s31;
	s1 =	sadd.s32 s1, s30  }
0xbc: {  	s0 =	sor.u32 s3, s0;
	s1 =	sshll.u32 s1, $0x11  }
0xbd: {  	s0 =	sor.u32 s1, s0  }
0xbe: {  	s0 =	sadd.s32 $0x8F2B, s0  }
0xbf: {  	[sflag:s0] =	ssyncadd.remote.s32 $0x1  }
0xc0: {  	_ =	sfence.sel $0xFFFF  }
0xc1: {  	[dreg:$0x0] =	wrdreg $0xFFFFFFFF;
	(pc) =	sbr.abs _section_cstart, $3  }
0xc2: {  	[dreg:$0x1] =	wrdreg $0xFFFFFFFF  }
0xc3: {  	_ =	task.clear_ibuf [dreg:s8], $0x2FFFF;
	_ =	strace $0x9FFFFFFF  }
0xc4: {  	(tm) =	ssettm $0x7FFFFFFF  }
0xc5: {  	_ =	shalt  }
tec
execute0_lowered:
.L_overlay_start_1:
0x0: {  	(tag) =	ssettag $0x1  }
0x1: {  	s5 =	rddreg [dreg:$0x0]  }
0x2: {  	s1 =	rddreg [dreg:$0x1];
	s2 =	srdreg.scid  }
0x3: {  	s0 =	stileid.u32;
	s9 =	simm.s32 $0x400;
	s10 =	simm.s32 $0x1  }
0x4: {  	s11 =	simm.s32 $0x18780;
	s12 =	simm.s32 $0x1A700;
	s13 =	simm.s32 $0x9C80  }
0x5: {  	s14 =	simm.s32 $0xEB00;
	s15 =	simm.s32 $0x0;
	s6 =	sand.u32 $0x1, s2  }
0x6: {  	s28 =	sshrl.u32 s0, $0x2;
	s3 =	sshll.u32 s0, $0x8;
	s2 =	rddreg [dreg:$0x3]  }
0x7: {  	s7 =	smul.u32 $0x4E400, s28;
	s29 =	sshll.u32 s6, $0x7;
	s4 =	sand.u32 $0x300, s3  }
0x8: {  	s3 =	rddreg [dreg:$0x2];
	s6 =	ssub.s32 $0x2, s6;
	s8 =	sor.u32 s29, s4  }
0x9: {  	s4 =	simm.s32 $0x0;
	s30 =	sshrl.u32 s6, $0x1;
	s7 =	sor.u32 s7, s8  }
0xa: {  	[smem:$0x7FF] =	sst s4;
	s31 =	ssub.s32 s6, s30;
	s7 =	sshrl.u32 s7, $0x3  }
0xb: {  	s8 =	simm.s32 $0x80;
	_ =	strace $0x80000056;
	s7 =	sadd.s32 s7, s5  }
0xc: {  	v0 =	vimm.f32 $0.0e+00;
	s5 =	sadd.s32 $0x2400, s7;
	s6 =	sadd.s32 $0x29600, s7;
	s7 =	smax.u32 s31, $0x1  }
.LBB2_1:
0xd: {  	[tilespmem:s4], [sflag:$0x1] =	stream.strided.gather [hbm4b:s5+s8], $0x9C80, s9, s8, $0x38;
	[tilespmem:$0x1C680] =	vst v63  }
0xe: {  	_ =	swait.ge [sflag:s10], $0x9C80  }
0xf: {  	[sflag:s10] =	ssyncset.done $0x0  }
0x10: {  	s16 =	simm.s32 $0x0;
	[sflag:s10] =	ssyncadd.s32 $0xFFFF6380  }
.LBB2_2:
0x11: {  	p0 =	sne.s32 s16, $0x13840  }
.Ltmp0:
0x12: {  	_ = 	snop;
	(pc) =	sbr.rel @p0 .LBB2_2-.Ltmp0, $3  }
0x13: {  	_ =	sdelay $0x1  }
0x14: {  	s17 =	sshra.s32 s16, $0x2  }
0x15: {  	s16 =	sadd.s32 $0x40, s16;
	[tilespmem:s17+$0x9C80] =	vst v0  }
0x16: {  	s16 =	simm.s32 $0x40;
	s17 =	simm.s32 $0x0  }
.LBB2_4:
0x17: {  	p0 =	sne.s32 s16, $0x270C0;
	[tilespmem:s17+$0xEB00] =	vst v0;
	s17 =	smov.u32 s16;
	s16 =	sadd.s32 $0x40, s16  }
.Ltmp1:
0x18: {  	(pc) =	sbr.rel @p0 .LBB2_4-.Ltmp1, $2  }
0x19: {  	_ =	sdelay $0x2  }
0x1a: {  	s17 =	sshra.s32 s17, $0x2  }
0x1b: {  	[tilespmem:s17+$0xEB00] =	vst v0  }
0x1c: {  	s21 =	simm.s32 $0x0;
	_ =	strace $0x80000057  }
0x1d: {  	[tilespmem:s11], [sflag:$0x1] =	stream.linear.gather [hbm4b:s1+s21], $0xFA0, $0x200038;
	[tilespmem:$0x1C680] =	vst v63  }
0x1e: {  	s16 =	simm.s32 $0x1;
	s17 =	simm.s32 $0x0;
	s18 =	simm.s32 $0x1  }
0x1f: {  	[tilespmem:s12], [sflag:$0x3] =	stream.linear.gather [hbm4b:s3+s21], $0xFA0, $0x200038;
	[tilespmem:$0x1C680] =	vst v63  }
0x20: {  	s19 =	simm.s32 $0x0;
	s20 =	simm.s32 $0x0;
	_ =	strace $0x90000057  }
.LBB2_6:
0x21: {  	s22 =	sadd.s32 $0x1, s21  }
0x22: {  	p0 =	seq.s32 s22, $0xA0  }
0x23: {  	s22 =	simm.s32 @p0 $0x0;
	p0 =	seq.s32 s20, $0x9F  }
0x24: {  	p1 =	seq.s32 @!p0 s21, s22  }
0x25: {  	p2 =	por p1, p0  }
0x26: {  	s23 =	sand.u32 @!p2 $0x1, s16;
	s26 =	smul.u32 @!p2 $0xFA0, s22  }
0x27: {  	s24 =	smul.u32 @!p2 $0x3E80, s23  }
0x28: {  	_ =	strace @!p2 $0x80000058  }
0x29: {  	s29 =	simm.s32 @!p2 $0x0;
	s26 =	sshrl.u32 @!p2 s26, $0x3;
	s24 =	sshrl.u32 @!p2 s24, $0x2  }
0x2a: {  	s23 =	sadd.s32 @!p2 $0x1, s23;
	s28 =	sadd.s32 @!p2 s1, s26;
	s24 =	sadd.s32 @!p2 $0x18780, s24  }
0x2b: {  	[tilespmem:s24], [sflag:s23] =	stream.linear.gather @!p2 [hbm4b:s28+s29], $0xFA0, $0x200038;
	[tilespmem:$0x1C680] =	vst v63  }
0x2c: {  	s23 =	sand.u32 @!p2 $0x1, s18  }
0x2d: {  	s24 =	smul.u32 @!p2 $0x3E80, s23;
	_ =	sdelay $0x1  }
0x2e: {  	s26 =	sadd.s32 @!p2 s3, s26;
	_ =	strace @!p2 $0x90000058;
	s24 =	sshrl.u32 @!p2 s24, $0x2  }
0x2f: {  	s23 =	sadd.s32 @!p2 $0x3, s23;
	_ =	strace @!p2 $0x80000059;
	s24 =	sadd.s32 @!p2 $0x1A700, s24  }
0x30: {  	[tilespmem:s24], [sflag:s23] =	stream.linear.gather @!p2 [hbm4b:s26+s29], $0xFA0, $0x200038;
	[tilespmem:$0x1C680] =	vst v63  }
0x31: {  	s23 =	sand.u32 $0x1, s19;
	_ =	strace @!p2 $0x90000059  }
0x32: {  	s26 =	sadd.s32 $0x1, s23;
	_ =	strace $0x8000005A  }
0x33: {  	_ =	swait.ge [sflag:s26], $0xFA0  }
0x34: {  	[sflag:s26] =	ssyncset.done $0x0  }
0x35: {  	[sflag:s26] =	ssyncadd.s32 $0xFFFFF060  }
0x36: {  	s30 =	sand.u32 $0x1, s17;
	_ =	strace $0x9000005A  }
0x37: {  	s31 =	sadd.s32 $0x3, s30;
	_ =	strace $0x8000005B  }
0x38: {  	_ =	swait.ge [sflag:s31], $0xFA0  }
0x39: {  	[sflag:s31] =	ssyncset.done $0x0  }
0x3a: {  	p3 =	seq.s32 s23, $0x1;
	s26 =	simm.s32 $0xFA0;
	[sflag:s31] =	ssyncadd.s32 $0xFFFFF060  }
0x3b: {  	s26 =	simm.s32 @!p3 $0x0;
	_ =	strace $0x9000005B  }
0x3c: {  	s29 =	sadd.s32 $0x187A0, s26;
	_ =	strace $0x8000005C  }
0x3d: {  	v1 =	vld [tilespmem:s29+$0x10];
	_ =	sdelay $0x2  }
0x3e: {  	s28 =	simm.s32 $0xFA0;
	p3 =	seq.s32 s30, $0x1;
	v2 =	vld [tilespmem:s29+$0xFFFFFFE0]  }
0x3f: {  	s28 =	simm.s32 @!p3 $0x0;
	v5 =	vld [tilespmem:s29+$0xFFFFFFF0]  }
0x40: {  	s23 =	sadd.s32 $0x1A720, s28;
	v6 =	vld [tilespmem:s29+$0x0];
	v3 =	vadd.s32 $0x2710, v1  }
0x41: {  	v7 =	vld [tilespmem:s23+$0x10];
	v4 =	vadd.s32 $0x4E20, v1  }
0x42: {  	v9 =	vld [tilespmem:s23+$0xFFFFFFE0];
	v8 =	vadd.s32 $0x7530, v1  }
0x43: {  	v11 =	vld [tilespmem:s23+$0xFFFFFFF0];
	v10 =	vadd.s32 $0x2710, v2  }
0x44: {  	v1 =	vld.idx.msk [tilespmem:v1+s4+$0x0], $0xffff  }
0x45: {  	v16 =	vadd.s32 $0x4E20, v2;
	v3 =	vld.idx.msk [tilespmem:v3+s4+$0x0], $0xffff  }
0x46: {  	v12 =	vld.idx.msk [tilespmem:v4+s4+$0x0], $0xffff  }
0x47: {  	v13 =	vadd.s32 $0x1388, v7;
	v8 =	vld.idx.msk [tilespmem:v8+s4+$0x0], $0xffff  }
0x48: {  	v17 =	vld.idx.msk [tilespmem:v10+s4+$0x0], $0xffff;
	v10 =	vadd.s32 $0x7530, v2  }
0x49: {  	v4 =	vld [tilespmem:s23+$0x0]  }
0x4a: {  	v14 =	vadd.s32 $0x2710, v7;
	v58 =	vld.idx.msk [tilespmem:v16+s4+$0x0], $0xffff  }
0x4b: {  	v15 =	vadd.s32 $0x3A98, v7;
	[tilespmem:v7+s13+$0x0] =	vst.idx.add.f32.msk $0xffff, v1  }
0x4c: {  	v1 =	vadd.s32 $0x2710, v5;
	[tilespmem:v13+s13+$0x0] =	vst.idx.add.f32.msk $0xffff, v3  }
0x4d: {  	v7 =	vadd.s32 $0x7530, v5;
	v59 =	vld.idx.msk [tilespmem:v10+s4+$0x0], $0xffff  }
0x4e: {  	v57 =	vadd.s32 $0x2710, v6;
	v3 =	vadd.s32 $0x4E20, v5;
	v5 =	vld.idx.msk [tilespmem:v5+s4+$0x0], $0xffff  }
0x4f: {  	[tilespmem:v14+s13+$0x0] =	vst.idx.add.f32.msk $0xffff, v12  }
0x50: {  	v61 =	vadd.s32 $0x7530, v6;
	[tilespmem:v15+s13+$0x0] =	vst.idx.add.f32.msk $0xffff, v8  }
0x51: {  	v60 =	vld.idx.msk [tilespmem:v1+s4+$0x0], $0xffff  }
0x52: {  	v10 =	vadd.s32 $0x4E20, v6;
	v8 =	vld.idx.msk [tilespmem:v7+s4+$0x0], $0xffff  }
0x53: {  	v1 =	vld.idx.msk [tilespmem:v57+s4+$0x0], $0xffff  }
0x54: {  	v7 =	vld.idx.msk [tilespmem:v2+s4+$0x0], $0xffff  }
0x55: {  	v2 =	vld.idx.msk [tilespmem:v61+s4+$0x0], $0xffff  }
0x56: {  	v62 =	vadd.s32 $0x1388, v9;
	v18 =	vld.idx.msk [tilespmem:v3+s4+$0x0], $0xffff  }
0x57: {  	v19 =	vadd.s32 $0x2710, v9;
	v3 =	vld.idx.msk [tilespmem:v10+s4+$0x0], $0xffff  }
0x58: {  	v10 =	vld.idx.msk [tilespmem:v6+s4+$0x0], $0xffff;
	v6 =	vadd.s32 $0x1388, v11  }
0x59: {  	v63 =	vadd.s32 $0x3A98, v9;
	[tilespmem:v11+s13+$0x0] =	vst.idx.add.f32.msk $0xffff, v5  }
0x5a: {  	v20 =	vadd.s32 $0x2710, v11;
	[tilespmem:v9+s13+$0x0] =	vst.idx.add.f32.msk $0xffff, v7  }
0x5b: {  	[tilespmem:v62+s13+$0x0] =	vst.idx.add.f32.msk $0xffff, v17  }
0x5c: {  	p1 =	por !p1, p0;
	s24 =	simm.s32 $0x0;
	s30 =	sadd.s32 @!p2 $0x1, s16;
	[tilespmem:v19+s13+$0x0] =	vst.idx.add.f32.msk $0xffff, v58  }
0x5d: {  	s25 =	smov.u32 s16;
	s24 =	simm.s32 @p1 $0x1;
	s16 =	smov.u32 @p1 s30;
	[tilespmem:v6+s13+$0x0] =	vst.idx.add.f32.msk $0xffff, v60  }
0x5e: {  	s24 =	simm.s32 @p0 $0x0;
	s16 =	smov.u32 @p0 s25;
	s25 =	sshll.u32 s26, $0x2;
	v5 =	vadd.s32 $0x3A98, v4;
	[tilespmem:v63+s13+$0x0] =	vst.idx.add.f32.msk $0xffff, v59  }
0x5f: {  	s26 =	sshll.u32 s28, $0x2;
	s28 =	simm.s32 $0x0;
	s29 =	sadd.s32 $0x40, s29;
	v9 =	vadd.s32 $0x3A98, v11;
	v7 =	vadd.s32 $0x2710, v4;
	v6 =	vadd.s32 $0x1388, v4;
	[tilespmem:v20+s13+$0x0] =	vst.idx.add.f32.msk $0xffff, v18  }
.LBB2_7:
0x60: {  	v11 =	vld [tilespmem:s29+$0x10]  }
0x61: {  	v12 =	vld [tilespmem:s29+$0xFFFFFFF0]  }
0x62: {  	s28 =	sadd.s32 $0x40, s28;
	v13 =	vld [tilespmem:s29+$0x0]  }
0x63: {  	p1 =	slt.u32 s28, $0xF40;
	v14 =	vld [tilespmem:s29+$0xFFFFFFE0]  }
0x64: {  	[tilespmem:v9+s13+$0x0] =	vst.idx.add.f32.msk $0xffff, v8  }
0x65: {  	s23 =	sadd.s32 $0x40, s23;
	v8 =	vadd.s32 $0x2710, v11;
	[tilespmem:v4+s13+$0x0] =	vst.idx.add.f32.msk $0xffff, v10  }
0x66: {  	v4 =	vadd.s32 $0x4E20, v11;
	v10 =	vadd.s32 $0x2710, v12;
	v15 =	vadd.s32 $0x4E20, v12;
	v16 =	vld [tilespmem:s23+$0x10]  }
0x67: {  	v9 =	vadd.s32 $0x7530, v11;
	v18 =	vadd.s32 $0x7530, v12;
	v17 =	vld [tilespmem:s23+$0xFFFFFFE0];
	v19 =	vadd.s32 $0x2710, v13  }
0x68: {  	v20 =	vadd.s32 $0x2710, v14;
	v21 =	vadd.s32 $0x4E20, v14;
	v22 =	vadd.s32 $0x7530, v14;
	v23 =	vld [tilespmem:s23+$0xFFFFFFF0]  }
0x69: {  	v24 =	vadd.s32 $0x4E20, v13;
	v25 =	vadd.s32 $0x7530, v13;
	v11 =	vld.idx.msk [tilespmem:v11+s4+$0x0], $0xffff  }
0x6a: {  	v8 =	vld.idx.msk [tilespmem:v8+s4+$0x0], $0xffff  }
0x6b: {  	v26 =	vld.idx.msk [tilespmem:v4+s4+$0x0], $0xffff;
	v27 =	vadd.s32 $0x1388, v16  }
0x6c: {  	v31 =	vadd.s32 $0x2710, v16;
	v28 =	vadd.s32 $0x1388, v17;
	v29 =	vadd.s32 $0x2710, v17;
	v30 =	vld.idx.msk [tilespmem:v9+s4+$0x0], $0xffff  }
0x6d: {  	v34 =	vadd.s32 $0x3A98, v16;
	v32 =	vadd.s32 $0x3A98, v17;
	v33 =	vadd.s32 $0x1388, v23;
	v4 =	vld [tilespmem:s23+$0x0]  }
0x6e: {  	v35 =	vadd.s32 $0x2710, v23;
	v9 =	vadd.s32 $0x3A98, v23;
	v20 =	vld.idx.msk [tilespmem:v20+s4+$0x0], $0xffff  }
0x6f: {  	[tilespmem:v16+s13+$0x0] =	vst.idx.add.f32.msk $0xffff, v11  }
0x70: {  	[tilespmem:v27+s13+$0x0] =	vst.idx.add.f32.msk $0xffff, v8  }
0x71: {  	[tilespmem:v31+s13+$0x0] =	vst.idx.add.f32.msk $0xffff, v26  }
0x72: {  	v11 =	vadd.s32 $0x1388, v4;
	v16 =	vadd.s32 $0x2710, v4;
	v26 =	vadd.s32 $0x3A98, v4;
	[tilespmem:v34+s13+$0x0] =	vst.idx.add.f32.msk $0xffff, v30  }
0x73: {  	v21 =	vld.idx.msk [tilespmem:v21+s4+$0x0], $0xffff  }
0x74: {  	v22 =	vld.idx.msk [tilespmem:v22+s4+$0x0], $0xffff  }
0x75: {  	v27 =	vld.idx.msk [tilespmem:v10+s4+$0x0], $0xffff  }
0x76: {  	v15 =	vld.idx.msk [tilespmem:v15+s4+$0x0], $0xffff  }
0x77: {  	v8 =	vld.idx.msk [tilespmem:v18+s4+$0x0], $0xffff  }
0x78: {  	v18 =	vld.idx.msk [tilespmem:v19+s4+$0x0], $0xffff  }
0x79: {  	v19 =	vld.idx.msk [tilespmem:v24+s4+$0x0], $0xffff  }
0x7a: {  	v24 =	vld.idx.msk [tilespmem:v25+s4+$0x0], $0xffff  }
0x7b: {  	v14 =	vld.idx.msk [tilespmem:v14+s4+$0x0], $0xffff  }
0x7c: {  	v12 =	vld.idx.msk [tilespmem:v12+s4+$0x0], $0xffff  }
0x7d: {  	v10 =	vld.idx.msk [tilespmem:v13+s4+$0x0], $0xffff  }
0x7e: {  	[tilespmem:v6+s13+$0x0] =	vst.idx.add.f32.msk $0xffff, v1;
	v6 =	vmov v11;
	v1 =	vmov v18  }
0x7f: {  	[tilespmem:v7+s13+$0x0] =	vst.idx.add.f32.msk $0xffff, v3;
	v7 =	vmov v16;
	v3 =	vmov v19  }
0x80: {  	[tilespmem:v5+s13+$0x0] =	vst.idx.add.f32.msk $0xffff, v2;
	v5 =	vmov v26;
	v2 =	vmov v24  }
0x81: {  	[tilespmem:v17+s13+$0x0] =	vst.idx.add.f32.msk $0xffff, v14  }
0x82: {  	[tilespmem:v28+s13+$0x0] =	vst.idx.add.f32.msk $0xffff, v20  }
.Ltmp2:
0x83: {  	[tilespmem:v29+s13+$0x0] =	vst.idx.add.f32.msk $0xffff, v21;
	(pc) =	sbr.rel @p1 .LBB2_7-.Ltmp2, $4  }
0x84: {  	[tilespmem:v32+s13+$0x0] =	vst.idx.add.f32.msk $0xffff, v22  }
0x85: {  	[tilespmem:v23+s13+$0x0] =	vst.idx.add.f32.msk $0xffff, v12  }
0x86: {  	[tilespmem:v33+s13+$0x0] =	vst.idx.add.f32.msk $0xffff, v27  }
0x87: {  	s29 =	sadd.s32 $0x40, s29;
	[tilespmem:v35+s13+$0x0] =	vst.idx.add.f32.msk $0xffff, v15  }
0x88: {  	_ =	sdelay $0x3  }
0x89: {  	[tilespmem:v9+s13+$0x0] =	vst.idx.add.f32.msk $0xffff, v8  }
0x8a: {  	[tilespmem:v4+s13+$0x0] =	vst.idx.add.f32.msk $0xffff, v10  }
0x8b: {  	[tilespmem:v6+s13+$0x0] =	vst.idx.add.f32.msk $0xffff, v1  }
0x8c: {  	s23 =	sshrl.u32 s26, $0x2;
	s25 =	sshrl.u32 s25, $0x2;
	[tilespmem:v7+s13+$0x0] =	vst.idx.add.f32.msk $0xffff, v3  }
0x8d: {  	s26 =	simm.s32 $0xF70;
	s23 =	sadd.s32 $0x1B680, s23;
	s25 =	sadd.s32 $0x19700, s25;
	[tilespmem:v5+s13+$0x0] =	vst.idx.add.f32.msk $0xffff, v2  }
.LBB2_9:
0x8e: {  	v1 =	vld [tilespmem:s25+$0x0];
	_ =	sdelay $0x4  }
0x8f: {  	v2 =	vld [tilespmem:s23+$0x0];
	v3 =	vadd.s32 $0x2710, v1  }
0x90: {  	v4 =	vadd.s32 $0x4E20, v1  }
0x91: {  	v5 =	vadd.s32 $0x7530, v1;
	_ =	sdelay $0x1  }
0x92: {  	v1 =	vld.idx.msk [tilespmem:v1+s4+$0x0], $0xffff  }
0x93: {  	v6 =	vadd.s32 $0x1388, v2;
	v3 =	vld.idx.msk [tilespmem:v3+s4+$0x0], $0xffff  }
0x94: {  	s26 =	sadd.s32 $0x10, s26;
	v7 =	vadd.s32 $0x2710, v2;
	v4 =	vld.idx.msk [tilespmem:v4+s4+$0x0], $0xffff  }
0x95: {  	p1 =	slt.u32 s26, $0xF90;
	v8 =	vadd.s32 $0x3A98, v2;
	v5 =	vld.idx.msk [tilespmem:v5+s4+$0x0], $0xffff  }
.Ltmp3:
0x96: {  	_ = 	snop;
	(pc) =	sbr.rel @p1 .LBB2_9-.Ltmp3, $4  }
0x97: {  	[tilespmem:v2+s13+$0x0] =	vst.idx.add.f32.msk $0xffff, v1  }
0x98: {  	[tilespmem:v6+s13+$0x0] =	vst.idx.add.f32.msk $0xffff, v3  }
0x99: {  	[tilespmem:v7+s13+$0x0] =	vst.idx.add.f32.msk $0xffff, v4  }
0x9a: {  	s23 =	sadd.s32 $0x10, s23;
	s25 =	sadd.s32 $0x10, s25;
	[tilespmem:v8+s13+$0x0] =	vst.idx.add.f32.msk $0xffff, v5  }
0x9b: {  	p1 =	sne.s32 s21, s22  }
0x9c: {  	s21 =	simm.s32 $0x1;
	s20 =	sadd.s32 $0x1, s20;
	p0 =	por p0, p1  }
0x9d: {  	s21 =	simm.s32 @!p0 $0x0;
	p0 =	sne.s32 s20, $0xA0  }
.Ltmp4:
0x9e: {  	_ = 	snop;
	(pc) =	sbr.rel @p0 .LBB2_6-.Ltmp4, $3  }
0x9f: {  	_ =	sdelay $0x1  }
0xa0: {  	s18 =	sadd.s32 s18, s24;
	_ =	strace $0x9000005C  }
0xa1: {  	s19 =	sadd.s32 s21, s19;
	s17 =	sadd.s32 s21, s17;
	s21 =	smov.u32 s22  }
0xa2: {  	_ =	strace $0x8000005D;
	s21 =	simm.s32 $0x0  }
0xa3: {  	[tilespmem:s11], [sflag:$0x1] =	stream.linear.gather [hbm4b:s1+s21], $0xFA0, $0x200038;
	[tilespmem:$0x1C680] =	vst v63  }
0xa4: {  	s16 =	simm.s32 $0x1;
	s17 =	simm.s32 $0x0;
	s18 =	simm.s32 $0x1  }
0xa5: {  	[tilespmem:s12], [sflag:$0x3] =	stream.linear.gather [hbm4b:s3+s21], $0xFA0, $0x200038;
	[tilespmem:$0x1C680] =	vst v63  }
0xa6: {  	s19 =	simm.s32 $0x0;
	s20 =	simm.s32 $0x0;
	_ =	strace $0x9000005D  }
.LBB2_12:
0xa7: {  	s22 =	sadd.s32 $0x1, s21  }
0xa8: {  	p0 =	seq.s32 s22, $0xA0  }
0xa9: {  	s22 =	simm.s32 @p0 $0x0;
	p0 =	seq.s32 s20, $0x9F  }
0xaa: {  	p1 =	seq.s32 @!p0 s21, s22  }
0xab: {  	p2 =	por p1, p0  }
0xac: {  	s23 =	sand.u32 @!p2 $0x1, s16;
	s25 =	smul.u32 @!p2 $0xFA0, s22  }
0xad: {  	s24 =	smul.u32 @!p2 $0x3E80, s23  }
0xae: {  	_ =	strace @!p2 $0x8000005E  }
0xaf: {  	s29 =	simm.s32 @!p2 $0x0;
	s25 =	sshrl.u32 @!p2 s25, $0x3;
	s24 =	sshrl.u32 @!p2 s24, $0x2  }
0xb0: {  	s23 =	sadd.s32 @!p2 $0x1, s23;
	s28 =	sadd.s32 @!p2 s1, s25;
	s24 =	sadd.s32 @!p2 $0x18780, s24  }
0xb1: {  	[tilespmem:s24], [sflag:s23] =	stream.linear.gather @!p2 [hbm4b:s28+s29], $0xFA0, $0x200038;
	[tilespmem:$0x1C680] =	vst v63  }
0xb2: {  	s23 =	sand.u32 @!p2 $0x1, s18  }
0xb3: {  	s24 =	smul.u32 @!p2 $0x3E80, s23;
	_ =	sdelay $0x1  }
0xb4: {  	s25 =	sadd.s32 @!p2 s3, s25;
	_ =	strace @!p2 $0x9000005E;
	s24 =	sshrl.u32 @!p2 s24, $0x2  }
0xb5: {  	s23 =	sadd.s32 @!p2 $0x3, s23;
	_ =	strace @!p2 $0x8000005F;
	s24 =	sadd.s32 @!p2 $0x1A700, s24  }
0xb6: {  	[tilespmem:s24], [sflag:s23] =	stream.linear.gather @!p2 [hbm4b:s25+s29], $0xFA0, $0x200038;
	[tilespmem:$0x1C680] =	vst v63  }
0xb7: {  	s23 =	sand.u32 $0x1, s19;
	_ =	strace @!p2 $0x9000005F  }
0xb8: {  	s25 =	sadd.s32 $0x1, s23;
	_ =	strace $0x80000060  }
0xb9: {  	_ =	swait.ge [sflag:s25], $0xFA0  }
0xba: {  	[sflag:s25] =	ssyncset.done $0x0  }
0xbb: {  	[sflag:s25] =	ssyncadd.s32 $0xFFFFF060  }
0xbc: {  	s30 =	sand.u32 $0x1, s17;
	_ =	strace $0x90000060  }
0xbd: {  	s31 =	sadd.s32 $0x3, s30;
	_ =	strace $0x80000061  }
0xbe: {  	_ =	swait.ge [sflag:s31], $0xFA0  }
0xbf: {  	[sflag:s31] =	ssyncset.done $0x0  }
0xc0: {  	p3 =	seq.s32 s30, $0x1;
	s28 =	simm.s32 $0xFA0;
	[sflag:s31] =	ssyncadd.s32 $0xFFFFF060  }
0xc1: {  	s28 =	simm.s32 @!p3 $0x0;
	_ =	strace $0x90000061  }
0xc2: {  	s24 =	sadd.s32 $0x1A720, s28;
	_ =	strace $0x80000062  }
0xc3: {  	v4 =	vld [tilespmem:s24+$0x10]  }
0xc4: {  	s29 =	simm.s32 $0xFA0;
	p3 =	seq.s32 s23, $0x1;
	v18 =	vld [tilespmem:s24+$0x0]  }
0xc5: {  	s29 =	simm.s32 @!p3 $0x0;
	v19 =	vld [tilespmem:s24+$0xFFFFFFF0]  }
0xc6: {  	s25 =	sadd.s32 $0x187A0, s29;
	v6 =	vld [tilespmem:s24+$0xFFFFFFE0]  }
0xc7: {  	v1 =	vld [tilespmem:s25+$0xFFFFFFE0]  }
0xc8: {  	v3 =	vld [tilespmem:s25+$0x0]  }
0xc9: {  	v2 =	vld [tilespmem:s25+$0xFFFFFFF0];
	v5 =	vadd.s32 $0x3A98, v4  }
0xca: {  	v9 =	vld [tilespmem:s25+$0x10];
	v7 =	vadd.s32 $0x2710, v4  }
0xcb: {  	v10 =	vadd.s32 $0x3A98, v18;
	v16 =	vld.idx.msk [tilespmem:v4+s13+$0x0], $0xffff  }
0xcc: {  	v12 =	vadd.s32 $0x3A98, v19;
	v14 =	vld.idx.msk [tilespmem:v18+s13+$0x0], $0xffff  }
0xcd: {  	v13 =	vadd.s32 $0x3A98, v6;
	v15 =	vld.idx.msk [tilespmem:v19+s13+$0x0], $0xffff  }
0xce: {  	v20 =	vadd.s32 $0x2710, v18;
	v8 =	vld.idx.msk [tilespmem:v5+s13+$0x0], $0xffff  }
0xcf: {  	v17 =	vadd.s32 $0x1388, v4;
	v11 =	vld.idx.msk [tilespmem:v7+s13+$0x0], $0xffff  }
0xd0: {  	v21 =	vadd.s32 $0x1388, v19;
	v7 =	vld.idx.msk [tilespmem:v10+s13+$0x0], $0xffff  }
0xd1: {  	v22 =	vadd.s32 $0x2710, v6;
	v5 =	vld.idx.msk [tilespmem:v12+s13+$0x0], $0xffff  }
0xd2: {  	v23 =	vadd.s32 $0x1388, v6;
	v4 =	vld.idx.msk [tilespmem:v13+s13+$0x0], $0xffff  }
0xd3: {  	v12 =	vld.idx.msk [tilespmem:v20+s13+$0x0], $0xffff;
	v20 =	vadd.s32 $0x1388, v18  }
0xd4: {  	p1 =	por !p1, p0;
	s30 =	sadd.s32 @!p2 $0x1, s16;
	v17 =	vld.idx.msk [tilespmem:v17+s13+$0x0], $0xffff  }
0xd5: {  	s26 =	smov.u32 s16;
	s16 =	smov.u32 @p1 s30;
	s23 =	simm.s32 $0x0;
	v19 =	vadd.s32 $0x2710, v19;
	v10 =	vld.idx.msk [tilespmem:v21+s13+$0x0], $0xffff  }
0xd6: {  	s16 =	smov.u32 @p0 s26;
	s28 =	sshll.u32 s28, $0x2;
	s23 =	simm.s32 @p1 $0x1;
	v13 =	vld.idx.msk [tilespmem:v22+s13+$0x0], $0xffff  }
0xd7: {  	s23 =	simm.s32 @p0 $0x0;
	s26 =	sshll.u32 s29, $0x2;
	s29 =	simm.s32 $0x0;
	v18 =	vld.idx.msk [tilespmem:v23+s13+$0x0], $0xffff  }
.LBB2_13:
0xd8: {  	s29 =	sadd.s32 $0x40, s29;
	v20 =	vld.idx.msk [tilespmem:v20+s13+$0x0], $0xffff;
	s25 =	sadd.s32 $0x40, s25;
	s24 =	sadd.s32 $0x40, s24  }
0xd9: {  	v21 =	vadd.s32 $0x2710, v3;
	p1 =	slt.u32 s29, $0xF40;
	[tilespmem:v9+s14+$0x0] =	vst.idx.add.f32.msk $0xffff, v16  }
0xda: {  	v16 =	vld.idx.msk [tilespmem:v19+s13+$0x0], $0xffff;
	v19 =	vadd.s32 $0x2710, v9  }
0xdb: {  	v22 =	vadd.s32 $0x4E20, v9;
	v6 =	vld.idx.msk [tilespmem:v6+s13+$0x0], $0xffff  }
0xdc: {  	[tilespmem:v2+s14+$0x0] =	vst.idx.add.f32.msk $0xffff, v15  }
0xdd: {  	v15 =	vadd.s32 $0x2710, v1;
	[tilespmem:v3+s14+$0x0] =	vst.idx.add.f32.msk $0xffff, v14  }
0xde: {  	v9 =	vadd.s32 $0x7530, v9;
	[tilespmem:v21+s14+$0x0] =	vst.idx.add.f32.msk $0xffff, v20  }
0xdf: {  	v14 =	vadd.s32 $0x4E20, v3;
	[tilespmem:v19+s14+$0x0] =	vst.idx.add.f32.msk $0xffff, v17  }
0xe0: {  	v3 =	vadd.s32 $0x7530, v3;
	[tilespmem:v22+s14+$0x0] =	vst.idx.add.f32.msk $0xffff, v11  }
0xe1: {  	[tilespmem:v1+s14+$0x0] =	vst.idx.add.f32.msk $0xffff, v6;
	v6 =	vadd.s32 $0x2710, v2  }
0xe2: {  	v11 =	vadd.s32 $0x4E20, v1;
	[tilespmem:v15+s14+$0x0] =	vst.idx.add.f32.msk $0xffff, v18  }
0xe3: {  	v15 =	vadd.s32 $0x4E20, v2;
	[tilespmem:v9+s14+$0x0] =	vst.idx.add.f32.msk $0xffff, v8  }
0xe4: {  	v1 =	vadd.s32 $0x7530, v1;
	v2 =	vadd.s32 $0x7530, v2;
	[tilespmem:v14+s14+$0x0] =	vst.idx.add.f32.msk $0xffff, v12  }
0xe5: {  	[tilespmem:v3+s14+$0x0] =	vst.idx.add.f32.msk $0xffff, v7  }
0xe6: {  	[tilespmem:v6+s14+$0x0] =	vst.idx.add.f32.msk $0xffff, v10  }
0xe7: {  	[tilespmem:v11+s14+$0x0] =	vst.idx.add.f32.msk $0xffff, v13  }
0xe8: {  	[tilespmem:v15+s14+$0x0] =	vst.idx.add.f32.msk $0xffff, v16  }
0xe9: {  	[tilespmem:v2+s14+$0x0] =	vst.idx.add.f32.msk $0xffff, v5  }
0xea: {  	[tilespmem:v1+s14+$0x0] =	vst.idx.add.f32.msk $0xffff, v4  }
0xeb: {  	v4 =	vld [tilespmem:s24+$0x10]  }
0xec: {  	v5 =	vld [tilespmem:s24+$0x0]  }
0xed: {  	v7 =	vld [tilespmem:s24+$0xFFFFFFF0]  }
0xee: {  	v6 =	vld [tilespmem:s24+$0xFFFFFFE0]  }
0xef: {  	v1 =	vld [tilespmem:s25+$0xFFFFFFE0]  }
0xf0: {  	v3 =	vld [tilespmem:s25+$0x0];
	v10 =	vadd.s32 $0x1388, v4;
	v11 =	vadd.s32 $0x2710, v4;
	v8 =	vadd.s32 $0x3A98, v4  }
0xf1: {  	v2 =	vld [tilespmem:s25+$0xFFFFFFF0];
	v20 =	vadd.s32 $0x1388, v5;
	v12 =	vadd.s32 $0x2710, v5;
	v13 =	vadd.s32 $0x3A98, v5  }
0xf2: {  	v18 =	vadd.s32 $0x1388, v7;
	v19 =	vadd.s32 $0x2710, v7;
	v17 =	vadd.s32 $0x3A98, v7;
	v9 =	vld [tilespmem:s25+$0x10]  }
0xf3: {  	v21 =	vadd.s32 $0x1388, v6;
	v22 =	vadd.s32 $0x2710, v6;
	v23 =	vadd.s32 $0x3A98, v6;
	v16 =	vld.idx.msk [tilespmem:v4+s13+$0x0], $0xffff  }
0xf4: {  	v14 =	vld.idx.msk [tilespmem:v5+s13+$0x0], $0xffff  }
0xf5: {  	v15 =	vld.idx.msk [tilespmem:v7+s13+$0x0], $0xffff  }
0xf6: {  	v8 =	vld.idx.msk [tilespmem:v8+s13+$0x0], $0xffff  }
0xf7: {  	v11 =	vld.idx.msk [tilespmem:v11+s13+$0x0], $0xffff  }
0xf8: {  	v7 =	vld.idx.msk [tilespmem:v13+s13+$0x0], $0xffff  }
0xf9: {  	v5 =	vld.idx.msk [tilespmem:v17+s13+$0x0], $0xffff  }
0xfa: {  	v4 =	vld.idx.msk [tilespmem:v23+s13+$0x0], $0xffff  }
.Ltmp5:
0xfb: {  	v17 =	vld.idx.msk [tilespmem:v10+s13+$0x0], $0xffff;
	(pc) =	sbr.rel @p1 .LBB2_13-.Ltmp5, $4  }
0xfc: {  	v12 =	vld.idx.msk [tilespmem:v12+s13+$0x0], $0xffff  }
0xfd: {  	v10 =	vld.idx.msk [tilespmem:v18+s13+$0x0], $0xffff  }
0xfe: {  	v13 =	vld.idx.msk [tilespmem:v22+s13+$0x0], $0xffff  }
0xff: {  	v18 =	vld.idx.msk [tilespmem:v21+s13+$0x0], $0xffff  }
0x100: {  	_ =	sdelay $0x3  }
0x101: {  	v20 =	vld.idx.msk [tilespmem:v20+s13+$0x0], $0xffff  }
0x102: {  	v21 =	vadd.s32 $0x2710, v3;
	[tilespmem:v9+s14+$0x0] =	vst.idx.add.f32.msk $0xffff, v16  }
0x103: {  	v56 =	vld.idx.msk [tilespmem:v19+s13+$0x0], $0xffff;
	v57 =	vadd.s32 $0x2710, v9  }
0x104: {  	v6 =	vld.idx.msk [tilespmem:v6+s13+$0x0], $0xffff  }
0x105: {  	[tilespmem:v2+s14+$0x0] =	vst.idx.add.f32.msk $0xffff, v15;
	v61 =	vadd.s32 $0x2710, v2  }
0x106: {  	v22 =	vadd.s32 $0x4E20, v9;
	[tilespmem:v3+s14+$0x0] =	vst.idx.add.f32.msk $0xffff, v14  }
0x107: {  	v58 =	vadd.s32 $0x2710, v1;
	[tilespmem:v21+s14+$0x0] =	vst.idx.add.f32.msk $0xffff, v20  }
0x108: {  	v60 =	vadd.s32 $0x4E20, v3;
	[tilespmem:v57+s14+$0x0] =	vst.idx.add.f32.msk $0xffff, v17  }
0x109: {  	v63 =	vadd.s32 $0x4E20, v2;
	[tilespmem:v1+s14+$0x0] =	vst.idx.add.f32.msk $0xffff, v6  }
0x10a: {  	v59 =	vadd.s32 $0x7530, v9;
	[tilespmem:v61+s14+$0x0] =	vst.idx.add.f32.msk $0xffff, v10  }
0x10b: {  	v3 =	vadd.s32 $0x7530, v3;
	[tilespmem:v22+s14+$0x0] =	vst.idx.add.f32.msk $0xffff, v11  }
0x10c: {  	v62 =	vadd.s32 $0x4E20, v1;
	[tilespmem:v58+s14+$0x0] =	vst.idx.add.f32.msk $0xffff, v18  }
0x10d: {  	v2 =	vadd.s32 $0x7530, v2;
	[tilespmem:v60+s14+$0x0] =	vst.idx.add.f32.msk $0xffff, v12  }
0x10e: {  	v1 =	vadd.s32 $0x7530, v1;
	[tilespmem:v63+s14+$0x0] =	vst.idx.add.f32.msk $0xffff, v56  }
0x10f: {  	[tilespmem:v59+s14+$0x0] =	vst.idx.add.f32.msk $0xffff, v8  }
0x110: {  	[tilespmem:v3+s14+$0x0] =	vst.idx.add.f32.msk $0xffff, v7  }
0x111: {  	[tilespmem:v62+s14+$0x0] =	vst.idx.add.f32.msk $0xffff, v13  }
0x112: {  	s24 =	sshrl.u32 s28, $0x2;
	s25 =	sshrl.u32 s26, $0x2;
	[tilespmem:v2+s14+$0x0] =	vst.idx.add.f32.msk $0xffff, v5  }
0x113: {  	s26 =	simm.s32 $0xF70;
	s24 =	sadd.s32 $0x1B680, s24;
	s25 =	sadd.s32 $0x19700, s25;
	[tilespmem:v1+s14+$0x0] =	vst.idx.add.f32.msk $0xffff, v4  }
.LBB2_15:
0x114: {  	v1 =	vld [tilespmem:s24+$0x0];
	_ =	sdelay $0x4  }
0x115: {  	v2 =	vld [tilespmem:s25+$0x0];
	v3 =	vadd.s32 $0x1388, v1  }
0x116: {  	v4 =	vadd.s32 $0x2710, v1  }
0x117: {  	v5 =	vadd.s32 $0x3A98, v1;
	_ =	sdelay $0x1  }
0x118: {  	v1 =	vld.idx.msk [tilespmem:v1+s13+$0x0], $0xffff  }
0x119: {  	v6 =	vadd.s32 $0x2710, v2;
	v3 =	vld.idx.msk [tilespmem:v3+s13+$0x0], $0xffff  }
0x11a: {  	s26 =	sadd.s32 $0x10, s26;
	v7 =	vadd.s32 $0x4E20, v2;
	v4 =	vld.idx.msk [tilespmem:v4+s13+$0x0], $0xffff  }
0x11b: {  	p1 =	slt.u32 s26, $0xF90;
	v8 =	vadd.s32 $0x7530, v2;
	v5 =	vld.idx.msk [tilespmem:v5+s13+$0x0], $0xffff  }
.Ltmp6:
0x11c: {  	_ = 	snop;
	(pc) =	sbr.rel @p1 .LBB2_15-.Ltmp6, $4  }
0x11d: {  	[tilespmem:v2+s14+$0x0] =	vst.idx.add.f32.msk $0xffff, v1  }
0x11e: {  	[tilespmem:v6+s14+$0x0] =	vst.idx.add.f32.msk $0xffff, v3  }
0x11f: {  	[tilespmem:v7+s14+$0x0] =	vst.idx.add.f32.msk $0xffff, v4  }
0x120: {  	s24 =	sadd.s32 $0x10, s24;
	s25 =	sadd.s32 $0x10, s25;
	[tilespmem:v8+s14+$0x0] =	vst.idx.add.f32.msk $0xffff, v5  }
0x121: {  	p1 =	sne.s32 s21, s22  }
0x122: {  	s21 =	simm.s32 $0x1;
	s20 =	sadd.s32 $0x1, s20;
	p0 =	por p0, p1  }
0x123: {  	s21 =	simm.s32 @!p0 $0x0;
	p0 =	sne.s32 s20, $0xA0  }
.Ltmp7:
0x124: {  	_ = 	snop;
	(pc) =	sbr.rel @p0 .LBB2_12-.Ltmp7, $3  }
0x125: {  	_ =	sdelay $0x1  }
0x126: {  	s18 =	sadd.s32 s18, s23;
	_ =	strace $0x90000062  }
0x127: {  	s19 =	sadd.s32 s21, s19;
	s17 =	sadd.s32 s21, s17;
	s21 =	smov.u32 s22  }
0x128: {  	s15 =	sadd.s32 $0x1, s15  }
0x129: {  	p0 =	sne.s32 s15, s7  }
.Ltmp8:
0x12a: {  	_ = 	snop;
	(pc) =	sbr.rel @p0 .LBB2_1-.Ltmp8, $4  }
0x12b: {  	[hbm4b:s6+s8] =	stream.strided.scatter [tilespmem:s14], [sflag:$0x1], $0x9C80, s9, s8, $0x38;
	[tilespmem:$0x1C680] =	vst v63  }
0x12c: {  	_ =	swait.ge [sflag:s10], $0x9C80  }
0x12d: {  	[sflag:s10] =	ssyncset.done $0x0  }
0x12e: {  	[sflag:s10] =	ssyncadd.s32 $0xFFFF6380  }
0x12f: {  	_ =	sfence.sel $0x180000  }
0x130: {  	[bflag:$0x0] =	sbarrier.arrive $0xFFFF  }
0x131: {  	p0 =	sne.s32 s0, $0x0;
	_ =	strace $0x90000056  }
0x132: {  	s0 =	sadd.s32 @!p0 $0x100000, s2;
	[bflag:$0x2] =	sbarrier.arrive $0xFFFF  }
0x133: {  	[sflag:s0] =	ssyncadd.tile.s32 @!p0 $0x1;
	_ =	shalt  }
.Lfunc_end2:
_tile_overlayer_lowered:
.L_overlay_start_2:
0x134: {  	(tag) =	ssettag $0x2  }
0x135: {  	s0 =	rddreg [dreg:$0x0];
	s2 =	stileid.u32  }
0x136: {  	s1 =	rddreg [dreg:$0x1];
	p0 =	sne.s32 s2, $0x0  }
0x137: {  	s3 =	rddreg [dreg:$0x2];
	[bflag:$0x3] =	sbarrier.arrive $0xFFFF;
	s2 =	simm.s32 @!p0 $0x1C01  }
0x138: {  	[timem:s3], [sflag:s2] =	dma.local @!p0 [hbm:s0], s1  }
0x139: {  	s0 =	simm.s32 @!p0 $0x1  }
0x13a: {  	_ =	swait.ge @!p0 [sflag:s0], s1  }
0x13b: {  	s1 =	ssub.s32 @!p0 $0x0, s1;
	[sflag:s0] =	ssyncset.done @!p0 $0x0  }
0x13c: {  	[sflag:s0] =	ssyncadd.s32 @!p0 s1  }
0x13d: {  	[bflag:$0x3] =	sbarrier.arrive $0xFFFF  }
0x13e: {  	_ =	shalt  }

</sc_bundles>
